<compile_context>
chip_gen: v7x
topology: tpu7x:2x2x1
jax: 0.10.2.dev20260603
libtpu: 0.0.44.dev20260713+nightly
codegen_flags: <defaults>
</compile_context>

<pallas_src>
import functools

import jax
import jax.numpy as jnp
from jax import lax
from jax.experimental import pallas as pl
from jax.experimental.pallas import tpu as pltpu
from jax.experimental.pallas import tpu_sc as plsc

B, S, H = 1, 2048, 1024
I = 512
E = 16
K = 4
G = 4
EPG = E // G
TG = 2
SCALE = 2.5
T = B * S
TM = 256
NP = (T * K) // TM + E
P = NP * TM
NEG = -1e30



def _gate_body(x_ref, gwt_ref, bias_ref, pos_ref, w_ref, eid_ref, vld_ref):
    x = x_ref[...]
    logits = jnp.dot(x, gwt_ref[...], preferred_element_type=jnp.float32)
    scores = 1.0 / (1.0 + jnp.exp(-logits))
    sfc = scores + bias_ref[...]
    lane = jax.lax.broadcasted_iota(jnp.int32, (T, E), 1)

    gs = jnp.zeros((T, G), jnp.float32)
    lane4 = jax.lax.broadcasted_iota(jnp.int32, (T, G), 1)
    for g in range(G):
        m = (lane // EPG) == g
        vals = jnp.where(m, sfc, NEG)
        m1 = jnp.max(vals, axis=-1, keepdims=True)
        idx1 = jnp.min(jnp.where((vals == m1) & m, lane, E), axis=-1,
                       keepdims=True)
        m2 = jnp.max(jnp.where(lane == idx1, NEG, vals), axis=-1,
                     keepdims=True)
        gs = gs + jnp.where(lane4 == g, m1 + m2, 0.0)

    g1v = jnp.max(gs, axis=-1, keepdims=True)
    g1 = jnp.min(jnp.where(gs == g1v, lane4, G), axis=-1, keepdims=True)
    gs2 = jnp.where(lane4 == g1, NEG, gs)
    g2v = jnp.max(gs2, axis=-1, keepdims=True)
    g2 = jnp.min(jnp.where(gs2 == g2v, lane4, G), axis=-1, keepdims=True)
    grp = lane // EPG
    smask = (grp == g1) | (grp == g2)
    tmp = jnp.where(smask, sfc, 0.0)

    oh_k = []
    w_cols = jnp.zeros((T, E), jnp.float32)
    cur = tmp
    for k in range(K):
        mk = jnp.max(cur, axis=-1, keepdims=True)
        ik = jnp.min(jnp.where(cur == mk, lane, E), axis=-1, keepdims=True)
        sel = (lane == ik)
        wk = jnp.sum(jnp.where(sel, scores, 0.0), axis=-1, keepdims=True)
        oh_k.append(sel.astype(jnp.float32))
        w_cols = w_cols + jnp.where(lane == k, wk, 0.0)
        cur = jnp.where(sel, NEG, cur)
    wsum = jnp.sum(jnp.where(lane < K, w_cols, 0.0), axis=-1, keepdims=True)
    w_ref[...] = w_cols / (wsum + 1e-20) * SCALE

    OH = oh_k[0] + oh_k[1] + oh_k[2] + oh_k[3]
    ii = jax.lax.broadcasted_iota(jnp.int32, (T, T), 0)
    jj = jax.lax.broadcasted_iota(jnp.int32, (T, T), 1)
    Lstrict = (jj < ii).astype(jnp.float32)
    CUM = jnp.dot(Lstrict, OH, preferred_element_type=jnp.float32)
    counts_row = jnp.sum(OH, axis=0, keepdims=True)
    cnt_pad_row = jnp.ceil(counts_row / TM) * TM
    ei = jax.lax.broadcasted_iota(jnp.int32, (E, E), 0)
    ej = jax.lax.broadcasted_iota(jnp.int32, (E, E), 1)
    offs_row = jnp.sum(jnp.where(ei < ej, cnt_pad_row.T, 0.0), axis=0,
                       keepdims=True)
    base = offs_row + CUM
    for k in range(K):
        p = jnp.sum(oh_k[k] * base, axis=-1, keepdims=True)
        pos_ref[:, k:k + 1] = p.astype(jnp.int32)

    offs_col = jnp.sum(jnp.where(ej < ei, cnt_pad_row, 0.0), axis=1,
                       keepdims=True)
    cnt_pad_col = jnp.sum(jnp.where(ei == ej, cnt_pad_row, 0.0), axis=1,
                          keepdims=True)
    ends_col = offs_col + cnt_pad_col
    ti = jax.lax.broadcasted_iota(jnp.int32, (E, 128), 1).astype(jnp.float32)
    cmp = (ti * TM >= ends_col).astype(jnp.int32)
    eid = jnp.minimum(jnp.sum(cmp, axis=0, keepdims=True), E - 1)
    used_end_col = offs_col + jnp.sum(jnp.where(ei == ej, counts_row, 0.0),
                                      axis=1, keepdims=True)
    oh2 = (eid == jax.lax.broadcasted_iota(jnp.int32, (E, 128), 0))
    valid = jnp.sum(jnp.where(oh2 & (ti * TM < used_end_col), 1, 0),
                    axis=0, keepdims=True)
    eid_ref[...] = eid.astype(jnp.int32)
    vld_ref[...] = valid.astype(jnp.int32)


def _gate_call(x2, gwt, bias2):
    return pl.pallas_call(
        _gate_body,
        out_shape=[
            jax.ShapeDtypeStruct((T, K), jnp.int32),
            jax.ShapeDtypeStruct((T, E), jnp.float32),
            jax.ShapeDtypeStruct((1, 128), jnp.int32),
            jax.ShapeDtypeStruct((1, 128), jnp.int32),
        ],
    )(x2, gwt, bias2)



def _silu(x):
    return x / (1.0 + jnp.exp(-x))


def _ffn_body(eid_ref, x_ref, gp_ref, up_ref, dp_ref, o_ref):
    i = pl.program_id(0)

    @pl.when(eid_ref[64 + i] > 0)
    def _():
        x = x_ref[...]
        h1 = jax.lax.dot_general(x, gp_ref[0], (((1,), (1,)), ((), ())),
                                 preferred_element_type=jnp.float32)
        h2 = jax.lax.dot_general(x, up_ref[0], (((1,), (1,)), ((), ())),
                                 preferred_element_type=jnp.float32)
        act = _silu(h1) * h2
        o_ref[...] = jax.lax.dot_general(act, dp_ref[0],
                                         (((1,), (1,)), ((), ())),
                                         preferred_element_type=jnp.float32)


def _ffn_call(eid, xs, gp, up, dp):
    grid_spec = pltpu.PrefetchScalarGridSpec(
        num_scalar_prefetch=1,
        grid=(NP,),
        in_specs=[
            pl.BlockSpec((TM, H), lambda i, eid: (i, 0)),
            pl.BlockSpec((1, I, H), lambda i, eid: (eid[i], 0, 0)),
            pl.BlockSpec((1, I, H), lambda i, eid: (eid[i], 0, 0)),
            pl.BlockSpec((1, H, I), lambda i, eid: (eid[i], 0, 0)),
        ],
        out_specs=pl.BlockSpec((TM, H), lambda i, eid: (i, 0)),
    )
    return pl.pallas_call(
        _ffn_body,
        grid_spec=grid_spec,
        out_shape=jax.ShapeDtypeStruct((P, H), jnp.float32),
    )(eid, xs, gp, up, dp)



def _shared_body(x_ref, gw_ref, uw_ref, dw_ref, o_ref):
    x = x_ref[...]
    sg = jax.lax.dot_general(x, gw_ref[...], (((1,), (1,)), ((), ())),
                             preferred_element_type=jnp.float32)
    su = jax.lax.dot_general(x, uw_ref[...], (((1,), (1,)), ((), ())),
                             preferred_element_type=jnp.float32)
    act = _silu(sg) * su
    o_ref[...] = jax.lax.dot_general(act, dw_ref[...], (((1,), (1,)), ((), ())),
                                     preferred_element_type=jnp.float32)


def _combine_body(sh_ref, ysg_ref, w_ref, o_ref):
    out = sh_ref[...]
    for k in range(K):
        out = out + w_ref[:, k:k + 1] * ysg_ref[k]
    o_ref[...] = out


def _combine_call(shared, ysg, w16):
    TS = 512
    return pl.pallas_call(
        _combine_body,
        grid=(T // TS,),
        in_specs=[
            pl.BlockSpec((TS, H), lambda i: (i, 0)),
            pl.BlockSpec((K, TS, H), lambda i: (0, i, 0)),
            pl.BlockSpec((TS, E), lambda i: (i, 0)),
        ],
        out_specs=pl.BlockSpec((TS, H), lambda i: (i, 0)),
        out_shape=jax.ShapeDtypeStruct((T, H), jnp.float32),
    )(shared, ysg, w16)


def _shared_call(x2, gw, uw, dw):
    TS = 256
    return pl.pallas_call(
        _shared_body,
        grid=(T // TS,),
        in_specs=[
            pl.BlockSpec((TS, H), lambda i: (i, 0)),
            pl.BlockSpec((I, H), lambda i: (0, 0)),
            pl.BlockSpec((I, H), lambda i: (0, 0)),
            pl.BlockSpec((H, I), lambda i: (0, 0)),
        ],
        out_specs=pl.BlockSpec((TS, H), lambda i: (i, 0)),
        out_shape=jax.ShapeDtypeStruct((T, H), jnp.float32),
    )(x2, gw, uw, dw)



_SC_MESH = plsc.VectorSubcoreMesh(core_axis_name="c", subcore_axis_name="s")
_NW = 32
_CH = 32
_NCH = 256 // _CH


def _dispatch_body(x2_hbm, postr_hbm, xs_hbm, xb0, xb1, iball, sem0, sem1):
    wid = lax.axis_index("s") * 2 + lax.axis_index("c")
    stripe = wid % 8
    xbufs, sems = (xb0, xb1), (sem0, sem1)
    pltpu.sync_copy(postr_hbm.at[wid], iball)
    pend = [None, None]
    for c in range(_NCH):
        tb = stripe * 256 + c * _CH
        xb, sm = xbufs[c % 2], sems[c % 2]
        if pend[c % 2] is not None:
            pend[c % 2].wait()
        pltpu.sync_copy(x2_hbm.at[pl.ds(tb, _CH)], xb)
        pend[c % 2] = pltpu.async_copy(xb, xs_hbm.at[iball.at[c]], sm)
    for d in pend:
        if d is not None:
            d.wait()


@functools.partial(
    pl.kernel,
    out_type=jax.ShapeDtypeStruct((P, H), jnp.float32),
    mesh=_SC_MESH,
    scratch_types=[
        pltpu.VMEM((_CH, H), jnp.float32),
        pltpu.VMEM((_CH, H), jnp.float32),
        pltpu.VMEM((_NCH, _CH), jnp.int32),
        pltpu.SemaphoreType.DMA,
        pltpu.SemaphoreType.DMA,
    ],
)
def _dispatch_sc(x2, postr, xs, xb0, xb1, iball, sem0, sem1):
    _dispatch_body(x2, postr, xs, xb0, xb1, iball, sem0, sem1)


def _gather_body(ys_hbm, postr_hbm, ysg_hbm, gb0, gb1, iball, sem0, sem1,
                 wsem0, wsem1):
    wid = lax.axis_index("s") * 2 + lax.axis_index("c")
    k = wid // 8
    stripe = wid % 8
    gbufs, gsems, wsems = (gb0, gb1), (sem0, sem1), (wsem0, wsem1)
    pltpu.sync_copy(postr_hbm.at[wid], iball)
    pg = [None, None]
    pw = [None, None]
    pg[0] = pltpu.async_copy(ys_hbm.at[iball.at[0]], gb0, sem0)
    pg[1] = pltpu.async_copy(ys_hbm.at[iball.at[1]], gb1, sem1)
    for c in range(_NCH):
        tb = stripe * 256 + c * _CH
        gb = gbufs[c % 2]
        pg[c % 2].wait()
        pw[c % 2] = pltpu.async_copy(gb, ysg_hbm.at[k, pl.ds(tb, _CH)],
                                     wsems[c % 2])
        if c + 2 < _NCH:
            pw[c % 2].wait()
            pg[c % 2] = pltpu.async_copy(ys_hbm.at[iball.at[c + 2]], gb,
                                         gsems[c % 2])
    pw[(_NCH - 2) % 2].wait()
    pw[(_NCH - 1) % 2].wait()


@functools.partial(
    pl.kernel,
    out_type=jax.ShapeDtypeStruct((K, T, H), jnp.float32),
    mesh=_SC_MESH,
    scratch_types=[
        pltpu.VMEM((_CH, H), jnp.float32),
        pltpu.VMEM((_CH, H), jnp.float32),
        pltpu.VMEM((_NCH, _CH), jnp.int32),
        pltpu.SemaphoreType.DMA,
        pltpu.SemaphoreType.DMA,
        pltpu.SemaphoreType.DMA,
        pltpu.SemaphoreType.DMA,
    ],
)
def _gather_sc(ys, postr, ysg, gb0, gb1, iball, sem0, sem1, wsem0, wsem1):
    _gather_body(ys, postr, ysg, gb0, gb1, iball, sem0, sem1, wsem0, wsem1)


def kernel(hidden_states, gate_weight, e_score_correction_bias, gate_proj,
           up_proj, down_proj, shared_gate_w, shared_up_w, shared_down_w):
    x2 = hidden_states.reshape(T, H)
    pos, w16, eid_pad, vld_pad = _gate_call(x2, gate_weight.T,
                                            e_score_correction_bias.reshape(1, E))
    eid = jnp.concatenate([eid_pad[0, :64], vld_pad[0, :64]])
    post = pos.T

    postr = post.reshape(_NW, _NCH, _CH)
    xs = _dispatch_sc(x2, postr)
    shared = _shared_call(x2, shared_gate_w, shared_up_w, shared_down_w)
    ys = _ffn_call(eid, xs, gate_proj, up_proj, down_proj)
    ysg = _gather_sc(ys, postr)
    out = _combine_call(shared, ysg, w16)
    return out.reshape(B, S, H)

# --- scband reference (transcript-rebuilt; emitter-appended) ---
"""Pipeline reference for scband-model-new-4647154615146 (READ-ONLY COPY).

The authoritative reference and input builder live on the scoring server;
editing this copy changes nothing except your own understanding.
"""

import jax, jax.numpy as jnp
import numpy as np

B, S, H = 1, 2048, 1024
I = 512
E = 16
K = 4
G = 4
TG = 2
SCALE = 2.5


def setup_inputs(seed: int = 0) -> dict:
    key = jax.random.key(seed)
    ks = jax.random.split(key, 9)
    return {
        "hidden_states": jax.random.normal(ks[0], (B, S, H), dtype=jnp.float32),
        "gate_weight": jax.random.normal(ks[1], (E, H), dtype=jnp.float32) * 0.05,
        "e_score_correction_bias": jnp.zeros((E,), dtype=jnp.float32),
        "gate_proj": jax.random.normal(ks[2], (E, I, H), dtype=jnp.float32) * 0.02,
        "up_proj": jax.random.normal(ks[3], (E, I, H), dtype=jnp.float32) * 0.02,
        "down_proj": jax.random.normal(ks[4], (E, H, I), dtype=jnp.float32) * 0.02,
        "shared_gate_w": jax.random.normal(ks[5], (I, H), dtype=jnp.float32) * 0.02,
        "shared_up_w": jax.random.normal(ks[6], (I, H), dtype=jnp.float32) * 0.02,
        "shared_down_w": jax.random.normal(ks[7], (H, I), dtype=jnp.float32) * 0.02,
    }


def _gate(x2, gate_weight, e_bias):
    T = x2.shape[0]
    logits = x2 @ gate_weight.T
    scores = jax.nn.sigmoid(logits)
    sfc = scores + e_bias[None, :]
    group_scores = jax.lax.top_k(sfc.reshape(T, G, E // G), 2)[0].sum(axis=-1)  # [T, G]
    group_idx = jax.lax.top_k(group_scores, TG)[1]  # [T, TG]
    group_mask = jnp.sum(jax.nn.one_hot(group_idx, G, dtype=sfc.dtype), axis=1)  # [T, G]
    score_mask = jnp.repeat(group_mask, E // G, axis=1)  # [T, E]
    tmp_scores = jnp.where(score_mask > 0, sfc, 0.0)
    topk_idx = jax.lax.top_k(tmp_scores, K)[1]  # [T, K]
    topk_w = jnp.take_along_axis(scores, topk_idx, axis=1)  # [T, K]
    topk_w = topk_w / (topk_w.sum(axis=-1, keepdims=True) + 1e-20)
    topk_w = topk_w * SCALE
    return topk_idx, topk_w


def _moe(hidden_states, gate_weight, e_bias, gate_proj, up_proj, down_proj,
         shared_gate_w, shared_up_w, shared_down_w):
    b, s, h = hidden_states.shape
    x2 = hidden_states.reshape(-1, h)
    T = x2.shape[0]
    topk_idx, topk_w = _gate(x2, gate_weight, e_bias)
    # scatter topk weights into a dense [T, E] combine matrix (math-equivalent dispatch/combine)
    combine = jnp.zeros((T, E), dtype=x2.dtype).at[jnp.arange(T)[:, None], topk_idx].add(topk_w)
    # expert FFN: silu(x W_g^T) * (x W_u^T) -> W_d^T, computed densely for all experts
    h1 = jnp.einsum('th,eih->eti', x2, gate_proj)
    h2 = jnp.einsum('th,eih->eti', x2, up_proj)
    act = jax.nn.silu(h1) * h2
    expert_out = jnp.einsum('eti,ehi->eth', act, down_proj)  # [E, T, H]
    routed = jnp.einsum('eth,te->th', expert_out, combine)  # weighted top-k sum
    # shared expert (n_shared_experts = 1)
    sg = x2 @ shared_gate_w.T
    su = x2 @ shared_up_w.T
    shared = (jax.nn.silu(sg) * su) @ shared_down_w.T
    out = routed + shared
    return out.reshape(b, s, h)


def reference(hidden_states, gate_weight, e_score_correction_bias, gate_proj, up_proj,
              down_proj, shared_gate_w, shared_up_w, shared_down_w):
    return _moe(hidden_states, gate_weight, e_score_correction_bias, gate_proj, up_proj,
                down_proj, shared_gate_w, shared_up_w, shared_down_w)

if __name__ == "__main__":
    import jax
    _d = setup_inputs()
    print(jax.jit(kernel)(*tuple(_d.values())))

</pallas_src>

<mosaic_0001>
#map = affine_map<(d0, d1) -> (0, 0)>
#map1 = affine_map<(d0, d1) -> (0, 0, 0)>
module attributes {stable_mosaic.version = 14 : i64} {
  func.func @_gather_sc(%arg0: i32, %arg1: i32, %arg2: memref<12288x1024xf32, #tpu.memory_space<hbm>>, %arg3: memref<32x8x32xi32, #tpu.memory_space<hbm>>, %arg4: memref<4x2048x1024xf32, #tpu.memory_space<hbm>>, %arg5: memref<32x1024xf32, #tpu.memory_space<vmem>>, %arg6: memref<32x1024xf32, #tpu.memory_space<vmem>>, %arg7: memref<8x32xi32, #tpu.memory_space<vmem>>, %arg8: memref<!tpu.dma_semaphore, #tpu.memory_space<semaphore_mem>>, %arg9: memref<!tpu.dma_semaphore, #tpu.memory_space<semaphore_mem>>, %arg10: memref<!tpu.dma_semaphore, #tpu.memory_space<semaphore_mem>>, %arg11: memref<!tpu.dma_semaphore, #tpu.memory_space<semaphore_mem>>) attributes {dimension_semantics = [#tpu.dimension_semantics<core_parallel>, #tpu.dimension_semantics<subcore_parallel>], iteration_bounds = array<i64: 2, 16>, scalar_prefetch = 0 : i64, scratch_operands = 7 : i64, tpu.core_type = #tpu.core_type<sc_vector_subcore>, window_params = [{transform_indices = #map}, {transform_indices = #map1}, {transform_indices = #map1}]} {
    %mul3A = arith.constant 2 : i32
    %mul3A_0 = arith.muli %arg1, %mul3A : i32
    %add3A = arith.addi %mul3A_0, %arg0 : i32
    %jit3A = arith.constant 8 : i32
    %div3A = arith.divsi %add3A, %jit3A : i32
    %sign3A = arith.constant 0 : i32
    %sign3A_1 = arith.cmpi sgt, %add3A, %sign3A : i32
    %sign3A_2 = arith.extui %sign3A_1 : i1 to i32
    %sign3A_3 = arith.constant 0 : i32
    %sign3A_4 = arith.cmpi slt, %add3A, %sign3A_3 : i32
    %sign3A_5 = arith.extui %sign3A_4 : i1 to i32
    %sign3A_6 = arith.subi %sign3A_2, %sign3A_5 : i32
    %sign3A_7 = arith.constant 0 : i32
    %sign3A_8 = arith.cmpi sgt, %jit3A, %sign3A_7 : i32
    %sign3A_9 = arith.extui %sign3A_8 : i1 to i32
    %sign3A_10 = arith.constant 0 : i32
    %sign3A_11 = arith.cmpi slt, %jit3A, %sign3A_10 : i32
    %sign3A_12 = arith.extui %sign3A_11 : i1 to i32
    %sign3A_13 = arith.subi %sign3A_9, %sign3A_12 : i32
    %ne3A = arith.cmpi ne, %sign3A_6, %sign3A_13 : i32
    %rem3A = arith.remsi %add3A, %jit3A : i32
    %ne3A_14 = arith.constant 0 : i32
    %ne3A_15 = arith.cmpi ne, %rem3A, %ne3A_14 : i32
    %and3A = arith.andi %ne3A, %ne3A_15 : i1
    %sub3A = arith.constant 1 : i32
    %sub3A_16 = arith.subi %div3A, %sub3A : i32
    %select_n3A = arith.select %and3A, %sub3A_16, %div3A : i32
    %jit3A_17 = arith.constant 8 : i32
    %eq3A = arith.constant 0 : i32
    %eq3A_18 = arith.cmpi eq, %jit3A_17, %eq3A : i32
    %jit3A_19 = arith.constant 1 : i32
    %select_n3A_20 = arith.select %eq3A_18, %jit3A_19, %jit3A_17 : i32
    %rem3A_21 = arith.remsi %add3A, %select_n3A_20 : i32
    %ne3A_22 = arith.constant 0 : i32
    %ne3A_23 = arith.cmpi ne, %rem3A_21, %ne3A_22 : i32
    %lt3A = arith.constant 0 : i32
    %lt3A_24 = arith.cmpi slt, %rem3A_21, %lt3A : i32
    %lt3A_25 = arith.constant 0 : i32
    %lt3A_26 = arith.cmpi slt, %select_n3A_20, %lt3A_25 : i32
    %ne3A_27 = arith.xori %lt3A_24, %lt3A_26 : i1
    %and3A_28 = arith.andi %ne3A_27, %ne3A_23 : i1
    %add3A_29 = arith.addi %rem3A_21, %select_n3A_20 : i32
    %select_n3A_30 = arith.select %and3A_28, %add3A_29, %rem3A_21 : i32
    "tpu.region"() ({
      %run_scoped3A = tpu.sem_alloc : memref<!tpu.dma_semaphore, #tpu.memory_space<semaphore_mem>>
      %dma_start3A_269 = arith.constant 0 : i32
      %dma_start3A_270 = arith.constant 0 : i32
      %dma_start3A_271 = tpu.memref_slice %arg3[%add3A, %dma_start3A_269, %dma_start3A_270] : memref<32x8x32xi32, #tpu.memory_space<hbm>> -> memref<1x8x32xi32, #tpu.memory_space<hbm>>
      %dma_start3A_272 = tpu.memref_squeeze %dma_start3A_271 : memref<1x8x32xi32, #tpu.memory_space<hbm>> -> memref<8x32xi32, #tpu.memory_space<hbm>>
      %dma_start3A_273 = arith.constant 0 : i32
      %dma_start3A_274 = arith.constant 0 : i32
      %dma_start3A_275 = tpu.memref_slice %arg3[%add3A, %dma_start3A_273, %dma_start3A_274] : memref<32x8x32xi32, #tpu.memory_space<hbm>> -> memref<1x8x32xi32, #tpu.memory_space<hbm>>
      %dma_start3A_276 = tpu.memref_squeeze %dma_start3A_275 : memref<1x8x32xi32, #tpu.memory_space<hbm>> -> memref<8x32xi32, #tpu.memory_space<hbm>>
      tpu.enqueue_dma source(%dma_start3A_276 : memref<8x32xi32, #tpu.memory_space<hbm>>) target(%arg7 : memref<8x32xi32, #tpu.memory_space<vmem>>) target_semaphore(%run_scoped3A : memref<!tpu.dma_semaphore, #tpu.memory_space<semaphore_mem>>)
      %dma_wait3A_277 = arith.constant 0 : i32
      %dma_wait3A_278 = arith.constant 0 : i32
      %dma_wait3A_279 = tpu.memref_slice %arg3[%add3A, %dma_wait3A_277, %dma_wait3A_278] : memref<32x8x32xi32, #tpu.memory_space<hbm>> -> memref<1x8x32xi32, #tpu.memory_space<hbm>>
      %dma_wait3A_280 = tpu.memref_squeeze %dma_wait3A_279 : memref<1x8x32xi32, #tpu.memory_space<hbm>> -> memref<8x32xi32, #tpu.memory_space<hbm>>
      %dma_wait3A_281 = arith.constant 0 : i32
      %dma_wait3A_282 = arith.constant 0 : i32
      %dma_wait3A_283 = tpu.memref_slice %arg3[%add3A, %dma_wait3A_281, %dma_wait3A_282] : memref<32x8x32xi32, #tpu.memory_space<hbm>> -> memref<1x8x32xi32, #tpu.memory_space<hbm>>
      %dma_wait3A_284 = tpu.memref_squeeze %dma_wait3A_283 : memref<1x8x32xi32, #tpu.memory_space<hbm>> -> memref<8x32xi32, #tpu.memory_space<hbm>>
      tpu.wait_dma2 semaphore(%run_scoped3A : memref<!tpu.dma_semaphore, #tpu.memory_space<semaphore_mem>>) src(%dma_wait3A_284 : memref<8x32xi32, #tpu.memory_space<hbm>>) dst(%arg7 : memref<8x32xi32, #tpu.memory_space<vmem>>)
      tpu.yield
    }) : () -> ()
    %dma_start3A = arith.constant 0 : i32
    %dma_start3A_31 = arith.constant 0 : i32
    %dma_start3A_32 = tpu.memref_slice %arg7[%dma_start3A, %dma_start3A_31] : memref<8x32xi32, #tpu.memory_space<vmem>> -> memref<1x32xi32, #tpu.memory_space<vmem>>
    %dma_start3A_33 = tpu.memref_squeeze %dma_start3A_32 : memref<1x32xi32, #tpu.memory_space<vmem>> -> memref<32xi32, #tpu.memory_space<vmem>>
    %dma_start3A_34 = arith.constant 0 : i32
    %dma_start3A_35 = arith.constant 0 : i32
    %dma_start3A_36 = tpu.memref_slice %arg2[%dma_start3A_34, %dma_start3A_35] : memref<12288x1024xf32, #tpu.memory_space<hbm>> -> memref<12288x1024xf32, #tpu.memory_space<hbm>>
    tpu.enqueue_indirect_dma source(%dma_start3A_36 : memref<12288x1024xf32, #tpu.memory_space<hbm>>) target(%arg5 : memref<32x1024xf32, #tpu.memory_space<vmem>>) offsets(%dma_start3A_33 : memref<32xi32, #tpu.memory_space<vmem>>) semaphore(%arg8 : memref<!tpu.dma_semaphore, #tpu.memory_space<semaphore_mem>>)
    %dma_start3A_37 = arith.constant 1 : i32
    %dma_start3A_38 = arith.constant 0 : i32
    %dma_start3A_39 = tpu.memref_slice %arg7[%dma_start3A_37, %dma_start3A_38] : memref<8x32xi32, #tpu.memory_space<vmem>> -> memref<1x32xi32, #tpu.memory_space<vmem>>
    %dma_start3A_40 = tpu.memref_squeeze %dma_start3A_39 : memref<1x32xi32, #tpu.memory_space<vmem>> -> memref<32xi32, #tpu.memory_space<vmem>>
    %dma_start3A_41 = arith.constant 0 : i32
    %dma_start3A_42 = arith.constant 0 : i32
    %dma_start3A_43 = tpu.memref_slice %arg2[%dma_start3A_41, %dma_start3A_42] : memref<12288x1024xf32, #tpu.memory_space<hbm>> -> memref<12288x1024xf32, #tpu.memory_space<hbm>>
    tpu.enqueue_indirect_dma source(%dma_start3A_43 : memref<12288x1024xf32, #tpu.memory_space<hbm>>) target(%arg6 : memref<32x1024xf32, #tpu.memory_space<vmem>>) offsets(%dma_start3A_40 : memref<32xi32, #tpu.memory_space<vmem>>) semaphore(%arg9 : memref<!tpu.dma_semaphore, #tpu.memory_space<semaphore_mem>>)
    %mul3A_44 = arith.constant 256 : i32
    %mul3A_45 = arith.muli %select_n3A_30, %mul3A_44 : i32
    %add3A_46 = arith.constant 0 : i32
    %add3A_47 = arith.addi %mul3A_45, %add3A_46 : i32
    %dma_wait3A = arith.constant 0 : i32
    %dma_wait3A_48 = arith.constant 0 : i32
    %dma_wait3A_49 = tpu.memref_slice %arg7[%dma_wait3A, %dma_wait3A_48] : memref<8x32xi32, #tpu.memory_space<vmem>> -> memref<1x32xi32, #tpu.memory_space<vmem>>
    %dma_wait3A_50 = tpu.memref_squeeze %dma_wait3A_49 : memref<1x32xi32, #tpu.memory_space<vmem>> -> memref<32xi32, #tpu.memory_space<vmem>>
    %dma_wait3A_51 = arith.constant 0 : i32
    %dma_wait3A_52 = arith.constant 0 : i32
    %dma_wait3A_53 = tpu.memref_slice %arg2[%dma_wait3A_51, %dma_wait3A_52] : memref<12288x1024xf32, #tpu.memory_space<hbm>> -> memref<12288x1024xf32, #tpu.memory_space<hbm>>
    tpu.wait_indirect_dma semaphore(%arg8 : memref<!tpu.dma_semaphore, #tpu.memory_space<semaphore_mem>>) src(%dma_wait3A_53 : memref<12288x1024xf32, #tpu.memory_space<hbm>>) dst(%arg5 : memref<32x1024xf32, #tpu.memory_space<vmem>>)
    %dma_start3A_54 = arith.constant 0 : i32
    %dma_start3A_55 = tpu.memref_slice %arg4[%select_n3A, %add3A_47, %dma_start3A_54] : memref<4x2048x1024xf32, #tpu.memory_space<hbm>> -> memref<1x32x1024xf32, #tpu.memory_space<hbm>>
    %dma_start3A_56 = tpu.memref_squeeze %dma_start3A_55 : memref<1x32x1024xf32, #tpu.memory_space<hbm>> -> memref<32x1024xf32, #tpu.memory_space<hbm>>
    %dma_start3A_57 = arith.constant 0 : i32
    %dma_start3A_58 = tpu.memref_slice %arg4[%select_n3A, %add3A_47, %dma_start3A_57] : memref<4x2048x1024xf32, #tpu.memory_space<hbm>> -> memref<1x32x1024xf32, #tpu.memory_space<hbm>>
    %dma_start3A_59 = tpu.memref_squeeze %dma_start3A_58 : memref<1x32x1024xf32, #tpu.memory_space<hbm>> -> memref<32x1024xf32, #tpu.memory_space<hbm>>
    tpu.enqueue_dma source(%arg5 : memref<32x1024xf32, #tpu.memory_space<vmem>>) target(%dma_start3A_59 : memref<32x1024xf32, #tpu.memory_space<hbm>>) target_semaphore(%arg10 : memref<!tpu.dma_semaphore, #tpu.memory_space<semaphore_mem>>)
    %dma_wait3A_60 = arith.constant 0 : i32
    %dma_wait3A_61 = tpu.memref_slice %arg4[%select_n3A, %add3A_47, %dma_wait3A_60] : memref<4x2048x1024xf32, #tpu.memory_space<hbm>> -> memref<1x32x1024xf32, #tpu.memory_space<hbm>>
    %dma_wait3A_62 = tpu.memref_squeeze %dma_wait3A_61 : memref<1x32x1024xf32, #tpu.memory_space<hbm>> -> memref<32x1024xf32, #tpu.memory_space<hbm>>
    %dma_wait3A_63 = arith.constant 0 : i32
    %dma_wait3A_64 = tpu.memref_slice %arg4[%select_n3A, %add3A_47, %dma_wait3A_63] : memref<4x2048x1024xf32, #tpu.memory_space<hbm>> -> memref<1x32x1024xf32, #tpu.memory_space<hbm>>
    %dma_wait3A_65 = tpu.memref_squeeze %dma_wait3A_64 : memref<1x32x1024xf32, #tpu.memory_space<hbm>> -> memref<32x1024xf32, #tpu.memory_space<hbm>>
    tpu.wait_dma2 semaphore(%arg10 : memref<!tpu.dma_semaphore, #tpu.memory_space<semaphore_mem>>) src(%arg5 : memref<32x1024xf32, #tpu.memory_space<vmem>>) dst(%dma_wait3A_65 : memref<32x1024xf32, #tpu.memory_space<hbm>>)
    %dma_start3A_66 = arith.constant 2 : i32
    %dma_start3A_67 = arith.constant 0 : i32
    %dma_start3A_68 = tpu.memref_slice %arg7[%dma_start3A_66, %dma_start3A_67] : memref<8x32xi32, #tpu.memory_space<vmem>> -> memref<1x32xi32, #tpu.memory_space<vmem>>
    %dma_start3A_69 = tpu.memref_squeeze %dma_start3A_68 : memref<1x32xi32, #tpu.memory_space<vmem>> -> memref<32xi32, #tpu.memory_space<vmem>>
    %dma_start3A_70 = arith.constant 0 : i32
    %dma_start3A_71 = arith.constant 0 : i32
    %dma_start3A_72 = tpu.memref_slice %arg2[%dma_start3A_70, %dma_start3A_71] : memref<12288x1024xf32, #tpu.memory_space<hbm>> -> memref<12288x1024xf32, #tpu.memory_space<hbm>>
    tpu.enqueue_indirect_dma source(%dma_start3A_72 : memref<12288x1024xf32, #tpu.memory_space<hbm>>) target(%arg5 : memref<32x1024xf32, #tpu.memory_space<vmem>>) offsets(%dma_start3A_69 : memref<32xi32, #tpu.memory_space<vmem>>) semaphore(%arg8 : memref<!tpu.dma_semaphore, #tpu.memory_space<semaphore_mem>>)
    %mul3A_73 = arith.constant 256 : i32
    %mul3A_74 = arith.muli %select_n3A_30, %mul3A_73 : i32
    %add3A_75 = arith.constant 32 : i32
    %add3A_76 = arith.addi %mul3A_74, %add3A_75 : i32
    %dma_wait3A_77 = arith.constant 1 : i32
    %dma_wait3A_78 = arith.constant 0 : i32
    %dma_wait3A_79 = tpu.memref_slice %arg7[%dma_wait3A_77, %dma_wait3A_78] : memref<8x32xi32, #tpu.memory_space<vmem>> -> memref<1x32xi32, #tpu.memory_space<vmem>>
    %dma_wait3A_80 = tpu.memref_squeeze %dma_wait3A_79 : memref<1x32xi32, #tpu.memory_space<vmem>> -> memref<32xi32, #tpu.memory_space<vmem>>
    %dma_wait3A_81 = arith.constant 0 : i32
    %dma_wait3A_82 = arith.constant 0 : i32
    %dma_wait3A_83 = tpu.memref_slice %arg2[%dma_wait3A_81, %dma_wait3A_82] : memref<12288x1024xf32, #tpu.memory_space<hbm>> -> memref<12288x1024xf32, #tpu.memory_space<hbm>>
    tpu.wait_indirect_dma semaphore(%arg9 : memref<!tpu.dma_semaphore, #tpu.memory_space<semaphore_mem>>) src(%dma_wait3A_83 : memref<12288x1024xf32, #tpu.memory_space<hbm>>) dst(%arg6 : memref<32x1024xf32, #tpu.memory_space<vmem>>)
    %dma_start3A_84 = arith.constant 0 : i32
    %dma_start3A_85 = tpu.memref_slice %arg4[%select_n3A, %add3A_76, %dma_start3A_84] : memref<4x2048x1024xf32, #tpu.memory_space<hbm>> -> memref<1x32x1024xf32, #tpu.memory_space<hbm>>
    %dma_start3A_86 = tpu.memref_squeeze %dma_start3A_85 : memref<1x32x1024xf32, #tpu.memory_space<hbm>> -> memref<32x1024xf32, #tpu.memory_space<hbm>>
    %dma_start3A_87 = arith.constant 0 : i32
    %dma_start3A_88 = tpu.memref_slice %arg4[%select_n3A, %add3A_76, %dma_start3A_87] : memref<4x2048x1024xf32, #tpu.memory_space<hbm>> -> memref<1x32x1024xf32, #tpu.memory_space<hbm>>
    %dma_start3A_89 = tpu.memref_squeeze %dma_start3A_88 : memref<1x32x1024xf32, #tpu.memory_space<hbm>> -> memref<32x1024xf32, #tpu.memory_space<hbm>>
    tpu.enqueue_dma source(%arg6 : memref<32x1024xf32, #tpu.memory_space<vmem>>) target(%dma_start3A_89 : memref<32x1024xf32, #tpu.memory_space<hbm>>) target_semaphore(%arg11 : memref<!tpu.dma_semaphore, #tpu.memory_space<semaphore_mem>>)
    %dma_wait3A_90 = arith.constant 0 : i32
    %dma_wait3A_91 = tpu.memref_slice %arg4[%select_n3A, %add3A_76, %dma_wait3A_90] : memref<4x2048x1024xf32, #tpu.memory_space<hbm>> -> memref<1x32x1024xf32, #tpu.memory_space<hbm>>
    %dma_wait3A_92 = tpu.memref_squeeze %dma_wait3A_91 : memref<1x32x1024xf32, #tpu.memory_space<hbm>> -> memref<32x1024xf32, #tpu.memory_space<hbm>>
    %dma_wait3A_93 = arith.constant 0 : i32
    %dma_wait3A_94 = tpu.memref_slice %arg4[%select_n3A, %add3A_76, %dma_wait3A_93] : memref<4x2048x1024xf32, #tpu.memory_space<hbm>> -> memref<1x32x1024xf32, #tpu.memory_space<hbm>>
    %dma_wait3A_95 = tpu.memref_squeeze %dma_wait3A_94 : memref<1x32x1024xf32, #tpu.memory_space<hbm>> -> memref<32x1024xf32, #tpu.memory_space<hbm>>
    tpu.wait_dma2 semaphore(%arg11 : memref<!tpu.dma_semaphore, #tpu.memory_space<semaphore_mem>>) src(%arg6 : memref<32x1024xf32, #tpu.memory_space<vmem>>) dst(%dma_wait3A_95 : memref<32x1024xf32, #tpu.memory_space<hbm>>)
    %dma_start3A_96 = arith.constant 3 : i32
    %dma_start3A_97 = arith.constant 0 : i32
    %dma_start3A_98 = tpu.memref_slice %arg7[%dma_start3A_96, %dma_start3A_97] : memref<8x32xi32, #tpu.memory_space<vmem>> -> memref<1x32xi32, #tpu.memory_space<vmem>>
    %dma_start3A_99 = tpu.memref_squeeze %dma_start3A_98 : memref<1x32xi32, #tpu.memory_space<vmem>> -> memref<32xi32, #tpu.memory_space<vmem>>
    %dma_start3A_100 = arith.constant 0 : i32
    %dma_start3A_101 = arith.constant 0 : i32
    %dma_start3A_102 = tpu.memref_slice %arg2[%dma_start3A_100, %dma_start3A_101] : memref<12288x1024xf32, #tpu.memory_space<hbm>> -> memref<12288x1024xf32, #tpu.memory_space<hbm>>
    tpu.enqueue_indirect_dma source(%dma_start3A_102 : memref<12288x1024xf32, #tpu.memory_space<hbm>>) target(%arg6 : memref<32x1024xf32, #tpu.memory_space<vmem>>) offsets(%dma_start3A_99 : memref<32xi32, #tpu.memory_space<vmem>>) semaphore(%arg9 : memref<!tpu.dma_semaphore, #tpu.memory_space<semaphore_mem>>)
    %mul3A_103 = arith.constant 256 : i32
    %mul3A_104 = arith.muli %select_n3A_30, %mul3A_103 : i32
    %add3A_105 = arith.constant 64 : i32
    %add3A_106 = arith.addi %mul3A_104, %add3A_105 : i32
    %dma_wait3A_107 = arith.constant 2 : i32
    %dma_wait3A_108 = arith.constant 0 : i32
    %dma_wait3A_109 = tpu.memref_slice %arg7[%dma_wait3A_107, %dma_wait3A_108] : memref<8x32xi32, #tpu.memory_space<vmem>> -> memref<1x32xi32, #tpu.memory_space<vmem>>
    %dma_wait3A_110 = tpu.memref_squeeze %dma_wait3A_109 : memref<1x32xi32, #tpu.memory_space<vmem>> -> memref<32xi32, #tpu.memory_space<vmem>>
    %dma_wait3A_111 = arith.constant 0 : i32
    %dma_wait3A_112 = arith.constant 0 : i32
    %dma_wait3A_113 = tpu.memref_slice %arg2[%dma_wait3A_111, %dma_wait3A_112] : memref<12288x1024xf32, #tpu.memory_space<hbm>> -> memref<12288x1024xf32, #tpu.memory_space<hbm>>
    tpu.wait_indirect_dma semaphore(%arg8 : memref<!tpu.dma_semaphore, #tpu.memory_space<semaphore_mem>>) src(%dma_wait3A_113 : memref<12288x1024xf32, #tpu.memory_space<hbm>>) dst(%arg5 : memref<32x1024xf32, #tpu.memory_space<vmem>>)
    %dma_start3A_114 = arith.constant 0 : i32
    %dma_start3A_115 = tpu.memref_slice %arg4[%select_n3A, %add3A_106, %dma_start3A_114] : memref<4x2048x1024xf32, #tpu.memory_space<hbm>> -> memref<1x32x1024xf32, #tpu.memory_space<hbm>>
    %dma_start3A_116 = tpu.memref_squeeze %dma_start3A_115 : memref<1x32x1024xf32, #tpu.memory_space<hbm>> -> memref<32x1024xf32, #tpu.memory_space<hbm>>
    %dma_start3A_117 = arith.constant 0 : i32
    %dma_start3A_118 = tpu.memref_slice %arg4[%select_n3A, %add3A_106, %dma_start3A_117] : memref<4x2048x1024xf32, #tpu.memory_space<hbm>> -> memref<1x32x1024xf32, #tpu.memory_space<hbm>>
    %dma_start3A_119 = tpu.memref_squeeze %dma_start3A_118 : memref<1x32x1024xf32, #tpu.memory_space<hbm>> -> memref<32x1024xf32, #tpu.memory_space<hbm>>
    tpu.enqueue_dma source(%arg5 : memref<32x1024xf32, #tpu.memory_space<vmem>>) target(%dma_start3A_119 : memref<32x1024xf32, #tpu.memory_space<hbm>>) target_semaphore(%arg10 : memref<!tpu.dma_semaphore, #tpu.memory_space<semaphore_mem>>)
    %dma_wait3A_120 = arith.constant 0 : i32
    %dma_wait3A_121 = tpu.memref_slice %arg4[%select_n3A, %add3A_106, %dma_wait3A_120] : memref<4x2048x1024xf32, #tpu.memory_space<hbm>> -> memref<1x32x1024xf32, #tpu.memory_space<hbm>>
    %dma_wait3A_122 = tpu.memref_squeeze %dma_wait3A_121 : memref<1x32x1024xf32, #tpu.memory_space<hbm>> -> memref<32x1024xf32, #tpu.memory_space<hbm>>
    %dma_wait3A_123 = arith.constant 0 : i32
    %dma_wait3A_124 = tpu.memref_slice %arg4[%select_n3A, %add3A_106, %dma_wait3A_123] : memref<4x2048x1024xf32, #tpu.memory_space<hbm>> -> memref<1x32x1024xf32, #tpu.memory_space<hbm>>
    %dma_wait3A_125 = tpu.memref_squeeze %dma_wait3A_124 : memref<1x32x1024xf32, #tpu.memory_space<hbm>> -> memref<32x1024xf32, #tpu.memory_space<hbm>>
    tpu.wait_dma2 semaphore(%arg10 : memref<!tpu.dma_semaphore, #tpu.memory_space<semaphore_mem>>) src(%arg5 : memref<32x1024xf32, #tpu.memory_space<vmem>>) dst(%dma_wait3A_125 : memref<32x1024xf32, #tpu.memory_space<hbm>>)
    %dma_start3A_126 = arith.constant 4 : i32
    %dma_start3A_127 = arith.constant 0 : i32
    %dma_start3A_128 = tpu.memref_slice %arg7[%dma_start3A_126, %dma_start3A_127] : memref<8x32xi32, #tpu.memory_space<vmem>> -> memref<1x32xi32, #tpu.memory_space<vmem>>
    %dma_start3A_129 = tpu.memref_squeeze %dma_start3A_128 : memref<1x32xi32, #tpu.memory_space<vmem>> -> memref<32xi32, #tpu.memory_space<vmem>>
    %dma_start3A_130 = arith.constant 0 : i32
    %dma_start3A_131 = arith.constant 0 : i32
    %dma_start3A_132 = tpu.memref_slice %arg2[%dma_start3A_130, %dma_start3A_131] : memref<12288x1024xf32, #tpu.memory_space<hbm>> -> memref<12288x1024xf32, #tpu.memory_space<hbm>>
    tpu.enqueue_indirect_dma source(%dma_start3A_132 : memref<12288x1024xf32, #tpu.memory_space<hbm>>) target(%arg5 : memref<32x1024xf32, #tpu.memory_space<vmem>>) offsets(%dma_start3A_129 : memref<32xi32, #tpu.memory_space<vmem>>) semaphore(%arg8 : memref<!tpu.dma_semaphore, #tpu.memory_space<semaphore_mem>>)
    %mul3A_133 = arith.constant 256 : i32
    %mul3A_134 = arith.muli %select_n3A_30, %mul3A_133 : i32
    %add3A_135 = arith.constant 96 : i32
    %add3A_136 = arith.addi %mul3A_134, %add3A_135 : i32
    %dma_wait3A_137 = arith.constant 3 : i32
    %dma_wait3A_138 = arith.constant 0 : i32
    %dma_wait3A_139 = tpu.memref_slice %arg7[%dma_wait3A_137, %dma_wait3A_138] : memref<8x32xi32, #tpu.memory_space<vmem>> -> memref<1x32xi32, #tpu.memory_space<vmem>>
    %dma_wait3A_140 = tpu.memref_squeeze %dma_wait3A_139 : memref<1x32xi32, #tpu.memory_space<vmem>> -> memref<32xi32, #tpu.memory_space<vmem>>
    %dma_wait3A_141 = arith.constant 0 : i32
    %dma_wait3A_142 = arith.constant 0 : i32
    %dma_wait3A_143 = tpu.memref_slice %arg2[%dma_wait3A_141, %dma_wait3A_142] : memref<12288x1024xf32, #tpu.memory_space<hbm>> -> memref<12288x1024xf32, #tpu.memory_space<hbm>>
    tpu.wait_indirect_dma semaphore(%arg9 : memref<!tpu.dma_semaphore, #tpu.memory_space<semaphore_mem>>) src(%dma_wait3A_143 : memref<12288x1024xf32, #tpu.memory_space<hbm>>) dst(%arg6 : memref<32x1024xf32, #tpu.memory_space<vmem>>)
    %dma_start3A_144 = arith.constant 0 : i32
    %dma_start3A_145 = tpu.memref_slice %arg4[%select_n3A, %add3A_136, %dma_start3A_144] : memref<4x2048x1024xf32, #tpu.memory_space<hbm>> -> memref<1x32x1024xf32, #tpu.memory_space<hbm>>
    %dma_start3A_146 = tpu.memref_squeeze %dma_start3A_145 : memref<1x32x1024xf32, #tpu.memory_space<hbm>> -> memref<32x1024xf32, #tpu.memory_space<hbm>>
    %dma_start3A_147 = arith.constant 0 : i32
    %dma_start3A_148 = tpu.memref_slice %arg4[%select_n3A, %add3A_136, %dma_start3A_147] : memref<4x2048x1024xf32, #tpu.memory_space<hbm>> -> memref<1x32x1024xf32, #tpu.memory_space<hbm>>
    %dma_start3A_149 = tpu.memref_squeeze %dma_start3A_148 : memref<1x32x1024xf32, #tpu.memory_space<hbm>> -> memref<32x1024xf32, #tpu.memory_space<hbm>>
    tpu.enqueue_dma source(%arg6 : memref<32x1024xf32, #tpu.memory_space<vmem>>) target(%dma_start3A_149 : memref<32x1024xf32, #tpu.memory_space<hbm>>) target_semaphore(%arg11 : memref<!tpu.dma_semaphore, #tpu.memory_space<semaphore_mem>>)
    %dma_wait3A_150 = arith.constant 0 : i32
    %dma_wait3A_151 = tpu.memref_slice %arg4[%select_n3A, %add3A_136, %dma_wait3A_150] : memref<4x2048x1024xf32, #tpu.memory_space<hbm>> -> memref<1x32x1024xf32, #tpu.memory_space<hbm>>
    %dma_wait3A_152 = tpu.memref_squeeze %dma_wait3A_151 : memref<1x32x1024xf32, #tpu.memory_space<hbm>> -> memref<32x1024xf32, #tpu.memory_space<hbm>>
    %dma_wait3A_153 = arith.constant 0 : i32
    %dma_wait3A_154 = tpu.memref_slice %arg4[%select_n3A, %add3A_136, %dma_wait3A_153] : memref<4x2048x1024xf32, #tpu.memory_space<hbm>> -> memref<1x32x1024xf32, #tpu.memory_space<hbm>>
    %dma_wait3A_155 = tpu.memref_squeeze %dma_wait3A_154 : memref<1x32x1024xf32, #tpu.memory_space<hbm>> -> memref<32x1024xf32, #tpu.memory_space<hbm>>
    tpu.wait_dma2 semaphore(%arg11 : memref<!tpu.dma_semaphore, #tpu.memory_space<semaphore_mem>>) src(%arg6 : memref<32x1024xf32, #tpu.memory_space<vmem>>) dst(%dma_wait3A_155 : memref<32x1024xf32, #tpu.memory_space<hbm>>)
    %dma_start3A_156 = arith.constant 5 : i32
    %dma_start3A_157 = arith.constant 0 : i32
    %dma_start3A_158 = tpu.memref_slice %arg7[%dma_start3A_156, %dma_start3A_157] : memref<8x32xi32, #tpu.memory_space<vmem>> -> memref<1x32xi32, #tpu.memory_space<vmem>>
    %dma_start3A_159 = tpu.memref_squeeze %dma_start3A_158 : memref<1x32xi32, #tpu.memory_space<vmem>> -> memref<32xi32, #tpu.memory_space<vmem>>
    %dma_start3A_160 = arith.constant 0 : i32
    %dma_start3A_161 = arith.constant 0 : i32
    %dma_start3A_162 = tpu.memref_slice %arg2[%dma_start3A_160, %dma_start3A_161] : memref<12288x1024xf32, #tpu.memory_space<hbm>> -> memref<12288x1024xf32, #tpu.memory_space<hbm>>
    tpu.enqueue_indirect_dma source(%dma_start3A_162 : memref<12288x1024xf32, #tpu.memory_space<hbm>>) target(%arg6 : memref<32x1024xf32, #tpu.memory_space<vmem>>) offsets(%dma_start3A_159 : memref<32xi32, #tpu.memory_space<vmem>>) semaphore(%arg9 : memref<!tpu.dma_semaphore, #tpu.memory_space<semaphore_mem>>)
    %mul3A_163 = arith.constant 256 : i32
    %mul3A_164 = arith.muli %select_n3A_30, %mul3A_163 : i32
    %add3A_165 = arith.constant 128 : i32
    %add3A_166 = arith.addi %mul3A_164, %add3A_165 : i32
    %dma_wait3A_167 = arith.constant 4 : i32
    %dma_wait3A_168 = arith.constant 0 : i32
    %dma_wait3A_169 = tpu.memref_slice %arg7[%dma_wait3A_167, %dma_wait3A_168] : memref<8x32xi32, #tpu.memory_space<vmem>> -> memref<1x32xi32, #tpu.memory_space<vmem>>
    %dma_wait3A_170 = tpu.memref_squeeze %dma_wait3A_169 : memref<1x32xi32, #tpu.memory_space<vmem>> -> memref<32xi32, #tpu.memory_space<vmem>>
    %dma_wait3A_171 = arith.constant 0 : i32
    %dma_wait3A_172 = arith.constant 0 : i32
    %dma_wait3A_173 = tpu.memref_slice %arg2[%dma_wait3A_171, %dma_wait3A_172] : memref<12288x1024xf32, #tpu.memory_space<hbm>> -> memref<12288x1024xf32, #tpu.memory_space<hbm>>
    tpu.wait_indirect_dma semaphore(%arg8 : memref<!tpu.dma_semaphore, #tpu.memory_space<semaphore_mem>>) src(%dma_wait3A_173 : memref<12288x1024xf32, #tpu.memory_space<hbm>>) dst(%arg5 : memref<32x1024xf32, #tpu.memory_space<vmem>>)
    %dma_start3A_174 = arith.constant 0 : i32
    %dma_start3A_175 = tpu.memref_slice %arg4[%select_n3A, %add3A_166, %dma_start3A_174] : memref<4x2048x1024xf32, #tpu.memory_space<hbm>> -> memref<1x32x1024xf32, #tpu.memory_space<hbm>>
    %dma_start3A_176 = tpu.memref_squeeze %dma_start3A_175 : memref<1x32x1024xf32, #tpu.memory_space<hbm>> -> memref<32x1024xf32, #tpu.memory_space<hbm>>
    %dma_start3A_177 = arith.constant 0 : i32
    %dma_start3A_178 = tpu.memref_slice %arg4[%select_n3A, %add3A_166, %dma_start3A_177] : memref<4x2048x1024xf32, #tpu.memory_space<hbm>> -> memref<1x32x1024xf32, #tpu.memory_space<hbm>>
    %dma_start3A_179 = tpu.memref_squeeze %dma_start3A_178 : memref<1x32x1024xf32, #tpu.memory_space<hbm>> -> memref<32x1024xf32, #tpu.memory_space<hbm>>
    tpu.enqueue_dma source(%arg5 : memref<32x1024xf32, #tpu.memory_space<vmem>>) target(%dma_start3A_179 : memref<32x1024xf32, #tpu.memory_space<hbm>>) target_semaphore(%arg10 : memref<!tpu.dma_semaphore, #tpu.memory_space<semaphore_mem>>)
    %dma_wait3A_180 = arith.constant 0 : i32
    %dma_wait3A_181 = tpu.memref_slice %arg4[%select_n3A, %add3A_166, %dma_wait3A_180] : memref<4x2048x1024xf32, #tpu.memory_space<hbm>> -> memref<1x32x1024xf32, #tpu.memory_space<hbm>>
    %dma_wait3A_182 = tpu.memref_squeeze %dma_wait3A_181 : memref<1x32x1024xf32, #tpu.memory_space<hbm>> -> memref<32x1024xf32, #tpu.memory_space<hbm>>
    %dma_wait3A_183 = arith.constant 0 : i32
    %dma_wait3A_184 = tpu.memref_slice %arg4[%select_n3A, %add3A_166, %dma_wait3A_183] : memref<4x2048x1024xf32, #tpu.memory_space<hbm>> -> memref<1x32x1024xf32, #tpu.memory_space<hbm>>
    %dma_wait3A_185 = tpu.memref_squeeze %dma_wait3A_184 : memref<1x32x1024xf32, #tpu.memory_space<hbm>> -> memref<32x1024xf32, #tpu.memory_space<hbm>>
    tpu.wait_dma2 semaphore(%arg10 : memref<!tpu.dma_semaphore, #tpu.memory_space<semaphore_mem>>) src(%arg5 : memref<32x1024xf32, #tpu.memory_space<vmem>>) dst(%dma_wait3A_185 : memref<32x1024xf32, #tpu.memory_space<hbm>>)
    %dma_start3A_186 = arith.constant 6 : i32
    %dma_start3A_187 = arith.constant 0 : i32
    %dma_start3A_188 = tpu.memref_slice %arg7[%dma_start3A_186, %dma_start3A_187] : memref<8x32xi32, #tpu.memory_space<vmem>> -> memref<1x32xi32, #tpu.memory_space<vmem>>
    %dma_start3A_189 = tpu.memref_squeeze %dma_start3A_188 : memref<1x32xi32, #tpu.memory_space<vmem>> -> memref<32xi32, #tpu.memory_space<vmem>>
    %dma_start3A_190 = arith.constant 0 : i32
    %dma_start3A_191 = arith.constant 0 : i32
    %dma_start3A_192 = tpu.memref_slice %arg2[%dma_start3A_190, %dma_start3A_191] : memref<12288x1024xf32, #tpu.memory_space<hbm>> -> memref<12288x1024xf32, #tpu.memory_space<hbm>>
    tpu.enqueue_indirect_dma source(%dma_start3A_192 : memref<12288x1024xf32, #tpu.memory_space<hbm>>) target(%arg5 : memref<32x1024xf32, #tpu.memory_space<vmem>>) offsets(%dma_start3A_189 : memref<32xi32, #tpu.memory_space<vmem>>) semaphore(%arg8 : memref<!tpu.dma_semaphore, #tpu.memory_space<semaphore_mem>>)
    %mul3A_193 = arith.constant 256 : i32
    %mul3A_194 = arith.muli %select_n3A_30, %mul3A_193 : i32
    %add3A_195 = arith.constant 160 : i32
    %add3A_196 = arith.addi %mul3A_194, %add3A_195 : i32
    %dma_wait3A_197 = arith.constant 5 : i32
    %dma_wait3A_198 = arith.constant 0 : i32
    %dma_wait3A_199 = tpu.memref_slice %arg7[%dma_wait3A_197, %dma_wait3A_198] : memref<8x32xi32, #tpu.memory_space<vmem>> -> memref<1x32xi32, #tpu.memory_space<vmem>>
    %dma_wait3A_200 = tpu.memref_squeeze %dma_wait3A_199 : memref<1x32xi32, #tpu.memory_space<vmem>> -> memref<32xi32, #tpu.memory_space<vmem>>
    %dma_wait3A_201 = arith.constant 0 : i32
    %dma_wait3A_202 = arith.constant 0 : i32
    %dma_wait3A_203 = tpu.memref_slice %arg2[%dma_wait3A_201, %dma_wait3A_202] : memref<12288x1024xf32, #tpu.memory_space<hbm>> -> memref<12288x1024xf32, #tpu.memory_space<hbm>>
    tpu.wait_indirect_dma semaphore(%arg9 : memref<!tpu.dma_semaphore, #tpu.memory_space<semaphore_mem>>) src(%dma_wait3A_203 : memref<12288x1024xf32, #tpu.memory_space<hbm>>) dst(%arg6 : memref<32x1024xf32, #tpu.memory_space<vmem>>)
    %dma_start3A_204 = arith.constant 0 : i32
    %dma_start3A_205 = tpu.memref_slice %arg4[%select_n3A, %add3A_196, %dma_start3A_204] : memref<4x2048x1024xf32, #tpu.memory_space<hbm>> -> memref<1x32x1024xf32, #tpu.memory_space<hbm>>
    %dma_start3A_206 = tpu.memref_squeeze %dma_start3A_205 : memref<1x32x1024xf32, #tpu.memory_space<hbm>> -> memref<32x1024xf32, #tpu.memory_space<hbm>>
    %dma_start3A_207 = arith.constant 0 : i32
    %dma_start3A_208 = tpu.memref_slice %arg4[%select_n3A, %add3A_196, %dma_start3A_207] : memref<4x2048x1024xf32, #tpu.memory_space<hbm>> -> memref<1x32x1024xf32, #tpu.memory_space<hbm>>
    %dma_start3A_209 = tpu.memref_squeeze %dma_start3A_208 : memref<1x32x1024xf32, #tpu.memory_space<hbm>> -> memref<32x1024xf32, #tpu.memory_space<hbm>>
    tpu.enqueue_dma source(%arg6 : memref<32x1024xf32, #tpu.memory_space<vmem>>) target(%dma_start3A_209 : memref<32x1024xf32, #tpu.memory_space<hbm>>) target_semaphore(%arg11 : memref<!tpu.dma_semaphore, #tpu.memory_space<semaphore_mem>>)
    %dma_wait3A_210 = arith.constant 0 : i32
    %dma_wait3A_211 = tpu.memref_slice %arg4[%select_n3A, %add3A_196, %dma_wait3A_210] : memref<4x2048x1024xf32, #tpu.memory_space<hbm>> -> memref<1x32x1024xf32, #tpu.memory_space<hbm>>
    %dma_wait3A_212 = tpu.memref_squeeze %dma_wait3A_211 : memref<1x32x1024xf32, #tpu.memory_space<hbm>> -> memref<32x1024xf32, #tpu.memory_space<hbm>>
    %dma_wait3A_213 = arith.constant 0 : i32
    %dma_wait3A_214 = tpu.memref_slice %arg4[%select_n3A, %add3A_196, %dma_wait3A_213] : memref<4x2048x1024xf32, #tpu.memory_space<hbm>> -> memref<1x32x1024xf32, #tpu.memory_space<hbm>>
    %dma_wait3A_215 = tpu.memref_squeeze %dma_wait3A_214 : memref<1x32x1024xf32, #tpu.memory_space<hbm>> -> memref<32x1024xf32, #tpu.memory_space<hbm>>
    tpu.wait_dma2 semaphore(%arg11 : memref<!tpu.dma_semaphore, #tpu.memory_space<semaphore_mem>>) src(%arg6 : memref<32x1024xf32, #tpu.memory_space<vmem>>) dst(%dma_wait3A_215 : memref<32x1024xf32, #tpu.memory_space<hbm>>)
    %dma_start3A_216 = arith.constant 7 : i32
    %dma_start3A_217 = arith.constant 0 : i32
    %dma_start3A_218 = tpu.memref_slice %arg7[%dma_start3A_216, %dma_start3A_217] : memref<8x32xi32, #tpu.memory_space<vmem>> -> memref<1x32xi32, #tpu.memory_space<vmem>>
    %dma_start3A_219 = tpu.memref_squeeze %dma_start3A_218 : memref<1x32xi32, #tpu.memory_space<vmem>> -> memref<32xi32, #tpu.memory_space<vmem>>
    %dma_start3A_220 = arith.constant 0 : i32
    %dma_start3A_221 = arith.constant 0 : i32
    %dma_start3A_222 = tpu.memref_slice %arg2[%dma_start3A_220, %dma_start3A_221] : memref<12288x1024xf32, #tpu.memory_space<hbm>> -> memref<12288x1024xf32, #tpu.memory_space<hbm>>
    tpu.enqueue_indirect_dma source(%dma_start3A_222 : memref<12288x1024xf32, #tpu.memory_space<hbm>>) target(%arg6 : memref<32x1024xf32, #tpu.memory_space<vmem>>) offsets(%dma_start3A_219 : memref<32xi32, #tpu.memory_space<vmem>>) semaphore(%arg9 : memref<!tpu.dma_semaphore, #tpu.memory_space<semaphore_mem>>)
    %mul3A_223 = arith.constant 256 : i32
    %mul3A_224 = arith.muli %select_n3A_30, %mul3A_223 : i32
    %add3A_225 = arith.constant 192 : i32
    %add3A_226 = arith.addi %mul3A_224, %add3A_225 : i32
    %dma_wait3A_227 = arith.constant 6 : i32
    %dma_wait3A_228 = arith.constant 0 : i32
    %dma_wait3A_229 = tpu.memref_slice %arg7[%dma_wait3A_227, %dma_wait3A_228] : memref<8x32xi32, #tpu.memory_space<vmem>> -> memref<1x32xi32, #tpu.memory_space<vmem>>
    %dma_wait3A_230 = tpu.memref_squeeze %dma_wait3A_229 : memref<1x32xi32, #tpu.memory_space<vmem>> -> memref<32xi32, #tpu.memory_space<vmem>>
    %dma_wait3A_231 = arith.constant 0 : i32
    %dma_wait3A_232 = arith.constant 0 : i32
    %dma_wait3A_233 = tpu.memref_slice %arg2[%dma_wait3A_231, %dma_wait3A_232] : memref<12288x1024xf32, #tpu.memory_space<hbm>> -> memref<12288x1024xf32, #tpu.memory_space<hbm>>
    tpu.wait_indirect_dma semaphore(%arg8 : memref<!tpu.dma_semaphore, #tpu.memory_space<semaphore_mem>>) src(%dma_wait3A_233 : memref<12288x1024xf32, #tpu.memory_space<hbm>>) dst(%arg5 : memref<32x1024xf32, #tpu.memory_space<vmem>>)
    %dma_start3A_234 = arith.constant 0 : i32
    %dma_start3A_235 = tpu.memref_slice %arg4[%select_n3A, %add3A_226, %dma_start3A_234] : memref<4x2048x1024xf32, #tpu.memory_space<hbm>> -> memref<1x32x1024xf32, #tpu.memory_space<hbm>>
    %dma_start3A_236 = tpu.memref_squeeze %dma_start3A_235 : memref<1x32x1024xf32, #tpu.memory_space<hbm>> -> memref<32x1024xf32, #tpu.memory_space<hbm>>
    %dma_start3A_237 = arith.constant 0 : i32
    %dma_start3A_238 = tpu.memref_slice %arg4[%select_n3A, %add3A_226, %dma_start3A_237] : memref<4x2048x1024xf32, #tpu.memory_space<hbm>> -> memref<1x32x1024xf32, #tpu.memory_space<hbm>>
    %dma_start3A_239 = tpu.memref_squeeze %dma_start3A_238 : memref<1x32x1024xf32, #tpu.memory_space<hbm>> -> memref<32x1024xf32, #tpu.memory_space<hbm>>
    tpu.enqueue_dma source(%arg5 : memref<32x1024xf32, #tpu.memory_space<vmem>>) target(%dma_start3A_239 : memref<32x1024xf32, #tpu.memory_space<hbm>>) target_semaphore(%arg10 : memref<!tpu.dma_semaphore, #tpu.memory_space<semaphore_mem>>)
    %mul3A_240 = arith.constant 256 : i32
    %mul3A_241 = arith.muli %select_n3A_30, %mul3A_240 : i32
    %add3A_242 = arith.constant 224 : i32
    %add3A_243 = arith.addi %mul3A_241, %add3A_242 : i32
    %dma_wait3A_244 = arith.constant 7 : i32
    %dma_wait3A_245 = arith.constant 0 : i32
    %dma_wait3A_246 = tpu.memref_slice %arg7[%dma_wait3A_244, %dma_wait3A_245] : memref<8x32xi32, #tpu.memory_space<vmem>> -> memref<1x32xi32, #tpu.memory_space<vmem>>
    %dma_wait3A_247 = tpu.memref_squeeze %dma_wait3A_246 : memref<1x32xi32, #tpu.memory_space<vmem>> -> memref<32xi32, #tpu.memory_space<vmem>>
    %dma_wait3A_248 = arith.constant 0 : i32
    %dma_wait3A_249 = arith.constant 0 : i32
    %dma_wait3A_250 = tpu.memref_slice %arg2[%dma_wait3A_248, %dma_wait3A_249] : memref<12288x1024xf32, #tpu.memory_space<hbm>> -> memref<12288x1024xf32, #tpu.memory_space<hbm>>
    tpu.wait_indirect_dma semaphore(%arg9 : memref<!tpu.dma_semaphore, #tpu.memory_space<semaphore_mem>>) src(%dma_wait3A_250 : memref<12288x1024xf32, #tpu.memory_space<hbm>>) dst(%arg6 : memref<32x1024xf32, #tpu.memory_space<vmem>>)
    %dma_start3A_251 = arith.constant 0 : i32
    %dma_start3A_252 = tpu.memref_slice %arg4[%select_n3A, %add3A_243, %dma_start3A_251] : memref<4x2048x1024xf32, #tpu.memory_space<hbm>> -> memref<1x32x1024xf32, #tpu.memory_space<hbm>>
    %dma_start3A_253 = tpu.memref_squeeze %dma_start3A_252 : memref<1x32x1024xf32, #tpu.memory_space<hbm>> -> memref<32x1024xf32, #tpu.memory_space<hbm>>
    %dma_start3A_254 = arith.constant 0 : i32
    %dma_start3A_255 = tpu.memref_slice %arg4[%select_n3A, %add3A_243, %dma_start3A_254] : memref<4x2048x1024xf32, #tpu.memory_space<hbm>> -> memref<1x32x1024xf32, #tpu.memory_space<hbm>>
    %dma_start3A_256 = tpu.memref_squeeze %dma_start3A_255 : memref<1x32x1024xf32, #tpu.memory_space<hbm>> -> memref<32x1024xf32, #tpu.memory_space<hbm>>
    tpu.enqueue_dma source(%arg6 : memref<32x1024xf32, #tpu.memory_space<vmem>>) target(%dma_start3A_256 : memref<32x1024xf32, #tpu.memory_space<hbm>>) target_semaphore(%arg11 : memref<!tpu.dma_semaphore, #tpu.memory_space<semaphore_mem>>)
    %dma_wait3A_257 = arith.constant 0 : i32
    %dma_wait3A_258 = tpu.memref_slice %arg4[%select_n3A, %add3A_226, %dma_wait3A_257] : memref<4x2048x1024xf32, #tpu.memory_space<hbm>> -> memref<1x32x1024xf32, #tpu.memory_space<hbm>>
    %dma_wait3A_259 = tpu.memref_squeeze %dma_wait3A_258 : memref<1x32x1024xf32, #tpu.memory_space<hbm>> -> memref<32x1024xf32, #tpu.memory_space<hbm>>
    %dma_wait3A_260 = arith.constant 0 : i32
    %dma_wait3A_261 = tpu.memref_slice %arg4[%select_n3A, %add3A_226, %dma_wait3A_260] : memref<4x2048x1024xf32, #tpu.memory_space<hbm>> -> memref<1x32x1024xf32, #tpu.memory_space<hbm>>
    %dma_wait3A_262 = tpu.memref_squeeze %dma_wait3A_261 : memref<1x32x1024xf32, #tpu.memory_space<hbm>> -> memref<32x1024xf32, #tpu.memory_space<hbm>>
    tpu.wait_dma2 semaphore(%arg10 : memref<!tpu.dma_semaphore, #tpu.memory_space<semaphore_mem>>) src(%arg5 : memref<32x1024xf32, #tpu.memory_space<vmem>>) dst(%dma_wait3A_262 : memref<32x1024xf32, #tpu.memory_space<hbm>>)
    %dma_wait3A_263 = arith.constant 0 : i32
    %dma_wait3A_264 = tpu.memref_slice %arg4[%select_n3A, %add3A_243, %dma_wait3A_263] : memref<4x2048x1024xf32, #tpu.memory_space<hbm>> -> memref<1x32x1024xf32, #tpu.memory_space<hbm>>
    %dma_wait3A_265 = tpu.memref_squeeze %dma_wait3A_264 : memref<1x32x1024xf32, #tpu.memory_space<hbm>> -> memref<32x1024xf32, #tpu.memory_space<hbm>>
    %dma_wait3A_266 = arith.constant 0 : i32
    %dma_wait3A_267 = tpu.memref_slice %arg4[%select_n3A, %add3A_243, %dma_wait3A_266] : memref<4x2048x1024xf32, #tpu.memory_space<hbm>> -> memref<1x32x1024xf32, #tpu.memory_space<hbm>>
    %dma_wait3A_268 = tpu.memref_squeeze %dma_wait3A_267 : memref<1x32x1024xf32, #tpu.memory_space<hbm>> -> memref<32x1024xf32, #tpu.memory_space<hbm>>
    tpu.wait_dma2 semaphore(%arg11 : memref<!tpu.dma_semaphore, #tpu.memory_space<semaphore_mem>>) src(%arg6 : memref<32x1024xf32, #tpu.memory_space<vmem>>) dst(%dma_wait3A_268 : memref<32x1024xf32, #tpu.memory_space<hbm>>)
    return
  }
}

#map = affine_map<(d0, d1) -> (0, 0)>
#map1 = affine_map<(d0, d1) -> (0, 0, 0)>
module attributes {stable_mosaic.version = 14 : i64} {
  func.func @_dispatch_sc(%arg0: i32, %arg1: i32, %arg2: memref<2048x1024xf32, #tpu.memory_space<hbm>>, %arg3: memref<32x8x32xi32, #tpu.memory_space<hbm>>, %arg4: memref<12288x1024xf32, #tpu.memory_space<hbm>>, %arg5: memref<32x1024xf32, #tpu.memory_space<vmem>>, %arg6: memref<32x1024xf32, #tpu.memory_space<vmem>>, %arg7: memref<8x32xi32, #tpu.memory_space<vmem>>, %arg8: memref<!tpu.dma_semaphore, #tpu.memory_space<semaphore_mem>>, %arg9: memref<!tpu.dma_semaphore, #tpu.memory_space<semaphore_mem>>) attributes {dimension_semantics = [#tpu.dimension_semantics<core_parallel>, #tpu.dimension_semantics<subcore_parallel>], iteration_bounds = array<i64: 2, 16>, scalar_prefetch = 0 : i64, scratch_operands = 5 : i64, tpu.core_type = #tpu.core_type<sc_vector_subcore>, window_params = [{transform_indices = #map}, {transform_indices = #map1}, {transform_indices = #map}]} {
    %mul3A = arith.constant 2 : i32
    %mul3A_0 = arith.muli %arg1, %mul3A : i32
    %add3A = arith.addi %mul3A_0, %arg0 : i32
    %jit3A = arith.constant 8 : i32
    %eq3A = arith.constant 0 : i32
    %eq3A_1 = arith.cmpi eq, %jit3A, %eq3A : i32
    %jit3A_2 = arith.constant 1 : i32
    %select_n3A = arith.select %eq3A_1, %jit3A_2, %jit3A : i32
    %rem3A = arith.remsi %add3A, %select_n3A : i32
    %ne3A = arith.constant 0 : i32
    %ne3A_3 = arith.cmpi ne, %rem3A, %ne3A : i32
    %lt3A = arith.constant 0 : i32
    %lt3A_4 = arith.cmpi slt, %rem3A, %lt3A : i32
    %lt3A_5 = arith.constant 0 : i32
    %lt3A_6 = arith.cmpi slt, %select_n3A, %lt3A_5 : i32
    %ne3A_7 = arith.xori %lt3A_4, %lt3A_6 : i1
    %and3A = arith.andi %ne3A_7, %ne3A_3 : i1
    %add3A_8 = arith.addi %rem3A, %select_n3A : i32
    %select_n3A_9 = arith.select %and3A, %add3A_8, %rem3A : i32
    "tpu.region"() ({
      %run_scoped3A = tpu.sem_alloc : memref<!tpu.dma_semaphore, #tpu.memory_space<semaphore_mem>>
      %dma_start3A_152 = arith.constant 0 : i32
      %dma_start3A_153 = arith.constant 0 : i32
      %dma_start3A_154 = tpu.memref_slice %arg3[%add3A, %dma_start3A_152, %dma_start3A_153] : memref<32x8x32xi32, #tpu.memory_space<hbm>> -> memref<1x8x32xi32, #tpu.memory_space<hbm>>
      %dma_start3A_155 = tpu.memref_squeeze %dma_start3A_154 : memref<1x8x32xi32, #tpu.memory_space<hbm>> -> memref<8x32xi32, #tpu.memory_space<hbm>>
      %dma_start3A_156 = arith.constant 0 : i32
      %dma_start3A_157 = arith.constant 0 : i32
      %dma_start3A_158 = tpu.memref_slice %arg3[%add3A, %dma_start3A_156, %dma_start3A_157] : memref<32x8x32xi32, #tpu.memory_space<hbm>> -> memref<1x8x32xi32, #tpu.memory_space<hbm>>
      %dma_start3A_159 = tpu.memref_squeeze %dma_start3A_158 : memref<1x8x32xi32, #tpu.memory_space<hbm>> -> memref<8x32xi32, #tpu.memory_space<hbm>>
      tpu.enqueue_dma source(%dma_start3A_159 : memref<8x32xi32, #tpu.memory_space<hbm>>) target(%arg7 : memref<8x32xi32, #tpu.memory_space<vmem>>) target_semaphore(%run_scoped3A : memref<!tpu.dma_semaphore, #tpu.memory_space<semaphore_mem>>)
      %dma_wait3A_160 = arith.constant 0 : i32
      %dma_wait3A_161 = arith.constant 0 : i32
      %dma_wait3A_162 = tpu.memref_slice %arg3[%add3A, %dma_wait3A_160, %dma_wait3A_161] : memref<32x8x32xi32, #tpu.memory_space<hbm>> -> memref<1x8x32xi32, #tpu.memory_space<hbm>>
      %dma_wait3A_163 = tpu.memref_squeeze %dma_wait3A_162 : memref<1x8x32xi32, #tpu.memory_space<hbm>> -> memref<8x32xi32, #tpu.memory_space<hbm>>
      %dma_wait3A_164 = arith.constant 0 : i32
      %dma_wait3A_165 = arith.constant 0 : i32
      %dma_wait3A_166 = tpu.memref_slice %arg3[%add3A, %dma_wait3A_164, %dma_wait3A_165] : memref<32x8x32xi32, #tpu.memory_space<hbm>> -> memref<1x8x32xi32, #tpu.memory_space<hbm>>
      %dma_wait3A_167 = tpu.memref_squeeze %dma_wait3A_166 : memref<1x8x32xi32, #tpu.memory_space<hbm>> -> memref<8x32xi32, #tpu.memory_space<hbm>>
      tpu.wait_dma2 semaphore(%run_scoped3A : memref<!tpu.dma_semaphore, #tpu.memory_space<semaphore_mem>>) src(%dma_wait3A_167 : memref<8x32xi32, #tpu.memory_space<hbm>>) dst(%arg7 : memref<8x32xi32, #tpu.memory_space<vmem>>)
      tpu.yield
    }) : () -> ()
    %mul3A_10 = arith.constant 256 : i32
    %mul3A_11 = arith.muli %select_n3A_9, %mul3A_10 : i32
    %add3A_12 = arith.constant 0 : i32
    %add3A_13 = arith.addi %mul3A_11, %add3A_12 : i32
    "tpu.region"() ({
      %run_scoped3A = tpu.sem_alloc : memref<!tpu.dma_semaphore, #tpu.memory_space<semaphore_mem>>
      %dma_start3A_152 = arith.constant 0 : i32
      %dma_start3A_153 = tpu.memref_slice %arg2[%add3A_13, %dma_start3A_152] : memref<2048x1024xf32, #tpu.memory_space<hbm>> -> memref<32x1024xf32, #tpu.memory_space<hbm>>
      %dma_start3A_154 = arith.constant 0 : i32
      %dma_start3A_155 = tpu.memref_slice %arg2[%add3A_13, %dma_start3A_154] : memref<2048x1024xf32, #tpu.memory_space<hbm>> -> memref<32x1024xf32, #tpu.memory_space<hbm>>
      tpu.enqueue_dma source(%dma_start3A_155 : memref<32x1024xf32, #tpu.memory_space<hbm>>) target(%arg5 : memref<32x1024xf32, #tpu.memory_space<vmem>>) target_semaphore(%run_scoped3A : memref<!tpu.dma_semaphore, #tpu.memory_space<semaphore_mem>>)
      %dma_wait3A_156 = arith.constant 0 : i32
      %dma_wait3A_157 = tpu.memref_slice %arg2[%add3A_13, %dma_wait3A_156] : memref<2048x1024xf32, #tpu.memory_space<hbm>> -> memref<32x1024xf32, #tpu.memory_space<hbm>>
      %dma_wait3A_158 = arith.constant 0 : i32
      %dma_wait3A_159 = tpu.memref_slice %arg2[%add3A_13, %dma_wait3A_158] : memref<2048x1024xf32, #tpu.memory_space<hbm>> -> memref<32x1024xf32, #tpu.memory_space<hbm>>
      tpu.wait_dma2 semaphore(%run_scoped3A : memref<!tpu.dma_semaphore, #tpu.memory_space<semaphore_mem>>) src(%dma_wait3A_159 : memref<32x1024xf32, #tpu.memory_space<hbm>>) dst(%arg5 : memref<32x1024xf32, #tpu.memory_space<vmem>>)
      tpu.yield
    }) : () -> ()
    %dma_start3A = arith.constant 0 : i32
    %dma_start3A_14 = arith.constant 0 : i32
    %dma_start3A_15 = tpu.memref_slice %arg7[%dma_start3A, %dma_start3A_14] : memref<8x32xi32, #tpu.memory_space<vmem>> -> memref<1x32xi32, #tpu.memory_space<vmem>>
    %dma_start3A_16 = tpu.memref_squeeze %dma_start3A_15 : memref<1x32xi32, #tpu.memory_space<vmem>> -> memref<32xi32, #tpu.memory_space<vmem>>
    %dma_start3A_17 = arith.constant 0 : i32
    %dma_start3A_18 = arith.constant 0 : i32
    %dma_start3A_19 = tpu.memref_slice %arg4[%dma_start3A_17, %dma_start3A_18] : memref<12288x1024xf32, #tpu.memory_space<hbm>> -> memref<12288x1024xf32, #tpu.memory_space<hbm>>
    tpu.enqueue_indirect_dma source(%arg5 : memref<32x1024xf32, #tpu.memory_space<vmem>>) target(%dma_start3A_19 : memref<12288x1024xf32, #tpu.memory_space<hbm>>) offsets(%dma_start3A_16 : memref<32xi32, #tpu.memory_space<vmem>>) semaphore(%arg8 : memref<!tpu.dma_semaphore, #tpu.memory_space<semaphore_mem>>)
    %mul3A_20 = arith.constant 256 : i32
    %mul3A_21 = arith.muli %select_n3A_9, %mul3A_20 : i32
    %add3A_22 = arith.constant 32 : i32
    %add3A_23 = arith.addi %mul3A_21, %add3A_22 : i32
    "tpu.region"() ({
      %run_scoped3A = tpu.sem_alloc : memref<!tpu.dma_semaphore, #tpu.memory_space<semaphore_mem>>
      %dma_start3A_152 = arith.constant 0 : i32
      %dma_start3A_153 = tpu.memref_slice %arg2[%add3A_23, %dma_start3A_152] : memref<2048x1024xf32, #tpu.memory_space<hbm>> -> memref<32x1024xf32, #tpu.memory_space<hbm>>
      %dma_start3A_154 = arith.constant 0 : i32
      %dma_start3A_155 = tpu.memref_slice %arg2[%add3A_23, %dma_start3A_154] : memref<2048x1024xf32, #tpu.memory_space<hbm>> -> memref<32x1024xf32, #tpu.memory_space<hbm>>
      tpu.enqueue_dma source(%dma_start3A_155 : memref<32x1024xf32, #tpu.memory_space<hbm>>) target(%arg6 : memref<32x1024xf32, #tpu.memory_space<vmem>>) target_semaphore(%run_scoped3A : memref<!tpu.dma_semaphore, #tpu.memory_space<semaphore_mem>>)
      %dma_wait3A_156 = arith.constant 0 : i32
      %dma_wait3A_157 = tpu.memref_slice %arg2[%add3A_23, %dma_wait3A_156] : memref<2048x1024xf32, #tpu.memory_space<hbm>> -> memref<32x1024xf32, #tpu.memory_space<hbm>>
      %dma_wait3A_158 = arith.constant 0 : i32
      %dma_wait3A_159 = tpu.memref_slice %arg2[%add3A_23, %dma_wait3A_158] : memref<2048x1024xf32, #tpu.memory_space<hbm>> -> memref<32x1024xf32, #tpu.memory_space<hbm>>
      tpu.wait_dma2 semaphore(%run_scoped3A : memref<!tpu.dma_semaphore, #tpu.memory_space<semaphore_mem>>) src(%dma_wait3A_159 : memref<32x1024xf32, #tpu.memory_space<hbm>>) dst(%arg6 : memref<32x1024xf32, #tpu.memory_space<vmem>>)
      tpu.yield
    }) : () -> ()
    %dma_start3A_24 = arith.constant 1 : i32
    %dma_start3A_25 = arith.constant 0 : i32
    %dma_start3A_26 = tpu.memref_slice %arg7[%dma_start3A_24, %dma_start3A_25] : memref<8x32xi32, #tpu.memory_space<vmem>> -> memref<1x32xi32, #tpu.memory_space<vmem>>
    %dma_start3A_27 = tpu.memref_squeeze %dma_start3A_26 : memref<1x32xi32, #tpu.memory_space<vmem>> -> memref<32xi32, #tpu.memory_space<vmem>>
    %dma_start3A_28 = arith.constant 0 : i32
    %dma_start3A_29 = arith.constant 0 : i32
    %dma_start3A_30 = tpu.memref_slice %arg4[%dma_start3A_28, %dma_start3A_29] : memref<12288x1024xf32, #tpu.memory_space<hbm>> -> memref<12288x1024xf32, #tpu.memory_space<hbm>>
    tpu.enqueue_indirect_dma source(%arg6 : memref<32x1024xf32, #tpu.memory_space<vmem>>) target(%dma_start3A_30 : memref<12288x1024xf32, #tpu.memory_space<hbm>>) offsets(%dma_start3A_27 : memref<32xi32, #tpu.memory_space<vmem>>) semaphore(%arg9 : memref<!tpu.dma_semaphore, #tpu.memory_space<semaphore_mem>>)
    %mul3A_31 = arith.constant 256 : i32
    %mul3A_32 = arith.muli %select_n3A_9, %mul3A_31 : i32
    %add3A_33 = arith.constant 64 : i32
    %add3A_34 = arith.addi %mul3A_32, %add3A_33 : i32
    %dma_wait3A = arith.constant 0 : i32
    %dma_wait3A_35 = arith.constant 0 : i32
    %dma_wait3A_36 = tpu.memref_slice %arg7[%dma_wait3A, %dma_wait3A_35] : memref<8x32xi32, #tpu.memory_space<vmem>> -> memref<1x32xi32, #tpu.memory_space<vmem>>
    %dma_wait3A_37 = tpu.memref_squeeze %dma_wait3A_36 : memref<1x32xi32, #tpu.memory_space<vmem>> -> memref<32xi32, #tpu.memory_space<vmem>>
    %dma_wait3A_38 = arith.constant 0 : i32
    %dma_wait3A_39 = arith.constant 0 : i32
    %dma_wait3A_40 = tpu.memref_slice %arg4[%dma_wait3A_38, %dma_wait3A_39] : memref<12288x1024xf32, #tpu.memory_space<hbm>> -> memref<12288x1024xf32, #tpu.memory_space<hbm>>
    tpu.wait_indirect_dma semaphore(%arg8 : memref<!tpu.dma_semaphore, #tpu.memory_space<semaphore_mem>>) src(%arg5 : memref<32x1024xf32, #tpu.memory_space<vmem>>) dst(%dma_wait3A_40 : memref<12288x1024xf32, #tpu.memory_space<hbm>>)
    "tpu.region"() ({
      %run_scoped3A = tpu.sem_alloc : memref<!tpu.dma_semaphore, #tpu.memory_space<semaphore_mem>>
      %dma_start3A_152 = arith.constant 0 : i32
      %dma_start3A_153 = tpu.memref_slice %arg2[%add3A_34, %dma_start3A_152] : memref<2048x1024xf32, #tpu.memory_space<hbm>> -> memref<32x1024xf32, #tpu.memory_space<hbm>>
      %dma_start3A_154 = arith.constant 0 : i32
      %dma_start3A_155 = tpu.memref_slice %arg2[%add3A_34, %dma_start3A_154] : memref<2048x1024xf32, #tpu.memory_space<hbm>> -> memref<32x1024xf32, #tpu.memory_space<hbm>>
      tpu.enqueue_dma source(%dma_start3A_155 : memref<32x1024xf32, #tpu.memory_space<hbm>>) target(%arg5 : memref<32x1024xf32, #tpu.memory_space<vmem>>) target_semaphore(%run_scoped3A : memref<!tpu.dma_semaphore, #tpu.memory_space<semaphore_mem>>)
      %dma_wait3A_156 = arith.constant 0 : i32
      %dma_wait3A_157 = tpu.memref_slice %arg2[%add3A_34, %dma_wait3A_156] : memref<2048x1024xf32, #tpu.memory_space<hbm>> -> memref<32x1024xf32, #tpu.memory_space<hbm>>
      %dma_wait3A_158 = arith.constant 0 : i32
      %dma_wait3A_159 = tpu.memref_slice %arg2[%add3A_34, %dma_wait3A_158] : memref<2048x1024xf32, #tpu.memory_space<hbm>> -> memref<32x1024xf32, #tpu.memory_space<hbm>>
      tpu.wait_dma2 semaphore(%run_scoped3A : memref<!tpu.dma_semaphore, #tpu.memory_space<semaphore_mem>>) src(%dma_wait3A_159 : memref<32x1024xf32, #tpu.memory_space<hbm>>) dst(%arg5 : memref<32x1024xf32, #tpu.memory_space<vmem>>)
      tpu.yield
    }) : () -> ()
    %dma_start3A_41 = arith.constant 2 : i32
    %dma_start3A_42 = arith.constant 0 : i32
    %dma_start3A_43 = tpu.memref_slice %arg7[%dma_start3A_41, %dma_start3A_42] : memref<8x32xi32, #tpu.memory_space<vmem>> -> memref<1x32xi32, #tpu.memory_space<vmem>>
    %dma_start3A_44 = tpu.memref_squeeze %dma_start3A_43 : memref<1x32xi32, #tpu.memory_space<vmem>> -> memref<32xi32, #tpu.memory_space<vmem>>
    %dma_start3A_45 = arith.constant 0 : i32
    %dma_start3A_46 = arith.constant 0 : i32
    %dma_start3A_47 = tpu.memref_slice %arg4[%dma_start3A_45, %dma_start3A_46] : memref<12288x1024xf32, #tpu.memory_space<hbm>> -> memref<12288x1024xf32, #tpu.memory_space<hbm>>
    tpu.enqueue_indirect_dma source(%arg5 : memref<32x1024xf32, #tpu.memory_space<vmem>>) target(%dma_start3A_47 : memref<12288x1024xf32, #tpu.memory_space<hbm>>) offsets(%dma_start3A_44 : memref<32xi32, #tpu.memory_space<vmem>>) semaphore(%arg8 : memref<!tpu.dma_semaphore, #tpu.memory_space<semaphore_mem>>)
    %mul3A_48 = arith.constant 256 : i32
    %mul3A_49 = arith.muli %select_n3A_9, %mul3A_48 : i32
    %add3A_50 = arith.constant 96 : i32
    %add3A_51 = arith.addi %mul3A_49, %add3A_50 : i32
    %dma_wait3A_52 = arith.constant 1 : i32
    %dma_wait3A_53 = arith.constant 0 : i32
    %dma_wait3A_54 = tpu.memref_slice %arg7[%dma_wait3A_52, %dma_wait3A_53] : memref<8x32xi32, #tpu.memory_space<vmem>> -> memref<1x32xi32, #tpu.memory_space<vmem>>
    %dma_wait3A_55 = tpu.memref_squeeze %dma_wait3A_54 : memref<1x32xi32, #tpu.memory_space<vmem>> -> memref<32xi32, #tpu.memory_space<vmem>>
    %dma_wait3A_56 = arith.constant 0 : i32
    %dma_wait3A_57 = arith.constant 0 : i32
    %dma_wait3A_58 = tpu.memref_slice %arg4[%dma_wait3A_56, %dma_wait3A_57] : memref<12288x1024xf32, #tpu.memory_space<hbm>> -> memref<12288x1024xf32, #tpu.memory_space<hbm>>
    tpu.wait_indirect_dma semaphore(%arg9 : memref<!tpu.dma_semaphore, #tpu.memory_space<semaphore_mem>>) src(%arg6 : memref<32x1024xf32, #tpu.memory_space<vmem>>) dst(%dma_wait3A_58 : memref<12288x1024xf32, #tpu.memory_space<hbm>>)
    "tpu.region"() ({
      %run_scoped3A = tpu.sem_alloc : memref<!tpu.dma_semaphore, #tpu.memory_space<semaphore_mem>>
      %dma_start3A_152 = arith.constant 0 : i32
      %dma_start3A_153 = tpu.memref_slice %arg2[%add3A_51, %dma_start3A_152] : memref<2048x1024xf32, #tpu.memory_space<hbm>> -> memref<32x1024xf32, #tpu.memory_space<hbm>>
      %dma_start3A_154 = arith.constant 0 : i32
      %dma_start3A_155 = tpu.memref_slice %arg2[%add3A_51, %dma_start3A_154] : memref<2048x1024xf32, #tpu.memory_space<hbm>> -> memref<32x1024xf32, #tpu.memory_space<hbm>>
      tpu.enqueue_dma source(%dma_start3A_155 : memref<32x1024xf32, #tpu.memory_space<hbm>>) target(%arg6 : memref<32x1024xf32, #tpu.memory_space<vmem>>) target_semaphore(%run_scoped3A : memref<!tpu.dma_semaphore, #tpu.memory_space<semaphore_mem>>)
      %dma_wait3A_156 = arith.constant 0 : i32
      %dma_wait3A_157 = tpu.memref_slice %arg2[%add3A_51, %dma_wait3A_156] : memref<2048x1024xf32, #tpu.memory_space<hbm>> -> memref<32x1024xf32, #tpu.memory_space<hbm>>
      %dma_wait3A_158 = arith.constant 0 : i32
      %dma_wait3A_159 = tpu.memref_slice %arg2[%add3A_51, %dma_wait3A_158] : memref<2048x1024xf32, #tpu.memory_space<hbm>> -> memref<32x1024xf32, #tpu.memory_space<hbm>>
      tpu.wait_dma2 semaphore(%run_scoped3A : memref<!tpu.dma_semaphore, #tpu.memory_space<semaphore_mem>>) src(%dma_wait3A_159 : memref<32x1024xf32, #tpu.memory_space<hbm>>) dst(%arg6 : memref<32x1024xf32, #tpu.memory_space<vmem>>)
      tpu.yield
    }) : () -> ()
    %dma_start3A_59 = arith.constant 3 : i32
    %dma_start3A_60 = arith.constant 0 : i32
    %dma_start3A_61 = tpu.memref_slice %arg7[%dma_start3A_59, %dma_start3A_60] : memref<8x32xi32, #tpu.memory_space<vmem>> -> memref<1x32xi32, #tpu.memory_space<vmem>>
    %dma_start3A_62 = tpu.memref_squeeze %dma_start3A_61 : memref<1x32xi32, #tpu.memory_space<vmem>> -> memref<32xi32, #tpu.memory_space<vmem>>
    %dma_start3A_63 = arith.constant 0 : i32
    %dma_start3A_64 = arith.constant 0 : i32
    %dma_start3A_65 = tpu.memref_slice %arg4[%dma_start3A_63, %dma_start3A_64] : memref<12288x1024xf32, #tpu.memory_space<hbm>> -> memref<12288x1024xf32, #tpu.memory_space<hbm>>
    tpu.enqueue_indirect_dma source(%arg6 : memref<32x1024xf32, #tpu.memory_space<vmem>>) target(%dma_start3A_65 : memref<12288x1024xf32, #tpu.memory_space<hbm>>) offsets(%dma_start3A_62 : memref<32xi32, #tpu.memory_space<vmem>>) semaphore(%arg9 : memref<!tpu.dma_semaphore, #tpu.memory_space<semaphore_mem>>)
    %mul3A_66 = arith.constant 256 : i32
    %mul3A_67 = arith.muli %select_n3A_9, %mul3A_66 : i32
    %add3A_68 = arith.constant 128 : i32
    %add3A_69 = arith.addi %mul3A_67, %add3A_68 : i32
    %dma_wait3A_70 = arith.constant 2 : i32
    %dma_wait3A_71 = arith.constant 0 : i32
    %dma_wait3A_72 = tpu.memref_slice %arg7[%dma_wait3A_70, %dma_wait3A_71] : memref<8x32xi32, #tpu.memory_space<vmem>> -> memref<1x32xi32, #tpu.memory_space<vmem>>
    %dma_wait3A_73 = tpu.memref_squeeze %dma_wait3A_72 : memref<1x32xi32, #tpu.memory_space<vmem>> -> memref<32xi32, #tpu.memory_space<vmem>>
    %dma_wait3A_74 = arith.constant 0 : i32
    %dma_wait3A_75 = arith.constant 0 : i32
    %dma_wait3A_76 = tpu.memref_slice %arg4[%dma_wait3A_74, %dma_wait3A_75] : memref<12288x1024xf32, #tpu.memory_space<hbm>> -> memref<12288x1024xf32, #tpu.memory_space<hbm>>
    tpu.wait_indirect_dma semaphore(%arg8 : memref<!tpu.dma_semaphore, #tpu.memory_space<semaphore_mem>>) src(%arg5 : memref<32x1024xf32, #tpu.memory_space<vmem>>) dst(%dma_wait3A_76 : memref<12288x1024xf32, #tpu.memory_space<hbm>>)
    "tpu.region"() ({
      %run_scoped3A = tpu.sem_alloc : memref<!tpu.dma_semaphore, #tpu.memory_space<semaphore_mem>>
      %dma_start3A_152 = arith.constant 0 : i32
      %dma_start3A_153 = tpu.memref_slice %arg2[%add3A_69, %dma_start3A_152] : memref<2048x1024xf32, #tpu.memory_space<hbm>> -> memref<32x1024xf32, #tpu.memory_space<hbm>>
      %dma_start3A_154 = arith.constant 0 : i32
      %dma_start3A_155 = tpu.memref_slice %arg2[%add3A_69, %dma_start3A_154] : memref<2048x1024xf32, #tpu.memory_space<hbm>> -> memref<32x1024xf32, #tpu.memory_space<hbm>>
      tpu.enqueue_dma source(%dma_start3A_155 : memref<32x1024xf32, #tpu.memory_space<hbm>>) target(%arg5 : memref<32x1024xf32, #tpu.memory_space<vmem>>) target_semaphore(%run_scoped3A : memref<!tpu.dma_semaphore, #tpu.memory_space<semaphore_mem>>)
      %dma_wait3A_156 = arith.constant 0 : i32
      %dma_wait3A_157 = tpu.memref_slice %arg2[%add3A_69, %dma_wait3A_156] : memref<2048x1024xf32, #tpu.memory_space<hbm>> -> memref<32x1024xf32, #tpu.memory_space<hbm>>
      %dma_wait3A_158 = arith.constant 0 : i32
      %dma_wait3A_159 = tpu.memref_slice %arg2[%add3A_69, %dma_wait3A_158] : memref<2048x1024xf32, #tpu.memory_space<hbm>> -> memref<32x1024xf32, #tpu.memory_space<hbm>>
      tpu.wait_dma2 semaphore(%run_scoped3A : memref<!tpu.dma_semaphore, #tpu.memory_space<semaphore_mem>>) src(%dma_wait3A_159 : memref<32x1024xf32, #tpu.memory_space<hbm>>) dst(%arg5 : memref<32x1024xf32, #tpu.memory_space<vmem>>)
      tpu.yield
    }) : () -> ()
    %dma_start3A_77 = arith.constant 4 : i32
    %dma_start3A_78 = arith.constant 0 : i32
    %dma_start3A_79 = tpu.memref_slice %arg7[%dma_start3A_77, %dma_start3A_78] : memref<8x32xi32, #tpu.memory_space<vmem>> -> memref<1x32xi32, #tpu.memory_space<vmem>>
    %dma_start3A_80 = tpu.memref_squeeze %dma_start3A_79 : memref<1x32xi32, #tpu.memory_space<vmem>> -> memref<32xi32, #tpu.memory_space<vmem>>
    %dma_start3A_81 = arith.constant 0 : i32
    %dma_start3A_82 = arith.constant 0 : i32
    %dma_start3A_83 = tpu.memref_slice %arg4[%dma_start3A_81, %dma_start3A_82] : memref<12288x1024xf32, #tpu.memory_space<hbm>> -> memref<12288x1024xf32, #tpu.memory_space<hbm>>
    tpu.enqueue_indirect_dma source(%arg5 : memref<32x1024xf32, #tpu.memory_space<vmem>>) target(%dma_start3A_83 : memref<12288x1024xf32, #tpu.memory_space<hbm>>) offsets(%dma_start3A_80 : memref<32xi32, #tpu.memory_space<vmem>>) semaphore(%arg8 : memref<!tpu.dma_semaphore, #tpu.memory_space<semaphore_mem>>)
    %mul3A_84 = arith.constant 256 : i32
    %mul3A_85 = arith.muli %select_n3A_9, %mul3A_84 : i32
    %add3A_86 = arith.constant 160 : i32
    %add3A_87 = arith.addi %mul3A_85, %add3A_86 : i32
    %dma_wait3A_88 = arith.constant 3 : i32
    %dma_wait3A_89 = arith.constant 0 : i32
    %dma_wait3A_90 = tpu.memref_slice %arg7[%dma_wait3A_88, %dma_wait3A_89] : memref<8x32xi32, #tpu.memory_space<vmem>> -> memref<1x32xi32, #tpu.memory_space<vmem>>
    %dma_wait3A_91 = tpu.memref_squeeze %dma_wait3A_90 : memref<1x32xi32, #tpu.memory_space<vmem>> -> memref<32xi32, #tpu.memory_space<vmem>>
    %dma_wait3A_92 = arith.constant 0 : i32
    %dma_wait3A_93 = arith.constant 0 : i32
    %dma_wait3A_94 = tpu.memref_slice %arg4[%dma_wait3A_92, %dma_wait3A_93] : memref<12288x1024xf32, #tpu.memory_space<hbm>> -> memref<12288x1024xf32, #tpu.memory_space<hbm>>
    tpu.wait_indirect_dma semaphore(%arg9 : memref<!tpu.dma_semaphore, #tpu.memory_space<semaphore_mem>>) src(%arg6 : memref<32x1024xf32, #tpu.memory_space<vmem>>) dst(%dma_wait3A_94 : memref<12288x1024xf32, #tpu.memory_space<hbm>>)
    "tpu.region"() ({
      %run_scoped3A = tpu.sem_alloc : memref<!tpu.dma_semaphore, #tpu.memory_space<semaphore_mem>>
      %dma_start3A_152 = arith.constant 0 : i32
      %dma_start3A_153 = tpu.memref_slice %arg2[%add3A_87, %dma_start3A_152] : memref<2048x1024xf32, #tpu.memory_space<hbm>> -> memref<32x1024xf32, #tpu.memory_space<hbm>>
      %dma_start3A_154 = arith.constant 0 : i32
      %dma_start3A_155 = tpu.memref_slice %arg2[%add3A_87, %dma_start3A_154] : memref<2048x1024xf32, #tpu.memory_space<hbm>> -> memref<32x1024xf32, #tpu.memory_space<hbm>>
      tpu.enqueue_dma source(%dma_start3A_155 : memref<32x1024xf32, #tpu.memory_space<hbm>>) target(%arg6 : memref<32x1024xf32, #tpu.memory_space<vmem>>) target_semaphore(%run_scoped3A : memref<!tpu.dma_semaphore, #tpu.memory_space<semaphore_mem>>)
      %dma_wait3A_156 = arith.constant 0 : i32
      %dma_wait3A_157 = tpu.memref_slice %arg2[%add3A_87, %dma_wait3A_156] : memref<2048x1024xf32, #tpu.memory_space<hbm>> -> memref<32x1024xf32, #tpu.memory_space<hbm>>
      %dma_wait3A_158 = arith.constant 0 : i32
      %dma_wait3A_159 = tpu.memref_slice %arg2[%add3A_87, %dma_wait3A_158] : memref<2048x1024xf32, #tpu.memory_space<hbm>> -> memref<32x1024xf32, #tpu.memory_space<hbm>>
      tpu.wait_dma2 semaphore(%run_scoped3A : memref<!tpu.dma_semaphore, #tpu.memory_space<semaphore_mem>>) src(%dma_wait3A_159 : memref<32x1024xf32, #tpu.memory_space<hbm>>) dst(%arg6 : memref<32x1024xf32, #tpu.memory_space<vmem>>)
      tpu.yield
    }) : () -> ()
    %dma_start3A_95 = arith.constant 5 : i32
    %dma_start3A_96 = arith.constant 0 : i32
    %dma_start3A_97 = tpu.memref_slice %arg7[%dma_start3A_95, %dma_start3A_96] : memref<8x32xi32, #tpu.memory_space<vmem>> -> memref<1x32xi32, #tpu.memory_space<vmem>>
    %dma_start3A_98 = tpu.memref_squeeze %dma_start3A_97 : memref<1x32xi32, #tpu.memory_space<vmem>> -> memref<32xi32, #tpu.memory_space<vmem>>
    %dma_start3A_99 = arith.constant 0 : i32
    %dma_start3A_100 = arith.constant 0 : i32
    %dma_start3A_101 = tpu.memref_slice %arg4[%dma_start3A_99, %dma_start3A_100] : memref<12288x1024xf32, #tpu.memory_space<hbm>> -> memref<12288x1024xf32, #tpu.memory_space<hbm>>
    tpu.enqueue_indirect_dma source(%arg6 : memref<32x1024xf32, #tpu.memory_space<vmem>>) target(%dma_start3A_101 : memref<12288x1024xf32, #tpu.memory_space<hbm>>) offsets(%dma_start3A_98 : memref<32xi32, #tpu.memory_space<vmem>>) semaphore(%arg9 : memref<!tpu.dma_semaphore, #tpu.memory_space<semaphore_mem>>)
    %mul3A_102 = arith.constant 256 : i32
    %mul3A_103 = arith.muli %select_n3A_9, %mul3A_102 : i32
    %add3A_104 = arith.constant 192 : i32
    %add3A_105 = arith.addi %mul3A_103, %add3A_104 : i32
    %dma_wait3A_106 = arith.constant 4 : i32
    %dma_wait3A_107 = arith.constant 0 : i32
    %dma_wait3A_108 = tpu.memref_slice %arg7[%dma_wait3A_106, %dma_wait3A_107] : memref<8x32xi32, #tpu.memory_space<vmem>> -> memref<1x32xi32, #tpu.memory_space<vmem>>
    %dma_wait3A_109 = tpu.memref_squeeze %dma_wait3A_108 : memref<1x32xi32, #tpu.memory_space<vmem>> -> memref<32xi32, #tpu.memory_space<vmem>>
    %dma_wait3A_110 = arith.constant 0 : i32
    %dma_wait3A_111 = arith.constant 0 : i32
    %dma_wait3A_112 = tpu.memref_slice %arg4[%dma_wait3A_110, %dma_wait3A_111] : memref<12288x1024xf32, #tpu.memory_space<hbm>> -> memref<12288x1024xf32, #tpu.memory_space<hbm>>
    tpu.wait_indirect_dma semaphore(%arg8 : memref<!tpu.dma_semaphore, #tpu.memory_space<semaphore_mem>>) src(%arg5 : memref<32x1024xf32, #tpu.memory_space<vmem>>) dst(%dma_wait3A_112 : memref<12288x1024xf32, #tpu.memory_space<hbm>>)
    "tpu.region"() ({
      %run_scoped3A = tpu.sem_alloc : memref<!tpu.dma_semaphore, #tpu.memory_space<semaphore_mem>>
      %dma_start3A_152 = arith.constant 0 : i32
      %dma_start3A_153 = tpu.memref_slice %arg2[%add3A_105, %dma_start3A_152] : memref<2048x1024xf32, #tpu.memory_space<hbm>> -> memref<32x1024xf32, #tpu.memory_space<hbm>>
      %dma_start3A_154 = arith.constant 0 : i32
      %dma_start3A_155 = tpu.memref_slice %arg2[%add3A_105, %dma_start3A_154] : memref<2048x1024xf32, #tpu.memory_space<hbm>> -> memref<32x1024xf32, #tpu.memory_space<hbm>>
      tpu.enqueue_dma source(%dma_start3A_155 : memref<32x1024xf32, #tpu.memory_space<hbm>>) target(%arg5 : memref<32x1024xf32, #tpu.memory_space<vmem>>) target_semaphore(%run_scoped3A : memref<!tpu.dma_semaphore, #tpu.memory_space<semaphore_mem>>)
      %dma_wait3A_156 = arith.constant 0 : i32
      %dma_wait3A_157 = tpu.memref_slice %arg2[%add3A_105, %dma_wait3A_156] : memref<2048x1024xf32, #tpu.memory_space<hbm>> -> memref<32x1024xf32, #tpu.memory_space<hbm>>
      %dma_wait3A_158 = arith.constant 0 : i32
      %dma_wait3A_159 = tpu.memref_slice %arg2[%add3A_105, %dma_wait3A_158] : memref<2048x1024xf32, #tpu.memory_space<hbm>> -> memref<32x1024xf32, #tpu.memory_space<hbm>>
      tpu.wait_dma2 semaphore(%run_scoped3A : memref<!tpu.dma_semaphore, #tpu.memory_space<semaphore_mem>>) src(%dma_wait3A_159 : memref<32x1024xf32, #tpu.memory_space<hbm>>) dst(%arg5 : memref<32x1024xf32, #tpu.memory_space<vmem>>)
      tpu.yield
    }) : () -> ()
    %dma_start3A_113 = arith.constant 6 : i32
    %dma_start3A_114 = arith.constant 0 : i32
    %dma_start3A_115 = tpu.memref_slice %arg7[%dma_start3A_113, %dma_start3A_114] : memref<8x32xi32, #tpu.memory_space<vmem>> -> memref<1x32xi32, #tpu.memory_space<vmem>>
    %dma_start3A_116 = tpu.memref_squeeze %dma_start3A_115 : memref<1x32xi32, #tpu.memory_space<vmem>> -> memref<32xi32, #tpu.memory_space<vmem>>
    %dma_start3A_117 = arith.constant 0 : i32
    %dma_start3A_118 = arith.constant 0 : i32
    %dma_start3A_119 = tpu.memref_slice %arg4[%dma_start3A_117, %dma_start3A_118] : memref<12288x1024xf32, #tpu.memory_space<hbm>> -> memref<12288x1024xf32, #tpu.memory_space<hbm>>
    tpu.enqueue_indirect_dma source(%arg5 : memref<32x1024xf32, #tpu.memory_space<vmem>>) target(%dma_start3A_119 : memref<12288x1024xf32, #tpu.memory_space<hbm>>) offsets(%dma_start3A_116 : memref<32xi32, #tpu.memory_space<vmem>>) semaphore(%arg8 : memref<!tpu.dma_semaphore, #tpu.memory_space<semaphore_mem>>)
    %mul3A_120 = arith.constant 256 : i32
    %mul3A_121 = arith.muli %select_n3A_9, %mul3A_120 : i32
    %add3A_122 = arith.constant 224 : i32
    %add3A_123 = arith.addi %mul3A_121, %add3A_122 : i32
    %dma_wait3A_124 = arith.constant 5 : i32
    %dma_wait3A_125 = arith.constant 0 : i32
    %dma_wait3A_126 = tpu.memref_slice %arg7[%dma_wait3A_124, %dma_wait3A_125] : memref<8x32xi32, #tpu.memory_space<vmem>> -> memref<1x32xi32, #tpu.memory_space<vmem>>
    %dma_wait3A_127 = tpu.memref_squeeze %dma_wait3A_126 : memref<1x32xi32, #tpu.memory_space<vmem>> -> memref<32xi32, #tpu.memory_space<vmem>>
    %dma_wait3A_128 = arith.constant 0 : i32
    %dma_wait3A_129 = arith.constant 0 : i32
    %dma_wait3A_130 = tpu.memref_slice %arg4[%dma_wait3A_128, %dma_wait3A_129] : memref<12288x1024xf32, #tpu.memory_space<hbm>> -> memref<12288x1024xf32, #tpu.memory_space<hbm>>
    tpu.wait_indirect_dma semaphore(%arg9 : memref<!tpu.dma_semaphore, #tpu.memory_space<semaphore_mem>>) src(%arg6 : memref<32x1024xf32, #tpu.memory_space<vmem>>) dst(%dma_wait3A_130 : memref<12288x1024xf32, #tpu.memory_space<hbm>>)
    "tpu.region"() ({
      %run_scoped3A = tpu.sem_alloc : memref<!tpu.dma_semaphore, #tpu.memory_space<semaphore_mem>>
      %dma_start3A_152 = arith.constant 0 : i32
      %dma_start3A_153 = tpu.memref_slice %arg2[%add3A_123, %dma_start3A_152] : memref<2048x1024xf32, #tpu.memory_space<hbm>> -> memref<32x1024xf32, #tpu.memory_space<hbm>>
      %dma_start3A_154 = arith.constant 0 : i32
      %dma_start3A_155 = tpu.memref_slice %arg2[%add3A_123, %dma_start3A_154] : memref<2048x1024xf32, #tpu.memory_space<hbm>> -> memref<32x1024xf32, #tpu.memory_space<hbm>>
      tpu.enqueue_dma source(%dma_start3A_155 : memref<32x1024xf32, #tpu.memory_space<hbm>>) target(%arg6 : memref<32x1024xf32, #tpu.memory_space<vmem>>) target_semaphore(%run_scoped3A : memref<!tpu.dma_semaphore, #tpu.memory_space<semaphore_mem>>)
      %dma_wait3A_156 = arith.constant 0 : i32
      %dma_wait3A_157 = tpu.memref_slice %arg2[%add3A_123, %dma_wait3A_156] : memref<2048x1024xf32, #tpu.memory_space<hbm>> -> memref<32x1024xf32, #tpu.memory_space<hbm>>
      %dma_wait3A_158 = arith.constant 0 : i32
      %dma_wait3A_159 = tpu.memref_slice %arg2[%add3A_123, %dma_wait3A_158] : memref<2048x1024xf32, #tpu.memory_space<hbm>> -> memref<32x1024xf32, #tpu.memory_space<hbm>>
      tpu.wait_dma2 semaphore(%run_scoped3A : memref<!tpu.dma_semaphore, #tpu.memory_space<semaphore_mem>>) src(%dma_wait3A_159 : memref<32x1024xf32, #tpu.memory_space<hbm>>) dst(%arg6 : memref<32x1024xf32, #tpu.memory_space<vmem>>)
      tpu.yield
    }) : () -> ()
    %dma_start3A_131 = arith.constant 7 : i32
    %dma_start3A_132 = arith.constant 0 : i32
    %dma_start3A_133 = tpu.memref_slice %arg7[%dma_start3A_131, %dma_start3A_132] : memref<8x32xi32, #tpu.memory_space<vmem>> -> memref<1x32xi32, #tpu.memory_space<vmem>>
    %dma_start3A_134 = tpu.memref_squeeze %dma_start3A_133 : memref<1x32xi32, #tpu.memory_space<vmem>> -> memref<32xi32, #tpu.memory_space<vmem>>
    %dma_start3A_135 = arith.constant 0 : i32
    %dma_start3A_136 = arith.constant 0 : i32
    %dma_start3A_137 = tpu.memref_slice %arg4[%dma_start3A_135, %dma_start3A_136] : memref<12288x1024xf32, #tpu.memory_space<hbm>> -> memref<12288x1024xf32, #tpu.memory_space<hbm>>
    tpu.enqueue_indirect_dma source(%arg6 : memref<32x1024xf32, #tpu.memory_space<vmem>>) target(%dma_start3A_137 : memref<12288x1024xf32, #tpu.memory_space<hbm>>) offsets(%dma_start3A_134 : memref<32xi32, #tpu.memory_space<vmem>>) semaphore(%arg9 : memref<!tpu.dma_semaphore, #tpu.memory_space<semaphore_mem>>)
    %dma_wait3A_138 = arith.constant 6 : i32
    %dma_wait3A_139 = arith.constant 0 : i32
    %dma_wait3A_140 = tpu.memref_slice %arg7[%dma_wait3A_138, %dma_wait3A_139] : memref<8x32xi32, #tpu.memory_space<vmem>> -> memref<1x32xi32, #tpu.memory_space<vmem>>
    %dma_wait3A_141 = tpu.memref_squeeze %dma_wait3A_140 : memref<1x32xi32, #tpu.memory_space<vmem>> -> memref<32xi32, #tpu.memory_space<vmem>>
    %dma_wait3A_142 = arith.constant 0 : i32
    %dma_wait3A_143 = arith.constant 0 : i32
    %dma_wait3A_144 = tpu.memref_slice %arg4[%dma_wait3A_142, %dma_wait3A_143] : memref<12288x1024xf32, #tpu.memory_space<hbm>> -> memref<12288x1024xf32, #tpu.memory_space<hbm>>
    tpu.wait_indirect_dma semaphore(%arg8 : memref<!tpu.dma_semaphore, #tpu.memory_space<semaphore_mem>>) src(%arg5 : memref<32x1024xf32, #tpu.memory_space<vmem>>) dst(%dma_wait3A_144 : memref<12288x1024xf32, #tpu.memory_space<hbm>>)
    %dma_wait3A_145 = arith.constant 7 : i32
    %dma_wait3A_146 = arith.constant 0 : i32
    %dma_wait3A_147 = tpu.memref_slice %arg7[%dma_wait3A_145, %dma_wait3A_146] : memref<8x32xi32, #tpu.memory_space<vmem>> -> memref<1x32xi32, #tpu.memory_space<vmem>>
    %dma_wait3A_148 = tpu.memref_squeeze %dma_wait3A_147 : memref<1x32xi32, #tpu.memory_space<vmem>> -> memref<32xi32, #tpu.memory_space<vmem>>
    %dma_wait3A_149 = arith.constant 0 : i32
    %dma_wait3A_150 = arith.constant 0 : i32
    %dma_wait3A_151 = tpu.memref_slice %arg4[%dma_wait3A_149, %dma_wait3A_150] : memref<12288x1024xf32, #tpu.memory_space<hbm>> -> memref<12288x1024xf32, #tpu.memory_space<hbm>>
    tpu.wait_indirect_dma semaphore(%arg9 : memref<!tpu.dma_semaphore, #tpu.memory_space<semaphore_mem>>) src(%arg6 : memref<32x1024xf32, #tpu.memory_space<vmem>>) dst(%dma_wait3A_151 : memref<12288x1024xf32, #tpu.memory_space<hbm>>)
    return
  }
}

module attributes {stable_mosaic.version = 14 : i64} {
  func.func @_gate_body(%arg0: memref<2048x1024xf32, #tpu.memory_space<vmem>>, %arg1: memref<1024x16xf32, #tpu.memory_space<vmem>>, %arg2: memref<1x16xf32, #tpu.memory_space<vmem>>, %arg3: memref<2048x4xi32, #tpu.memory_space<vmem>>, %arg4: memref<2048x16xf32, #tpu.memory_space<vmem>>, %arg5: memref<1x128xi32, #tpu.memory_space<vmem>>, %arg6: memref<1x128xi32, #tpu.memory_space<vmem>>) attributes {dimension_semantics = [], scalar_prefetch = 0 : i64, scratch_operands = 0 : i64, tpu.core_type = #tpu.core_type<tc>} {
    %get3A = arith.constant 0 : index
    %get3A_0 = arith.constant 0 : index
    %get3A_1 = vector.load %arg0[%get3A, %get3A_0] : memref<2048x1024xf32, #tpu.memory_space<vmem>>, vector<2048x1024xf32>
    %get3A_2 = arith.constant 0 : index
    %get3A_3 = arith.constant 0 : index
    %get3A_4 = vector.load %arg1[%get3A_2, %get3A_3] : memref<1024x16xf32, #tpu.memory_space<vmem>>, vector<1024x16xf32>
    %dot_general3A = arith.constant dense<0.000000e+00> : vector<2048x16xf32>
    %dot_general3A_5 = tpu.matmul %get3A_1, %get3A_4, %dot_general3A {dimension_numbers = #tpu.dot_dimension_numbers<[1], [0], [0], [1], [0, 0, 1, 1], [], []>, transpose_lhs_hint = false} : vector<2048x1024xf32>, vector<1024x16xf32>, vector<2048x16xf32> -> vector<2048x16xf32>
    %neg3A = arith.constant 0.000000e+00 : f32
    %neg3A_6 = vector.broadcast %neg3A : f32 to vector<2048x16xf32>
    %neg3A_7 = arith.subf %neg3A_6, %dot_general3A_5 : vector<2048x16xf32>
    %exp3A = math.exp %neg3A_7 : vector<2048x16xf32>
    %add3A = arith.constant 1.000000e+00 : f32
    %add3A_8 = vector.broadcast %add3A : f32 to vector<2048x16xf32>
    %add3A_9 = arith.addf %add3A_8, %exp3A : vector<2048x16xf32>
    %div3A = arith.constant 1.000000e+00 : f32
    %div3A_10 = vector.broadcast %div3A : f32 to vector<2048x16xf32>
    %div3A_11 = arith.divf %div3A_10, %add3A_9 : vector<2048x16xf32>
    %get3A_12 = arith.constant 0 : index
    %get3A_13 = arith.constant 0 : index
    %get3A_14 = vector.load %arg2[%get3A_12, %get3A_13] : memref<1x16xf32, #tpu.memory_space<vmem>>, vector<1x16xf32>
    %add3A_15 = vector.broadcast %get3A_14 : vector<1x16xf32> to vector<2048x16xf32>
    %add3A_16 = arith.addf %div3A_11, %add3A_15 : vector<2048x16xf32>
    %iota3A = tpu.iota {dimensions = array<i32: 1>} : vector<2048x16xi32>
    %broadcast_in_dim3A = arith.constant 0.000000e+00 : f32
    %broadcast_in_dim3A_17 = vector.broadcast %broadcast_in_dim3A : f32 to vector<2048x4xf32>
    %iota3A_18 = tpu.iota {dimensions = array<i32: 1>} : vector<2048x4xi32>
    %jit3A = arith.constant 4 : i32
    %div3A_19 = vector.broadcast %jit3A : i32 to vector<2048x16xi32>
    %div3A_20 = arith.divsi %iota3A, %div3A_19 : vector<2048x16xi32>
    %sign3A = arith.constant 0 : i32
    %sign3A_21 = vector.broadcast %sign3A : i32 to vector<2048x16xi32>
    %sign3A_22 = arith.cmpi sgt, %iota3A, %sign3A_21 : vector<2048x16xi32>
    %sign3A_23 = arith.extui %sign3A_22 : vector<2048x16xi1> to vector<2048x16xi32>
    %sign3A_24 = arith.constant 0 : i32
    %sign3A_25 = vector.broadcast %sign3A_24 : i32 to vector<2048x16xi32>
    %sign3A_26 = arith.cmpi slt, %iota3A, %sign3A_25 : vector<2048x16xi32>
    %sign3A_27 = arith.extui %sign3A_26 : vector<2048x16xi1> to vector<2048x16xi32>
    %sign3A_28 = arith.subi %sign3A_23, %sign3A_27 : vector<2048x16xi32>
    %sign3A_29 = arith.constant 0 : i32
    %sign3A_30 = arith.cmpi sgt, %jit3A, %sign3A_29 : i32
    %sign3A_31 = arith.extui %sign3A_30 : i1 to i32
    %sign3A_32 = arith.constant 0 : i32
    %sign3A_33 = arith.cmpi slt, %jit3A, %sign3A_32 : i32
    %sign3A_34 = arith.extui %sign3A_33 : i1 to i32
    %sign3A_35 = arith.subi %sign3A_31, %sign3A_34 : i32
    %ne3A = vector.broadcast %sign3A_35 : i32 to vector<2048x16xi32>
    %ne3A_36 = arith.cmpi ne, %sign3A_28, %ne3A : vector<2048x16xi32>
    %rem3A = vector.broadcast %jit3A : i32 to vector<2048x16xi32>
    %rem3A_37 = arith.remsi %iota3A, %rem3A : vector<2048x16xi32>
    %ne3A_38 = arith.constant 0 : i32
    %ne3A_39 = vector.broadcast %ne3A_38 : i32 to vector<2048x16xi32>
    %ne3A_40 = arith.cmpi ne, %rem3A_37, %ne3A_39 : vector<2048x16xi32>
    %and3A = arith.andi %ne3A_36, %ne3A_40 : vector<2048x16xi1>
    %sub3A = arith.constant 1 : i32
    %sub3A_41 = vector.broadcast %sub3A : i32 to vector<2048x16xi32>
    %sub3A_42 = arith.subi %div3A_20, %sub3A_41 : vector<2048x16xi32>
    %select_n3A = arith.select %and3A, %sub3A_42, %div3A_20 : vector<2048x16xi1>, vector<2048x16xi32>
    %eq3A = arith.constant 0 : i32
    %eq3A_43 = vector.broadcast %eq3A : i32 to vector<2048x16xi32>
    %eq3A_44 = arith.cmpi eq, %select_n3A, %eq3A_43 : vector<2048x16xi32>
    %jit3A_45 = arith.constant -1.000000e+30 : f32
    %broadcast_in_dim3A_46 = vector.broadcast %jit3A_45 : f32 to vector<2048x16xf32>
    %select_n3A_47 = arith.select %eq3A_44, %add3A_16, %broadcast_in_dim3A_46 : vector<2048x16xi1>, vector<2048x16xf32>
    %reduce_max3A = arith.constant dense<0xFF800000> : vector<2048xf32>
    %reduce_max3A_48 = vector.multi_reduction <maximumf>, %select_n3A_47, %reduce_max3A [1] : vector<2048x16xf32> to vector<2048xf32>
    %broadcast_in_dim3A_49 = vector.shape_cast %reduce_max3A_48 : vector<2048xf32> to vector<2048x1xf32>
    %eq3A_50 = vector.broadcast %broadcast_in_dim3A_49 : vector<2048x1xf32> to vector<2048x16xf32>
    %eq3A_51 = arith.cmpf oeq, %select_n3A_47, %eq3A_50 : vector<2048x16xf32>
    %and3A_52 = arith.andi %eq3A_51, %eq3A_44 : vector<2048x16xi1>
    %jit3A_53 = arith.constant 16 : i32
    %broadcast_in_dim3A_54 = vector.broadcast %jit3A_53 : i32 to vector<2048x16xi32>
    %select_n3A_55 = arith.select %and3A_52, %iota3A, %broadcast_in_dim3A_54 : vector<2048x16xi1>, vector<2048x16xi32>
    %reduce_min3A = arith.constant dense<2147483647> : vector<2048xi32>
    %reduce_min3A_56 = vector.multi_reduction <minsi>, %select_n3A_55, %reduce_min3A [1] : vector<2048x16xi32> to vector<2048xi32>
    %broadcast_in_dim3A_57 = vector.shape_cast %reduce_min3A_56 : vector<2048xi32> to vector<2048x1xi32>
    %eq3A_58 = vector.broadcast %broadcast_in_dim3A_57 : vector<2048x1xi32> to vector<2048x16xi32>
    %eq3A_59 = arith.cmpi eq, %iota3A, %eq3A_58 : vector<2048x16xi32>
    %jit3A_60 = arith.constant -1.000000e+30 : f32
    %broadcast_in_dim3A_61 = vector.broadcast %jit3A_60 : f32 to vector<2048x16xf32>
    %select_n3A_62 = arith.select %eq3A_59, %broadcast_in_dim3A_61, %select_n3A_47 : vector<2048x16xi1>, vector<2048x16xf32>
    %reduce_max3A_63 = arith.constant dense<0xFF800000> : vector<2048xf32>
    %reduce_max3A_64 = vector.multi_reduction <maximumf>, %select_n3A_62, %reduce_max3A_63 [1] : vector<2048x16xf32> to vector<2048xf32>
    %broadcast_in_dim3A_65 = vector.shape_cast %reduce_max3A_64 : vector<2048xf32> to vector<2048x1xf32>
    %eq3A_66 = arith.constant 0 : i32
    %eq3A_67 = vector.broadcast %eq3A_66 : i32 to vector<2048x4xi32>
    %eq3A_68 = arith.cmpi eq, %iota3A_18, %eq3A_67 : vector<2048x4xi32>
    %add3A_69 = arith.addf %broadcast_in_dim3A_49, %broadcast_in_dim3A_65 : vector<2048x1xf32>
    %jit3A_70 = arith.constant 0.000000e+00 : f32
    %broadcast_in_dim3A_71 = vector.shape_cast %add3A_69 : vector<2048x1xf32> to vector<2048x1xf32>
    %broadcast_in_dim3A_72 = vector.broadcast %broadcast_in_dim3A_71 : vector<2048x1xf32> to vector<2048x4xf32>
    %broadcast_in_dim3A_73 = vector.broadcast %jit3A_70 : f32 to vector<2048x4xf32>
    %select_n3A_74 = arith.select %eq3A_68, %broadcast_in_dim3A_72, %broadcast_in_dim3A_73 : vector<2048x4xi1>, vector<2048x4xf32>
    %add3A_75 = arith.addf %broadcast_in_dim3A_17, %select_n3A_74 : vector<2048x4xf32>
    %jit3A_76 = arith.constant 4 : i32
    %div3A_77 = vector.broadcast %jit3A_76 : i32 to vector<2048x16xi32>
    %div3A_78 = arith.divsi %iota3A, %div3A_77 : vector<2048x16xi32>
    %sign3A_79 = arith.constant 0 : i32
    %sign3A_80 = vector.broadcast %sign3A_79 : i32 to vector<2048x16xi32>
    %sign3A_81 = arith.cmpi sgt, %iota3A, %sign3A_80 : vector<2048x16xi32>
    %sign3A_82 = arith.extui %sign3A_81 : vector<2048x16xi1> to vector<2048x16xi32>
    %sign3A_83 = arith.constant 0 : i32
    %sign3A_84 = vector.broadcast %sign3A_83 : i32 to vector<2048x16xi32>
    %sign3A_85 = arith.cmpi slt, %iota3A, %sign3A_84 : vector<2048x16xi32>
    %sign3A_86 = arith.extui %sign3A_85 : vector<2048x16xi1> to vector<2048x16xi32>
    %sign3A_87 = arith.subi %sign3A_82, %sign3A_86 : vector<2048x16xi32>
    %sign3A_88 = arith.constant 0 : i32
    %sign3A_89 = arith.cmpi sgt, %jit3A_76, %sign3A_88 : i32
    %sign3A_90 = arith.extui %sign3A_89 : i1 to i32
    %sign3A_91 = arith.constant 0 : i32
    %sign3A_92 = arith.cmpi slt, %jit3A_76, %sign3A_91 : i32
    %sign3A_93 = arith.extui %sign3A_92 : i1 to i32
    %sign3A_94 = arith.subi %sign3A_90, %sign3A_93 : i32
    %ne3A_95 = vector.broadcast %sign3A_94 : i32 to vector<2048x16xi32>
    %ne3A_96 = arith.cmpi ne, %sign3A_87, %ne3A_95 : vector<2048x16xi32>
    %rem3A_97 = vector.broadcast %jit3A_76 : i32 to vector<2048x16xi32>
    %rem3A_98 = arith.remsi %iota3A, %rem3A_97 : vector<2048x16xi32>
    %ne3A_99 = arith.constant 0 : i32
    %ne3A_100 = vector.broadcast %ne3A_99 : i32 to vector<2048x16xi32>
    %ne3A_101 = arith.cmpi ne, %rem3A_98, %ne3A_100 : vector<2048x16xi32>
    %and3A_102 = arith.andi %ne3A_96, %ne3A_101 : vector<2048x16xi1>
    %sub3A_103 = arith.constant 1 : i32
    %sub3A_104 = vector.broadcast %sub3A_103 : i32 to vector<2048x16xi32>
    %sub3A_105 = arith.subi %div3A_78, %sub3A_104 : vector<2048x16xi32>
    %select_n3A_106 = arith.select %and3A_102, %sub3A_105, %div3A_78 : vector<2048x16xi1>, vector<2048x16xi32>
    %eq3A_107 = arith.constant 1 : i32
    %eq3A_108 = vector.broadcast %eq3A_107 : i32 to vector<2048x16xi32>
    %eq3A_109 = arith.cmpi eq, %select_n3A_106, %eq3A_108 : vector<2048x16xi32>
    %jit3A_110 = arith.constant -1.000000e+30 : f32
    %broadcast_in_dim3A_111 = vector.broadcast %jit3A_110 : f32 to vector<2048x16xf32>
    %select_n3A_112 = arith.select %eq3A_109, %add3A_16, %broadcast_in_dim3A_111 : vector<2048x16xi1>, vector<2048x16xf32>
    %reduce_max3A_113 = arith.constant dense<0xFF800000> : vector<2048xf32>
    %reduce_max3A_114 = vector.multi_reduction <maximumf>, %select_n3A_112, %reduce_max3A_113 [1] : vector<2048x16xf32> to vector<2048xf32>
    %broadcast_in_dim3A_115 = vector.shape_cast %reduce_max3A_114 : vector<2048xf32> to vector<2048x1xf32>
    %eq3A_116 = vector.broadcast %broadcast_in_dim3A_115 : vector<2048x1xf32> to vector<2048x16xf32>
    %eq3A_117 = arith.cmpf oeq, %select_n3A_112, %eq3A_116 : vector<2048x16xf32>
    %and3A_118 = arith.andi %eq3A_117, %eq3A_109 : vector<2048x16xi1>
    %jit3A_119 = arith.constant 16 : i32
    %broadcast_in_dim3A_120 = vector.broadcast %jit3A_119 : i32 to vector<2048x16xi32>
    %select_n3A_121 = arith.select %and3A_118, %iota3A, %broadcast_in_dim3A_120 : vector<2048x16xi1>, vector<2048x16xi32>
    %reduce_min3A_122 = arith.constant dense<2147483647> : vector<2048xi32>
    %reduce_min3A_123 = vector.multi_reduction <minsi>, %select_n3A_121, %reduce_min3A_122 [1] : vector<2048x16xi32> to vector<2048xi32>
    %broadcast_in_dim3A_124 = vector.shape_cast %reduce_min3A_123 : vector<2048xi32> to vector<2048x1xi32>
    %eq3A_125 = vector.broadcast %broadcast_in_dim3A_124 : vector<2048x1xi32> to vector<2048x16xi32>
    %eq3A_126 = arith.cmpi eq, %iota3A, %eq3A_125 : vector<2048x16xi32>
    %jit3A_127 = arith.constant -1.000000e+30 : f32
    %broadcast_in_dim3A_128 = vector.broadcast %jit3A_127 : f32 to vector<2048x16xf32>
    %select_n3A_129 = arith.select %eq3A_126, %broadcast_in_dim3A_128, %select_n3A_112 : vector<2048x16xi1>, vector<2048x16xf32>
    %reduce_max3A_130 = arith.constant dense<0xFF800000> : vector<2048xf32>
    %reduce_max3A_131 = vector.multi_reduction <maximumf>, %select_n3A_129, %reduce_max3A_130 [1] : vector<2048x16xf32> to vector<2048xf32>
    %broadcast_in_dim3A_132 = vector.shape_cast %reduce_max3A_131 : vector<2048xf32> to vector<2048x1xf32>
    %eq3A_133 = arith.constant 1 : i32
    %eq3A_134 = vector.broadcast %eq3A_133 : i32 to vector<2048x4xi32>
    %eq3A_135 = arith.cmpi eq, %iota3A_18, %eq3A_134 : vector<2048x4xi32>
    %add3A_136 = arith.addf %broadcast_in_dim3A_115, %broadcast_in_dim3A_132 : vector<2048x1xf32>
    %jit3A_137 = arith.constant 0.000000e+00 : f32
    %broadcast_in_dim3A_138 = vector.shape_cast %add3A_136 : vector<2048x1xf32> to vector<2048x1xf32>
    %broadcast_in_dim3A_139 = vector.broadcast %broadcast_in_dim3A_138 : vector<2048x1xf32> to vector<2048x4xf32>
    %broadcast_in_dim3A_140 = vector.broadcast %jit3A_137 : f32 to vector<2048x4xf32>
    %select_n3A_141 = arith.select %eq3A_135, %broadcast_in_dim3A_139, %broadcast_in_dim3A_140 : vector<2048x4xi1>, vector<2048x4xf32>
    %add3A_142 = arith.addf %add3A_75, %select_n3A_141 : vector<2048x4xf32>
    %jit3A_143 = arith.constant 4 : i32
    %div3A_144 = vector.broadcast %jit3A_143 : i32 to vector<2048x16xi32>
    %div3A_145 = arith.divsi %iota3A, %div3A_144 : vector<2048x16xi32>
    %sign3A_146 = arith.constant 0 : i32
    %sign3A_147 = vector.broadcast %sign3A_146 : i32 to vector<2048x16xi32>
    %sign3A_148 = arith.cmpi sgt, %iota3A, %sign3A_147 : vector<2048x16xi32>
    %sign3A_149 = arith.extui %sign3A_148 : vector<2048x16xi1> to vector<2048x16xi32>
    %sign3A_150 = arith.constant 0 : i32
    %sign3A_151 = vector.broadcast %sign3A_150 : i32 to vector<2048x16xi32>
    %sign3A_152 = arith.cmpi slt, %iota3A, %sign3A_151 : vector<2048x16xi32>
    %sign3A_153 = arith.extui %sign3A_152 : vector<2048x16xi1> to vector<2048x16xi32>
    %sign3A_154 = arith.subi %sign3A_149, %sign3A_153 : vector<2048x16xi32>
    %sign3A_155 = arith.constant 0 : i32
    %sign3A_156 = arith.cmpi sgt, %jit3A_143, %sign3A_155 : i32
    %sign3A_157 = arith.extui %sign3A_156 : i1 to i32
    %sign3A_158 = arith.constant 0 : i32
    %sign3A_159 = arith.cmpi slt, %jit3A_143, %sign3A_158 : i32
    %sign3A_160 = arith.extui %sign3A_159 : i1 to i32
    %sign3A_161 = arith.subi %sign3A_157, %sign3A_160 : i32
    %ne3A_162 = vector.broadcast %sign3A_161 : i32 to vector<2048x16xi32>
    %ne3A_163 = arith.cmpi ne, %sign3A_154, %ne3A_162 : vector<2048x16xi32>
    %rem3A_164 = vector.broadcast %jit3A_143 : i32 to vector<2048x16xi32>
    %rem3A_165 = arith.remsi %iota3A, %rem3A_164 : vector<2048x16xi32>
    %ne3A_166 = arith.constant 0 : i32
    %ne3A_167 = vector.broadcast %ne3A_166 : i32 to vector<2048x16xi32>
    %ne3A_168 = arith.cmpi ne, %rem3A_165, %ne3A_167 : vector<2048x16xi32>
    %and3A_169 = arith.andi %ne3A_163, %ne3A_168 : vector<2048x16xi1>
    %sub3A_170 = arith.constant 1 : i32
    %sub3A_171 = vector.broadcast %sub3A_170 : i32 to vector<2048x16xi32>
    %sub3A_172 = arith.subi %div3A_145, %sub3A_171 : vector<2048x16xi32>
    %select_n3A_173 = arith.select %and3A_169, %sub3A_172, %div3A_145 : vector<2048x16xi1>, vector<2048x16xi32>
    %eq3A_174 = arith.constant 2 : i32
    %eq3A_175 = vector.broadcast %eq3A_174 : i32 to vector<2048x16xi32>
    %eq3A_176 = arith.cmpi eq, %select_n3A_173, %eq3A_175 : vector<2048x16xi32>
    %jit3A_177 = arith.constant -1.000000e+30 : f32
    %broadcast_in_dim3A_178 = vector.broadcast %jit3A_177 : f32 to vector<2048x16xf32>
    %select_n3A_179 = arith.select %eq3A_176, %add3A_16, %broadcast_in_dim3A_178 : vector<2048x16xi1>, vector<2048x16xf32>
    %reduce_max3A_180 = arith.constant dense<0xFF800000> : vector<2048xf32>
    %reduce_max3A_181 = vector.multi_reduction <maximumf>, %select_n3A_179, %reduce_max3A_180 [1] : vector<2048x16xf32> to vector<2048xf32>
    %broadcast_in_dim3A_182 = vector.shape_cast %reduce_max3A_181 : vector<2048xf32> to vector<2048x1xf32>
    %eq3A_183 = vector.broadcast %broadcast_in_dim3A_182 : vector<2048x1xf32> to vector<2048x16xf32>
    %eq3A_184 = arith.cmpf oeq, %select_n3A_179, %eq3A_183 : vector<2048x16xf32>
    %and3A_185 = arith.andi %eq3A_184, %eq3A_176 : vector<2048x16xi1>
    %jit3A_186 = arith.constant 16 : i32
    %broadcast_in_dim3A_187 = vector.broadcast %jit3A_186 : i32 to vector<2048x16xi32>
    %select_n3A_188 = arith.select %and3A_185, %iota3A, %broadcast_in_dim3A_187 : vector<2048x16xi1>, vector<2048x16xi32>
    %reduce_min3A_189 = arith.constant dense<2147483647> : vector<2048xi32>
    %reduce_min3A_190 = vector.multi_reduction <minsi>, %select_n3A_188, %reduce_min3A_189 [1] : vector<2048x16xi32> to vector<2048xi32>
    %broadcast_in_dim3A_191 = vector.shape_cast %reduce_min3A_190 : vector<2048xi32> to vector<2048x1xi32>
    %eq3A_192 = vector.broadcast %broadcast_in_dim3A_191 : vector<2048x1xi32> to vector<2048x16xi32>
    %eq3A_193 = arith.cmpi eq, %iota3A, %eq3A_192 : vector<2048x16xi32>
    %jit3A_194 = arith.constant -1.000000e+30 : f32
    %broadcast_in_dim3A_195 = vector.broadcast %jit3A_194 : f32 to vector<2048x16xf32>
    %select_n3A_196 = arith.select %eq3A_193, %broadcast_in_dim3A_195, %select_n3A_179 : vector<2048x16xi1>, vector<2048x16xf32>
    %reduce_max3A_197 = arith.constant dense<0xFF800000> : vector<2048xf32>
    %reduce_max3A_198 = vector.multi_reduction <maximumf>, %select_n3A_196, %reduce_max3A_197 [1] : vector<2048x16xf32> to vector<2048xf32>
    %broadcast_in_dim3A_199 = vector.shape_cast %reduce_max3A_198 : vector<2048xf32> to vector<2048x1xf32>
    %eq3A_200 = arith.constant 2 : i32
    %eq3A_201 = vector.broadcast %eq3A_200 : i32 to vector<2048x4xi32>
    %eq3A_202 = arith.cmpi eq, %iota3A_18, %eq3A_201 : vector<2048x4xi32>
    %add3A_203 = arith.addf %broadcast_in_dim3A_182, %broadcast_in_dim3A_199 : vector<2048x1xf32>
    %jit3A_204 = arith.constant 0.000000e+00 : f32
    %broadcast_in_dim3A_205 = vector.shape_cast %add3A_203 : vector<2048x1xf32> to vector<2048x1xf32>
    %broadcast_in_dim3A_206 = vector.broadcast %broadcast_in_dim3A_205 : vector<2048x1xf32> to vector<2048x4xf32>
    %broadcast_in_dim3A_207 = vector.broadcast %jit3A_204 : f32 to vector<2048x4xf32>
    %select_n3A_208 = arith.select %eq3A_202, %broadcast_in_dim3A_206, %broadcast_in_dim3A_207 : vector<2048x4xi1>, vector<2048x4xf32>
    %add3A_209 = arith.addf %add3A_142, %select_n3A_208 : vector<2048x4xf32>
    %jit3A_210 = arith.constant 4 : i32
    %div3A_211 = vector.broadcast %jit3A_210 : i32 to vector<2048x16xi32>
    %div3A_212 = arith.divsi %iota3A, %div3A_211 : vector<2048x16xi32>
    %sign3A_213 = arith.constant 0 : i32
    %sign3A_214 = vector.broadcast %sign3A_213 : i32 to vector<2048x16xi32>
    %sign3A_215 = arith.cmpi sgt, %iota3A, %sign3A_214 : vector<2048x16xi32>
    %sign3A_216 = arith.extui %sign3A_215 : vector<2048x16xi1> to vector<2048x16xi32>
    %sign3A_217 = arith.constant 0 : i32
    %sign3A_218 = vector.broadcast %sign3A_217 : i32 to vector<2048x16xi32>
    %sign3A_219 = arith.cmpi slt, %iota3A, %sign3A_218 : vector<2048x16xi32>
    %sign3A_220 = arith.extui %sign3A_219 : vector<2048x16xi1> to vector<2048x16xi32>
    %sign3A_221 = arith.subi %sign3A_216, %sign3A_220 : vector<2048x16xi32>
    %sign3A_222 = arith.constant 0 : i32
    %sign3A_223 = arith.cmpi sgt, %jit3A_210, %sign3A_222 : i32
    %sign3A_224 = arith.extui %sign3A_223 : i1 to i32
    %sign3A_225 = arith.constant 0 : i32
    %sign3A_226 = arith.cmpi slt, %jit3A_210, %sign3A_225 : i32
    %sign3A_227 = arith.extui %sign3A_226 : i1 to i32
    %sign3A_228 = arith.subi %sign3A_224, %sign3A_227 : i32
    %ne3A_229 = vector.broadcast %sign3A_228 : i32 to vector<2048x16xi32>
    %ne3A_230 = arith.cmpi ne, %sign3A_221, %ne3A_229 : vector<2048x16xi32>
    %rem3A_231 = vector.broadcast %jit3A_210 : i32 to vector<2048x16xi32>
    %rem3A_232 = arith.remsi %iota3A, %rem3A_231 : vector<2048x16xi32>
    %ne3A_233 = arith.constant 0 : i32
    %ne3A_234 = vector.broadcast %ne3A_233 : i32 to vector<2048x16xi32>
    %ne3A_235 = arith.cmpi ne, %rem3A_232, %ne3A_234 : vector<2048x16xi32>
    %and3A_236 = arith.andi %ne3A_230, %ne3A_235 : vector<2048x16xi1>
    %sub3A_237 = arith.constant 1 : i32
    %sub3A_238 = vector.broadcast %sub3A_237 : i32 to vector<2048x16xi32>
    %sub3A_239 = arith.subi %div3A_212, %sub3A_238 : vector<2048x16xi32>
    %select_n3A_240 = arith.select %and3A_236, %sub3A_239, %div3A_212 : vector<2048x16xi1>, vector<2048x16xi32>
    %eq3A_241 = arith.constant 3 : i32
    %eq3A_242 = vector.broadcast %eq3A_241 : i32 to vector<2048x16xi32>
    %eq3A_243 = arith.cmpi eq, %select_n3A_240, %eq3A_242 : vector<2048x16xi32>
    %jit3A_244 = arith.constant -1.000000e+30 : f32
    %broadcast_in_dim3A_245 = vector.broadcast %jit3A_244 : f32 to vector<2048x16xf32>
    %select_n3A_246 = arith.select %eq3A_243, %add3A_16, %broadcast_in_dim3A_245 : vector<2048x16xi1>, vector<2048x16xf32>
    %reduce_max3A_247 = arith.constant dense<0xFF800000> : vector<2048xf32>
    %reduce_max3A_248 = vector.multi_reduction <maximumf>, %select_n3A_246, %reduce_max3A_247 [1] : vector<2048x16xf32> to vector<2048xf32>
    %broadcast_in_dim3A_249 = vector.shape_cast %reduce_max3A_248 : vector<2048xf32> to vector<2048x1xf32>
    %eq3A_250 = vector.broadcast %broadcast_in_dim3A_249 : vector<2048x1xf32> to vector<2048x16xf32>
    %eq3A_251 = arith.cmpf oeq, %select_n3A_246, %eq3A_250 : vector<2048x16xf32>
    %and3A_252 = arith.andi %eq3A_251, %eq3A_243 : vector<2048x16xi1>
    %jit3A_253 = arith.constant 16 : i32
    %broadcast_in_dim3A_254 = vector.broadcast %jit3A_253 : i32 to vector<2048x16xi32>
    %select_n3A_255 = arith.select %and3A_252, %iota3A, %broadcast_in_dim3A_254 : vector<2048x16xi1>, vector<2048x16xi32>
    %reduce_min3A_256 = arith.constant dense<2147483647> : vector<2048xi32>
    %reduce_min3A_257 = vector.multi_reduction <minsi>, %select_n3A_255, %reduce_min3A_256 [1] : vector<2048x16xi32> to vector<2048xi32>
    %broadcast_in_dim3A_258 = vector.shape_cast %reduce_min3A_257 : vector<2048xi32> to vector<2048x1xi32>
    %eq3A_259 = vector.broadcast %broadcast_in_dim3A_258 : vector<2048x1xi32> to vector<2048x16xi32>
    %eq3A_260 = arith.cmpi eq, %iota3A, %eq3A_259 : vector<2048x16xi32>
    %jit3A_261 = arith.constant -1.000000e+30 : f32
    %broadcast_in_dim3A_262 = vector.broadcast %jit3A_261 : f32 to vector<2048x16xf32>
    %select_n3A_263 = arith.select %eq3A_260, %broadcast_in_dim3A_262, %select_n3A_246 : vector<2048x16xi1>, vector<2048x16xf32>
    %reduce_max3A_264 = arith.constant dense<0xFF800000> : vector<2048xf32>
    %reduce_max3A_265 = vector.multi_reduction <maximumf>, %select_n3A_263, %reduce_max3A_264 [1] : vector<2048x16xf32> to vector<2048xf32>
    %broadcast_in_dim3A_266 = vector.shape_cast %reduce_max3A_265 : vector<2048xf32> to vector<2048x1xf32>
    %eq3A_267 = arith.constant 3 : i32
    %eq3A_268 = vector.broadcast %eq3A_267 : i32 to vector<2048x4xi32>
    %eq3A_269 = arith.cmpi eq, %iota3A_18, %eq3A_268 : vector<2048x4xi32>
    %add3A_270 = arith.addf %broadcast_in_dim3A_249, %broadcast_in_dim3A_266 : vector<2048x1xf32>
    %jit3A_271 = arith.constant 0.000000e+00 : f32
    %broadcast_in_dim3A_272 = vector.shape_cast %add3A_270 : vector<2048x1xf32> to vector<2048x1xf32>
    %broadcast_in_dim3A_273 = vector.broadcast %broadcast_in_dim3A_272 : vector<2048x1xf32> to vector<2048x4xf32>
    %broadcast_in_dim3A_274 = vector.broadcast %jit3A_271 : f32 to vector<2048x4xf32>
    %select_n3A_275 = arith.select %eq3A_269, %broadcast_in_dim3A_273, %broadcast_in_dim3A_274 : vector<2048x4xi1>, vector<2048x4xf32>
    %add3A_276 = arith.addf %add3A_209, %select_n3A_275 : vector<2048x4xf32>
    %reduce_max3A_277 = arith.constant dense<0xFF800000> : vector<2048xf32>
    %reduce_max3A_278 = vector.multi_reduction <maximumf>, %add3A_276, %reduce_max3A_277 [1] : vector<2048x4xf32> to vector<2048xf32>
    %broadcast_in_dim3A_279 = vector.shape_cast %reduce_max3A_278 : vector<2048xf32> to vector<2048x1xf32>
    %eq3A_280 = vector.broadcast %broadcast_in_dim3A_279 : vector<2048x1xf32> to vector<2048x4xf32>
    %eq3A_281 = arith.cmpf oeq, %add3A_276, %eq3A_280 : vector<2048x4xf32>
    %jit3A_282 = arith.constant 4 : i32
    %broadcast_in_dim3A_283 = vector.broadcast %jit3A_282 : i32 to vector<2048x4xi32>
    %select_n3A_284 = arith.select %eq3A_281, %iota3A_18, %broadcast_in_dim3A_283 : vector<2048x4xi1>, vector<2048x4xi32>
    %reduce_min3A_285 = arith.constant dense<2147483647> : vector<2048xi32>
    %reduce_min3A_286 = vector.multi_reduction <minsi>, %select_n3A_284, %reduce_min3A_285 [1] : vector<2048x4xi32> to vector<2048xi32>
    %broadcast_in_dim3A_287 = vector.shape_cast %reduce_min3A_286 : vector<2048xi32> to vector<2048x1xi32>
    %eq3A_288 = vector.broadcast %broadcast_in_dim3A_287 : vector<2048x1xi32> to vector<2048x4xi32>
    %eq3A_289 = arith.cmpi eq, %iota3A_18, %eq3A_288 : vector<2048x4xi32>
    %jit3A_290 = arith.constant -1.000000e+30 : f32
    %broadcast_in_dim3A_291 = vector.broadcast %jit3A_290 : f32 to vector<2048x4xf32>
    %select_n3A_292 = arith.select %eq3A_289, %broadcast_in_dim3A_291, %add3A_276 : vector<2048x4xi1>, vector<2048x4xf32>
    %reduce_max3A_293 = arith.constant dense<0xFF800000> : vector<2048xf32>
    %reduce_max3A_294 = vector.multi_reduction <maximumf>, %select_n3A_292, %reduce_max3A_293 [1] : vector<2048x4xf32> to vector<2048xf32>
    %broadcast_in_dim3A_295 = vector.shape_cast %reduce_max3A_294 : vector<2048xf32> to vector<2048x1xf32>
    %eq3A_296 = vector.broadcast %broadcast_in_dim3A_295 : vector<2048x1xf32> to vector<2048x4xf32>
    %eq3A_297 = arith.cmpf oeq, %select_n3A_292, %eq3A_296 : vector<2048x4xf32>
    %jit3A_298 = arith.constant 4 : i32
    %broadcast_in_dim3A_299 = vector.broadcast %jit3A_298 : i32 to vector<2048x4xi32>
    %select_n3A_300 = arith.select %eq3A_297, %iota3A_18, %broadcast_in_dim3A_299 : vector<2048x4xi1>, vector<2048x4xi32>
    %reduce_min3A_301 = arith.constant dense<2147483647> : vector<2048xi32>
    %reduce_min3A_302 = vector.multi_reduction <minsi>, %select_n3A_300, %reduce_min3A_301 [1] : vector<2048x4xi32> to vector<2048xi32>
    %broadcast_in_dim3A_303 = vector.shape_cast %reduce_min3A_302 : vector<2048xi32> to vector<2048x1xi32>
    %jit3A_304 = arith.constant 4 : i32
    %div3A_305 = vector.broadcast %jit3A_304 : i32 to vector<2048x16xi32>
    %div3A_306 = arith.divsi %iota3A, %div3A_305 : vector<2048x16xi32>
    %sign3A_307 = arith.constant 0 : i32
    %sign3A_308 = vector.broadcast %sign3A_307 : i32 to vector<2048x16xi32>
    %sign3A_309 = arith.cmpi sgt, %iota3A, %sign3A_308 : vector<2048x16xi32>
    %sign3A_310 = arith.extui %sign3A_309 : vector<2048x16xi1> to vector<2048x16xi32>
    %sign3A_311 = arith.constant 0 : i32
    %sign3A_312 = vector.broadcast %sign3A_311 : i32 to vector<2048x16xi32>
    %sign3A_313 = arith.cmpi slt, %iota3A, %sign3A_312 : vector<2048x16xi32>
    %sign3A_314 = arith.extui %sign3A_313 : vector<2048x16xi1> to vector<2048x16xi32>
    %sign3A_315 = arith.subi %sign3A_310, %sign3A_314 : vector<2048x16xi32>
    %sign3A_316 = arith.constant 0 : i32
    %sign3A_317 = arith.cmpi sgt, %jit3A_304, %sign3A_316 : i32
    %sign3A_318 = arith.extui %sign3A_317 : i1 to i32
    %sign3A_319 = arith.constant 0 : i32
    %sign3A_320 = arith.cmpi slt, %jit3A_304, %sign3A_319 : i32
    %sign3A_321 = arith.extui %sign3A_320 : i1 to i32
    %sign3A_322 = arith.subi %sign3A_318, %sign3A_321 : i32
    %ne3A_323 = vector.broadcast %sign3A_322 : i32 to vector<2048x16xi32>
    %ne3A_324 = arith.cmpi ne, %sign3A_315, %ne3A_323 : vector<2048x16xi32>
    %rem3A_325 = vector.broadcast %jit3A_304 : i32 to vector<2048x16xi32>
    %rem3A_326 = arith.remsi %iota3A, %rem3A_325 : vector<2048x16xi32>
    %ne3A_327 = arith.constant 0 : i32
    %ne3A_328 = vector.broadcast %ne3A_327 : i32 to vector<2048x16xi32>
    %ne3A_329 = arith.cmpi ne, %rem3A_326, %ne3A_328 : vector<2048x16xi32>
    %and3A_330 = arith.andi %ne3A_324, %ne3A_329 : vector<2048x16xi1>
    %sub3A_331 = arith.constant 1 : i32
    %sub3A_332 = vector.broadcast %sub3A_331 : i32 to vector<2048x16xi32>
    %sub3A_333 = arith.subi %div3A_306, %sub3A_332 : vector<2048x16xi32>
    %select_n3A_334 = arith.select %and3A_330, %sub3A_333, %div3A_306 : vector<2048x16xi1>, vector<2048x16xi32>
    %eq3A_335 = vector.broadcast %broadcast_in_dim3A_287 : vector<2048x1xi32> to vector<2048x16xi32>
    %eq3A_336 = arith.cmpi eq, %select_n3A_334, %eq3A_335 : vector<2048x16xi32>
    %eq3A_337 = vector.broadcast %broadcast_in_dim3A_303 : vector<2048x1xi32> to vector<2048x16xi32>
    %eq3A_338 = arith.cmpi eq, %select_n3A_334, %eq3A_337 : vector<2048x16xi32>
    %or3A = arith.ori %eq3A_336, %eq3A_338 : vector<2048x16xi1>
    %jit3A_339 = arith.constant 0.000000e+00 : f32
    %broadcast_in_dim3A_340 = vector.broadcast %jit3A_339 : f32 to vector<2048x16xf32>
    %select_n3A_341 = arith.select %or3A, %add3A_16, %broadcast_in_dim3A_340 : vector<2048x16xi1>, vector<2048x16xf32>
    %broadcast_in_dim3A_342 = arith.constant 0.000000e+00 : f32
    %broadcast_in_dim3A_343 = vector.broadcast %broadcast_in_dim3A_342 : f32 to vector<2048x16xf32>
    %reduce_max3A_344 = arith.constant dense<0xFF800000> : vector<2048xf32>
    %reduce_max3A_345 = vector.multi_reduction <maximumf>, %select_n3A_341, %reduce_max3A_344 [1] : vector<2048x16xf32> to vector<2048xf32>
    %broadcast_in_dim3A_346 = vector.shape_cast %reduce_max3A_345 : vector<2048xf32> to vector<2048x1xf32>
    %eq3A_347 = vector.broadcast %broadcast_in_dim3A_346 : vector<2048x1xf32> to vector<2048x16xf32>
    %eq3A_348 = arith.cmpf oeq, %select_n3A_341, %eq3A_347 : vector<2048x16xf32>
    %jit3A_349 = arith.constant 16 : i32
    %broadcast_in_dim3A_350 = vector.broadcast %jit3A_349 : i32 to vector<2048x16xi32>
    %select_n3A_351 = arith.select %eq3A_348, %iota3A, %broadcast_in_dim3A_350 : vector<2048x16xi1>, vector<2048x16xi32>
    %reduce_min3A_352 = arith.constant dense<2147483647> : vector<2048xi32>
    %reduce_min3A_353 = vector.multi_reduction <minsi>, %select_n3A_351, %reduce_min3A_352 [1] : vector<2048x16xi32> to vector<2048xi32>
    %broadcast_in_dim3A_354 = vector.shape_cast %reduce_min3A_353 : vector<2048xi32> to vector<2048x1xi32>
    %eq3A_355 = vector.broadcast %broadcast_in_dim3A_354 : vector<2048x1xi32> to vector<2048x16xi32>
    %eq3A_356 = arith.cmpi eq, %iota3A, %eq3A_355 : vector<2048x16xi32>
    %jit3A_357 = arith.constant 0.000000e+00 : f32
    %broadcast_in_dim3A_358 = vector.broadcast %jit3A_357 : f32 to vector<2048x16xf32>
    %select_n3A_359 = arith.select %eq3A_356, %div3A_11, %broadcast_in_dim3A_358 : vector<2048x16xi1>, vector<2048x16xf32>
    %reduce_sum3A = arith.constant dense<0.000000e+00> : vector<2048xf32>
    %reduce_sum3A_360 = vector.multi_reduction <add>, %select_n3A_359, %reduce_sum3A [1] : vector<2048x16xf32> to vector<2048xf32>
    %broadcast_in_dim3A_361 = vector.shape_cast %reduce_sum3A_360 : vector<2048xf32> to vector<2048x1xf32>
    %convert_element_type3A = arith.extui %eq3A_356 : vector<2048x16xi1> to vector<2048x16xi32>
    %convert_element_type3A_362 = arith.sitofp %convert_element_type3A : vector<2048x16xi32> to vector<2048x16xf32>
    %eq3A_363 = arith.constant 0 : i32
    %eq3A_364 = vector.broadcast %eq3A_363 : i32 to vector<2048x16xi32>
    %eq3A_365 = arith.cmpi eq, %iota3A, %eq3A_364 : vector<2048x16xi32>
    %jit3A_366 = arith.constant 0.000000e+00 : f32
    %broadcast_in_dim3A_367 = vector.shape_cast %broadcast_in_dim3A_361 : vector<2048x1xf32> to vector<2048x1xf32>
    %broadcast_in_dim3A_368 = vector.broadcast %broadcast_in_dim3A_367 : vector<2048x1xf32> to vector<2048x16xf32>
    %broadcast_in_dim3A_369 = vector.broadcast %jit3A_366 : f32 to vector<2048x16xf32>
    %select_n3A_370 = arith.select %eq3A_365, %broadcast_in_dim3A_368, %broadcast_in_dim3A_369 : vector<2048x16xi1>, vector<2048x16xf32>
    %add3A_371 = arith.addf %broadcast_in_dim3A_343, %select_n3A_370 : vector<2048x16xf32>
    %jit3A_372 = arith.constant -1.000000e+30 : f32
    %broadcast_in_dim3A_373 = vector.broadcast %jit3A_372 : f32 to vector<2048x16xf32>
    %select_n3A_374 = arith.select %eq3A_356, %broadcast_in_dim3A_373, %select_n3A_341 : vector<2048x16xi1>, vector<2048x16xf32>
    %reduce_max3A_375 = arith.constant dense<0xFF800000> : vector<2048xf32>
    %reduce_max3A_376 = vector.multi_reduction <maximumf>, %select_n3A_374, %reduce_max3A_375 [1] : vector<2048x16xf32> to vector<2048xf32>
    %broadcast_in_dim3A_377 = vector.shape_cast %reduce_max3A_376 : vector<2048xf32> to vector<2048x1xf32>
    %eq3A_378 = vector.broadcast %broadcast_in_dim3A_377 : vector<2048x1xf32> to vector<2048x16xf32>
    %eq3A_379 = arith.cmpf oeq, %select_n3A_374, %eq3A_378 : vector<2048x16xf32>
    %jit3A_380 = arith.constant 16 : i32
    %broadcast_in_dim3A_381 = vector.broadcast %jit3A_380 : i32 to vector<2048x16xi32>
    %select_n3A_382 = arith.select %eq3A_379, %iota3A, %broadcast_in_dim3A_381 : vector<2048x16xi1>, vector<2048x16xi32>
    %reduce_min3A_383 = arith.constant dense<2147483647> : vector<2048xi32>
    %reduce_min3A_384 = vector.multi_reduction <minsi>, %select_n3A_382, %reduce_min3A_383 [1] : vector<2048x16xi32> to vector<2048xi32>
    %broadcast_in_dim3A_385 = vector.shape_cast %reduce_min3A_384 : vector<2048xi32> to vector<2048x1xi32>
    %eq3A_386 = vector.broadcast %broadcast_in_dim3A_385 : vector<2048x1xi32> to vector<2048x16xi32>
    %eq3A_387 = arith.cmpi eq, %iota3A, %eq3A_386 : vector<2048x16xi32>
    %jit3A_388 = arith.constant 0.000000e+00 : f32
    %broadcast_in_dim3A_389 = vector.broadcast %jit3A_388 : f32 to vector<2048x16xf32>
    %select_n3A_390 = arith.select %eq3A_387, %div3A_11, %broadcast_in_dim3A_389 : vector<2048x16xi1>, vector<2048x16xf32>
    %reduce_sum3A_391 = arith.constant dense<0.000000e+00> : vector<2048xf32>
    %reduce_sum3A_392 = vector.multi_reduction <add>, %select_n3A_390, %reduce_sum3A_391 [1] : vector<2048x16xf32> to vector<2048xf32>
    %broadcast_in_dim3A_393 = vector.shape_cast %reduce_sum3A_392 : vector<2048xf32> to vector<2048x1xf32>
    %convert_element_type3A_394 = arith.extui %eq3A_387 : vector<2048x16xi1> to vector<2048x16xi32>
    %convert_element_type3A_395 = arith.sitofp %convert_element_type3A_394 : vector<2048x16xi32> to vector<2048x16xf32>
    %eq3A_396 = arith.constant 1 : i32
    %eq3A_397 = vector.broadcast %eq3A_396 : i32 to vector<2048x16xi32>
    %eq3A_398 = arith.cmpi eq, %iota3A, %eq3A_397 : vector<2048x16xi32>
    %jit3A_399 = arith.constant 0.000000e+00 : f32
    %broadcast_in_dim3A_400 = vector.shape_cast %broadcast_in_dim3A_393 : vector<2048x1xf32> to vector<2048x1xf32>
    %broadcast_in_dim3A_401 = vector.broadcast %broadcast_in_dim3A_400 : vector<2048x1xf32> to vector<2048x16xf32>
    %broadcast_in_dim3A_402 = vector.broadcast %jit3A_399 : f32 to vector<2048x16xf32>
    %select_n3A_403 = arith.select %eq3A_398, %broadcast_in_dim3A_401, %broadcast_in_dim3A_402 : vector<2048x16xi1>, vector<2048x16xf32>
    %add3A_404 = arith.addf %add3A_371, %select_n3A_403 : vector<2048x16xf32>
    %jit3A_405 = arith.constant -1.000000e+30 : f32
    %broadcast_in_dim3A_406 = vector.broadcast %jit3A_405 : f32 to vector<2048x16xf32>
    %select_n3A_407 = arith.select %eq3A_387, %broadcast_in_dim3A_406, %select_n3A_374 : vector<2048x16xi1>, vector<2048x16xf32>
    %reduce_max3A_408 = arith.constant dense<0xFF800000> : vector<2048xf32>
    %reduce_max3A_409 = vector.multi_reduction <maximumf>, %select_n3A_407, %reduce_max3A_408 [1] : vector<2048x16xf32> to vector<2048xf32>
    %broadcast_in_dim3A_410 = vector.shape_cast %reduce_max3A_409 : vector<2048xf32> to vector<2048x1xf32>
    %eq3A_411 = vector.broadcast %broadcast_in_dim3A_410 : vector<2048x1xf32> to vector<2048x16xf32>
    %eq3A_412 = arith.cmpf oeq, %select_n3A_407, %eq3A_411 : vector<2048x16xf32>
    %jit3A_413 = arith.constant 16 : i32
    %broadcast_in_dim3A_414 = vector.broadcast %jit3A_413 : i32 to vector<2048x16xi32>
    %select_n3A_415 = arith.select %eq3A_412, %iota3A, %broadcast_in_dim3A_414 : vector<2048x16xi1>, vector<2048x16xi32>
    %reduce_min3A_416 = arith.constant dense<2147483647> : vector<2048xi32>
    %reduce_min3A_417 = vector.multi_reduction <minsi>, %select_n3A_415, %reduce_min3A_416 [1] : vector<2048x16xi32> to vector<2048xi32>
    %broadcast_in_dim3A_418 = vector.shape_cast %reduce_min3A_417 : vector<2048xi32> to vector<2048x1xi32>
    %eq3A_419 = vector.broadcast %broadcast_in_dim3A_418 : vector<2048x1xi32> to vector<2048x16xi32>
    %eq3A_420 = arith.cmpi eq, %iota3A, %eq3A_419 : vector<2048x16xi32>
    %jit3A_421 = arith.constant 0.000000e+00 : f32
    %broadcast_in_dim3A_422 = vector.broadcast %jit3A_421 : f32 to vector<2048x16xf32>
    %select_n3A_423 = arith.select %eq3A_420, %div3A_11, %broadcast_in_dim3A_422 : vector<2048x16xi1>, vector<2048x16xf32>
    %reduce_sum3A_424 = arith.constant dense<0.000000e+00> : vector<2048xf32>
    %reduce_sum3A_425 = vector.multi_reduction <add>, %select_n3A_423, %reduce_sum3A_424 [1] : vector<2048x16xf32> to vector<2048xf32>
    %broadcast_in_dim3A_426 = vector.shape_cast %reduce_sum3A_425 : vector<2048xf32> to vector<2048x1xf32>
    %convert_element_type3A_427 = arith.extui %eq3A_420 : vector<2048x16xi1> to vector<2048x16xi32>
    %convert_element_type3A_428 = arith.sitofp %convert_element_type3A_427 : vector<2048x16xi32> to vector<2048x16xf32>
    %eq3A_429 = arith.constant 2 : i32
    %eq3A_430 = vector.broadcast %eq3A_429 : i32 to vector<2048x16xi32>
    %eq3A_431 = arith.cmpi eq, %iota3A, %eq3A_430 : vector<2048x16xi32>
    %jit3A_432 = arith.constant 0.000000e+00 : f32
    %broadcast_in_dim3A_433 = vector.shape_cast %broadcast_in_dim3A_426 : vector<2048x1xf32> to vector<2048x1xf32>
    %broadcast_in_dim3A_434 = vector.broadcast %broadcast_in_dim3A_433 : vector<2048x1xf32> to vector<2048x16xf32>
    %broadcast_in_dim3A_435 = vector.broadcast %jit3A_432 : f32 to vector<2048x16xf32>
    %select_n3A_436 = arith.select %eq3A_431, %broadcast_in_dim3A_434, %broadcast_in_dim3A_435 : vector<2048x16xi1>, vector<2048x16xf32>
    %add3A_437 = arith.addf %add3A_404, %select_n3A_436 : vector<2048x16xf32>
    %jit3A_438 = arith.constant -1.000000e+30 : f32
    %broadcast_in_dim3A_439 = vector.broadcast %jit3A_438 : f32 to vector<2048x16xf32>
    %select_n3A_440 = arith.select %eq3A_420, %broadcast_in_dim3A_439, %select_n3A_407 : vector<2048x16xi1>, vector<2048x16xf32>
    %reduce_max3A_441 = arith.constant dense<0xFF800000> : vector<2048xf32>
    %reduce_max3A_442 = vector.multi_reduction <maximumf>, %select_n3A_440, %reduce_max3A_441 [1] : vector<2048x16xf32> to vector<2048xf32>
    %broadcast_in_dim3A_443 = vector.shape_cast %reduce_max3A_442 : vector<2048xf32> to vector<2048x1xf32>
    %eq3A_444 = vector.broadcast %broadcast_in_dim3A_443 : vector<2048x1xf32> to vector<2048x16xf32>
    %eq3A_445 = arith.cmpf oeq, %select_n3A_440, %eq3A_444 : vector<2048x16xf32>
    %jit3A_446 = arith.constant 16 : i32
    %broadcast_in_dim3A_447 = vector.broadcast %jit3A_446 : i32 to vector<2048x16xi32>
    %select_n3A_448 = arith.select %eq3A_445, %iota3A, %broadcast_in_dim3A_447 : vector<2048x16xi1>, vector<2048x16xi32>
    %reduce_min3A_449 = arith.constant dense<2147483647> : vector<2048xi32>
    %reduce_min3A_450 = vector.multi_reduction <minsi>, %select_n3A_448, %reduce_min3A_449 [1] : vector<2048x16xi32> to vector<2048xi32>
    %broadcast_in_dim3A_451 = vector.shape_cast %reduce_min3A_450 : vector<2048xi32> to vector<2048x1xi32>
    %eq3A_452 = vector.broadcast %broadcast_in_dim3A_451 : vector<2048x1xi32> to vector<2048x16xi32>
    %eq3A_453 = arith.cmpi eq, %iota3A, %eq3A_452 : vector<2048x16xi32>
    %jit3A_454 = arith.constant 0.000000e+00 : f32
    %broadcast_in_dim3A_455 = vector.broadcast %jit3A_454 : f32 to vector<2048x16xf32>
    %select_n3A_456 = arith.select %eq3A_453, %div3A_11, %broadcast_in_dim3A_455 : vector<2048x16xi1>, vector<2048x16xf32>
    %reduce_sum3A_457 = arith.constant dense<0.000000e+00> : vector<2048xf32>
    %reduce_sum3A_458 = vector.multi_reduction <add>, %select_n3A_456, %reduce_sum3A_457 [1] : vector<2048x16xf32> to vector<2048xf32>
    %broadcast_in_dim3A_459 = vector.shape_cast %reduce_sum3A_458 : vector<2048xf32> to vector<2048x1xf32>
    %convert_element_type3A_460 = arith.extui %eq3A_453 : vector<2048x16xi1> to vector<2048x16xi32>
    %convert_element_type3A_461 = arith.sitofp %convert_element_type3A_460 : vector<2048x16xi32> to vector<2048x16xf32>
    %eq3A_462 = arith.constant 3 : i32
    %eq3A_463 = vector.broadcast %eq3A_462 : i32 to vector<2048x16xi32>
    %eq3A_464 = arith.cmpi eq, %iota3A, %eq3A_463 : vector<2048x16xi32>
    %jit3A_465 = arith.constant 0.000000e+00 : f32
    %broadcast_in_dim3A_466 = vector.shape_cast %broadcast_in_dim3A_459 : vector<2048x1xf32> to vector<2048x1xf32>
    %broadcast_in_dim3A_467 = vector.broadcast %broadcast_in_dim3A_466 : vector<2048x1xf32> to vector<2048x16xf32>
    %broadcast_in_dim3A_468 = vector.broadcast %jit3A_465 : f32 to vector<2048x16xf32>
    %select_n3A_469 = arith.select %eq3A_464, %broadcast_in_dim3A_467, %broadcast_in_dim3A_468 : vector<2048x16xi1>, vector<2048x16xf32>
    %add3A_470 = arith.addf %add3A_437, %select_n3A_469 : vector<2048x16xf32>
    %lt3A = arith.constant 4 : i32
    %lt3A_471 = vector.broadcast %lt3A : i32 to vector<2048x16xi32>
    %lt3A_472 = arith.cmpi slt, %iota3A, %lt3A_471 : vector<2048x16xi32>
    %jit3A_473 = arith.constant 0.000000e+00 : f32
    %broadcast_in_dim3A_474 = vector.broadcast %jit3A_473 : f32 to vector<2048x16xf32>
    %select_n3A_475 = arith.select %lt3A_472, %add3A_470, %broadcast_in_dim3A_474 : vector<2048x16xi1>, vector<2048x16xf32>
    %reduce_sum3A_476 = arith.constant dense<0.000000e+00> : vector<2048xf32>
    %reduce_sum3A_477 = vector.multi_reduction <add>, %select_n3A_475, %reduce_sum3A_476 [1] : vector<2048x16xf32> to vector<2048xf32>
    %broadcast_in_dim3A_478 = vector.shape_cast %reduce_sum3A_477 : vector<2048xf32> to vector<2048x1xf32>
    %add3A_479 = arith.constant 9.99999968E-21 : f32
    %add3A_480 = vector.broadcast %add3A_479 : f32 to vector<2048x1xf32>
    %add3A_481 = arith.addf %broadcast_in_dim3A_478, %add3A_480 : vector<2048x1xf32>
    %div3A_482 = vector.broadcast %add3A_481 : vector<2048x1xf32> to vector<2048x16xf32>
    %div3A_483 = arith.divf %add3A_470, %div3A_482 : vector<2048x16xf32>
    %mul3A = arith.constant 2.500000e+00 : f32
    %mul3A_484 = vector.broadcast %mul3A : f32 to vector<2048x16xf32>
    %mul3A_485 = arith.mulf %div3A_483, %mul3A_484 : vector<2048x16xf32>
    %swap3A = arith.constant 0 : index
    %swap3A_486 = arith.constant 0 : index
    %swap3A_487 = vector.load %arg4[%swap3A, %swap3A_486] : memref<2048x16xf32, #tpu.memory_space<vmem>>, vector<2048x16xf32>
    tpu.vector_store %arg4[%swap3A, %swap3A_486], %mul3A_485 {strides = array<i32>} : memref<2048x16xf32, #tpu.memory_space<vmem>>, vector<2048x16xf32>,
    %add3A_488 = arith.addf %convert_element_type3A_362, %convert_element_type3A_395 : vector<2048x16xf32>
    %add3A_489 = arith.addf %add3A_488, %convert_element_type3A_428 : vector<2048x16xf32>
    %add3A_490 = arith.addf %add3A_489, %convert_element_type3A_461 : vector<2048x16xf32>
    %iota3A_491 = tpu.iota {dimensions = array<i32: 0>} : vector<2048x2048xi32>
    %iota3A_492 = tpu.iota {dimensions = array<i32: 1>} : vector<2048x2048xi32>
    %lt3A_493 = arith.cmpi slt, %iota3A_492, %iota3A_491 : vector<2048x2048xi32>
    %convert_element_type3A_494 = arith.extui %lt3A_493 : vector<2048x2048xi1> to vector<2048x2048xi32>
    %convert_element_type3A_495 = arith.sitofp %convert_element_type3A_494 : vector<2048x2048xi32> to vector<2048x2048xf32>
    %dot_general3A_496 = arith.constant dense<0.000000e+00> : vector<2048x16xf32>
    %dot_general3A_497 = tpu.matmul %convert_element_type3A_495, %add3A_490, %dot_general3A_496 {dimension_numbers = #tpu.dot_dimension_numbers<[1], [0], [0], [1], [0, 0, 1, 1], [], []>, transpose_lhs_hint = false} : vector<2048x2048xf32>, vector<2048x16xf32>, vector<2048x16xf32> -> vector<2048x16xf32>
    %reduce_sum3A_498 = arith.constant dense<0.000000e+00> : vector<16xf32>
    %reduce_sum3A_499 = vector.multi_reduction <add>, %add3A_490, %reduce_sum3A_498 [0] : vector<2048x16xf32> to vector<16xf32>
    %broadcast_in_dim3A_500 = vector.shape_cast %reduce_sum3A_499 : vector<16xf32> to vector<1x16xf32>
    %div3A_501 = arith.constant 2.560000e+02 : f32
    %div3A_502 = vector.broadcast %div3A_501 : f32 to vector<1x16xf32>
    %div3A_503 = arith.divf %broadcast_in_dim3A_500, %div3A_502 : vector<1x16xf32>
    %ceil3A = math.ceil %div3A_503 : vector<1x16xf32>
    %mul3A_504 = arith.constant 2.560000e+02 : f32
    %mul3A_505 = vector.broadcast %mul3A_504 : f32 to vector<1x16xf32>
    %mul3A_506 = arith.mulf %ceil3A, %mul3A_505 : vector<1x16xf32>
    %iota3A_507 = tpu.iota {dimensions = array<i32: 0>} : vector<16x16xi32>
    %iota3A_508 = tpu.iota {dimensions = array<i32: 1>} : vector<16x16xi32>
    %lt3A_509 = arith.cmpi slt, %iota3A_507, %iota3A_508 : vector<16x16xi32>
    %transpose3A = tpu.transpose %mul3A_506, [1, 0] : vector<1x16xf32> -> vector<16x1xf32>
    %jit3A_510 = arith.constant 0.000000e+00 : f32
    %broadcast_in_dim3A_511 = vector.shape_cast %transpose3A : vector<16x1xf32> to vector<16x1xf32>
    %broadcast_in_dim3A_512 = vector.broadcast %broadcast_in_dim3A_511 : vector<16x1xf32> to vector<16x16xf32>
    %broadcast_in_dim3A_513 = vector.broadcast %jit3A_510 : f32 to vector<16x16xf32>
    %select_n3A_514 = arith.select %lt3A_509, %broadcast_in_dim3A_512, %broadcast_in_dim3A_513 : vector<16x16xi1>, vector<16x16xf32>
    %reduce_sum3A_515 = arith.constant dense<0.000000e+00> : vector<16xf32>
    %reduce_sum3A_516 = vector.multi_reduction <add>, %select_n3A_514, %reduce_sum3A_515 [0] : vector<16x16xf32> to vector<16xf32>
    %broadcast_in_dim3A_517 = vector.shape_cast %reduce_sum3A_516 : vector<16xf32> to vector<1x16xf32>
    %add3A_518 = vector.broadcast %broadcast_in_dim3A_517 : vector<1x16xf32> to vector<2048x16xf32>
    %add3A_519 = arith.addf %add3A_518, %dot_general3A_497 : vector<2048x16xf32>
    %mul3A_520 = arith.mulf %convert_element_type3A_362, %add3A_519 : vector<2048x16xf32>
    %reduce_sum3A_521 = arith.constant dense<0.000000e+00> : vector<2048xf32>
    %reduce_sum3A_522 = vector.multi_reduction <add>, %mul3A_520, %reduce_sum3A_521 [1] : vector<2048x16xf32> to vector<2048xf32>
    %broadcast_in_dim3A_523 = vector.shape_cast %reduce_sum3A_522 : vector<2048xf32> to vector<2048x1xf32>
    %convert_element_type3A_524 = arith.fptosi %broadcast_in_dim3A_523 : vector<2048x1xf32> to vector<2048x1xi32>
    %swap3A_525 = arith.constant 0 : index
    %swap3A_526 = arith.constant 0 : index
    %swap3A_527 = vector.load %arg3[%swap3A_525, %swap3A_526] : memref<2048x4xi32, #tpu.memory_space<vmem>>, vector<2048x1xi32>
    tpu.vector_store %arg3[%swap3A_525, %swap3A_526], %convert_element_type3A_524 {strides = array<i32>} : memref<2048x4xi32, #tpu.memory_space<vmem>>, vector<2048x1xi32>,
    %mul3A_528 = arith.mulf %convert_element_type3A_395, %add3A_519 : vector<2048x16xf32>
    %reduce_sum3A_529 = arith.constant dense<0.000000e+00> : vector<2048xf32>
    %reduce_sum3A_530 = vector.multi_reduction <add>, %mul3A_528, %reduce_sum3A_529 [1] : vector<2048x16xf32> to vector<2048xf32>
    %broadcast_in_dim3A_531 = vector.shape_cast %reduce_sum3A_530 : vector<2048xf32> to vector<2048x1xf32>
    %convert_element_type3A_532 = arith.fptosi %broadcast_in_dim3A_531 : vector<2048x1xf32> to vector<2048x1xi32>
    %swap3A_533 = arith.constant 0 : index
    %swap3A_534 = arith.constant 1 : index
    %swap3A_535 = vector.load %arg3[%swap3A_533, %swap3A_534] : memref<2048x4xi32, #tpu.memory_space<vmem>>, vector<2048x1xi32>
    tpu.vector_store %arg3[%swap3A_533, %swap3A_534], %convert_element_type3A_532 {strides = array<i32>} : memref<2048x4xi32, #tpu.memory_space<vmem>>, vector<2048x1xi32>,
    %mul3A_536 = arith.mulf %convert_element_type3A_428, %add3A_519 : vector<2048x16xf32>
    %reduce_sum3A_537 = arith.constant dense<0.000000e+00> : vector<2048xf32>
    %reduce_sum3A_538 = vector.multi_reduction <add>, %mul3A_536, %reduce_sum3A_537 [1] : vector<2048x16xf32> to vector<2048xf32>
    %broadcast_in_dim3A_539 = vector.shape_cast %reduce_sum3A_538 : vector<2048xf32> to vector<2048x1xf32>
    %convert_element_type3A_540 = arith.fptosi %broadcast_in_dim3A_539 : vector<2048x1xf32> to vector<2048x1xi32>
    %swap3A_541 = arith.constant 0 : index
    %swap3A_542 = arith.constant 2 : index
    %swap3A_543 = vector.load %arg3[%swap3A_541, %swap3A_542] : memref<2048x4xi32, #tpu.memory_space<vmem>>, vector<2048x1xi32>
    tpu.vector_store %arg3[%swap3A_541, %swap3A_542], %convert_element_type3A_540 {strides = array<i32>} : memref<2048x4xi32, #tpu.memory_space<vmem>>, vector<2048x1xi32>,
    %mul3A_544 = arith.mulf %convert_element_type3A_461, %add3A_519 : vector<2048x16xf32>
    %reduce_sum3A_545 = arith.constant dense<0.000000e+00> : vector<2048xf32>
    %reduce_sum3A_546 = vector.multi_reduction <add>, %mul3A_544, %reduce_sum3A_545 [1] : vector<2048x16xf32> to vector<2048xf32>
    %broadcast_in_dim3A_547 = vector.shape_cast %reduce_sum3A_546 : vector<2048xf32> to vector<2048x1xf32>
    %convert_element_type3A_548 = arith.fptosi %broadcast_in_dim3A_547 : vector<2048x1xf32> to vector<2048x1xi32>
    %swap3A_549 = arith.constant 0 : index
    %swap3A_550 = arith.constant 3 : index
    %swap3A_551 = vector.load %arg3[%swap3A_549, %swap3A_550] : memref<2048x4xi32, #tpu.memory_space<vmem>>, vector<2048x1xi32>
    tpu.vector_store %arg3[%swap3A_549, %swap3A_550], %convert_element_type3A_548 {strides = array<i32>} : memref<2048x4xi32, #tpu.memory_space<vmem>>, vector<2048x1xi32>,
    %lt3A_552 = arith.cmpi slt, %iota3A_508, %iota3A_507 : vector<16x16xi32>
    %jit3A_553 = arith.constant 0.000000e+00 : f32
    %broadcast_in_dim3A_554 = vector.shape_cast %mul3A_506 : vector<1x16xf32> to vector<1x16xf32>
    %broadcast_in_dim3A_555 = vector.broadcast %broadcast_in_dim3A_554 : vector<1x16xf32> to vector<16x16xf32>
    %broadcast_in_dim3A_556 = vector.broadcast %jit3A_553 : f32 to vector<16x16xf32>
    %select_n3A_557 = arith.select %lt3A_552, %broadcast_in_dim3A_555, %broadcast_in_dim3A_556 : vector<16x16xi1>, vector<16x16xf32>
    %reduce_sum3A_558 = arith.constant dense<0.000000e+00> : vector<16xf32>
    %reduce_sum3A_559 = vector.multi_reduction <add>, %select_n3A_557, %reduce_sum3A_558 [1] : vector<16x16xf32> to vector<16xf32>
    %broadcast_in_dim3A_560 = vector.shape_cast %reduce_sum3A_559 : vector<16xf32> to vector<16x1xf32>
    %eq3A_561 = arith.cmpi eq, %iota3A_507, %iota3A_508 : vector<16x16xi32>
    %jit3A_562 = arith.constant 0.000000e+00 : f32
    %broadcast_in_dim3A_563 = vector.shape_cast %mul3A_506 : vector<1x16xf32> to vector<1x16xf32>
    %broadcast_in_dim3A_564 = vector.broadcast %broadcast_in_dim3A_563 : vector<1x16xf32> to vector<16x16xf32>
    %broadcast_in_dim3A_565 = vector.broadcast %jit3A_562 : f32 to vector<16x16xf32>
    %select_n3A_566 = arith.select %eq3A_561, %broadcast_in_dim3A_564, %broadcast_in_dim3A_565 : vector<16x16xi1>, vector<16x16xf32>
    %reduce_sum3A_567 = arith.constant dense<0.000000e+00> : vector<16xf32>
    %reduce_sum3A_568 = vector.multi_reduction <add>, %select_n3A_566, %reduce_sum3A_567 [1] : vector<16x16xf32> to vector<16xf32>
    %broadcast_in_dim3A_569 = vector.shape_cast %reduce_sum3A_568 : vector<16xf32> to vector<16x1xf32>
    %add3A_570 = arith.addf %broadcast_in_dim3A_560, %broadcast_in_dim3A_569 : vector<16x1xf32>
    %iota3A_571 = tpu.iota {dimensions = array<i32: 1>} : vector<16x128xi32>
    %convert_element_type3A_572 = arith.sitofp %iota3A_571 : vector<16x128xi32> to vector<16x128xf32>
    %mul3A_573 = arith.constant 2.560000e+02 : f32
    %mul3A_574 = vector.broadcast %mul3A_573 : f32 to vector<16x128xf32>
    %mul3A_575 = arith.mulf %convert_element_type3A_572, %mul3A_574 : vector<16x128xf32>
    %ge3A = vector.broadcast %add3A_570 : vector<16x1xf32> to vector<16x128xf32>
    %ge3A_576 = arith.cmpf oge, %mul3A_575, %ge3A : vector<16x128xf32>
    %convert_element_type3A_577 = arith.extui %ge3A_576 : vector<16x128xi1> to vector<16x128xi32>
    %reduce_sum3A_578 = arith.constant dense<0> : vector<128xi32>
    %reduce_sum3A_579 = vector.multi_reduction <add>, %convert_element_type3A_577, %reduce_sum3A_578 [0] : vector<16x128xi32> to vector<128xi32>
    %broadcast_in_dim3A_580 = vector.shape_cast %reduce_sum3A_579 : vector<128xi32> to vector<1x128xi32>
    %min3A = arith.constant 15 : i32
    %min3A_581 = vector.broadcast %min3A : i32 to vector<1x128xi32>
    %min3A_582 = arith.minsi %broadcast_in_dim3A_580, %min3A_581 : vector<1x128xi32>
    %eq3A_583 = arith.cmpi eq, %iota3A_507, %iota3A_508 : vector<16x16xi32>
    %jit3A_584 = arith.constant 0.000000e+00 : f32
    %broadcast_in_dim3A_585 = vector.shape_cast %broadcast_in_dim3A_500 : vector<1x16xf32> to vector<1x16xf32>
    %broadcast_in_dim3A_586 = vector.broadcast %broadcast_in_dim3A_585 : vector<1x16xf32> to vector<16x16xf32>
    %broadcast_in_dim3A_587 = vector.broadcast %jit3A_584 : f32 to vector<16x16xf32>
    %select_n3A_588 = arith.select %eq3A_583, %broadcast_in_dim3A_586, %broadcast_in_dim3A_587 : vector<16x16xi1>, vector<16x16xf32>
    %reduce_sum3A_589 = arith.constant dense<0.000000e+00> : vector<16xf32>
    %reduce_sum3A_590 = vector.multi_reduction <add>, %select_n3A_588, %reduce_sum3A_589 [1] : vector<16x16xf32> to vector<16xf32>
    %broadcast_in_dim3A_591 = vector.shape_cast %reduce_sum3A_590 : vector<16xf32> to vector<16x1xf32>
    %add3A_592 = arith.addf %broadcast_in_dim3A_560, %broadcast_in_dim3A_591 : vector<16x1xf32>
    %iota3A_593 = tpu.iota {dimensions = array<i32: 0>} : vector<16x128xi32>
    %eq3A_594 = vector.broadcast %min3A_582 : vector<1x128xi32> to vector<16x128xi32>
    %eq3A_595 = arith.cmpi eq, %eq3A_594, %iota3A_593 : vector<16x128xi32>
    %mul3A_596 = arith.constant 2.560000e+02 : f32
    %mul3A_597 = vector.broadcast %mul3A_596 : f32 to vector<16x128xf32>
    %mul3A_598 = arith.mulf %convert_element_type3A_572, %mul3A_597 : vector<16x128xf32>
    %lt3A_599 = vector.broadcast %add3A_592 : vector<16x1xf32> to vector<16x128xf32>
    %lt3A_600 = arith.cmpf olt, %mul3A_598, %lt3A_599 : vector<16x128xf32>
    %and3A_601 = arith.andi %eq3A_595, %lt3A_600 : vector<16x128xi1>
    %jit3A_602 = arith.constant 1 : i32
    %jit3A_603 = arith.constant 0 : i32
    %broadcast_in_dim3A_604 = vector.broadcast %jit3A_602 : i32 to vector<16x128xi32>
    %broadcast_in_dim3A_605 = vector.broadcast %jit3A_603 : i32 to vector<16x128xi32>
    %select_n3A_606 = arith.select %and3A_601, %broadcast_in_dim3A_604, %broadcast_in_dim3A_605 : vector<16x128xi1>, vector<16x128xi32>
    %reduce_sum3A_607 = arith.constant dense<0> : vector<128xi32>
    %reduce_sum3A_608 = vector.multi_reduction <add>, %select_n3A_606, %reduce_sum3A_607 [0] : vector<16x128xi32> to vector<128xi32>
    %broadcast_in_dim3A_609 = vector.shape_cast %reduce_sum3A_608 : vector<128xi32> to vector<1x128xi32>
    %swap3A_610 = arith.constant 0 : index
    %swap3A_611 = arith.constant 0 : index
    %swap3A_612 = vector.load %arg5[%swap3A_610, %swap3A_611] : memref<1x128xi32, #tpu.memory_space<vmem>>, vector<1x128xi32>
    tpu.vector_store %arg5[%swap3A_610, %swap3A_611], %min3A_582 {strides = array<i32>} : memref<1x128xi32, #tpu.memory_space<vmem>>, vector<1x128xi32>,
    %swap3A_613 = arith.constant 0 : index
    %swap3A_614 = arith.constant 0 : index
    %swap3A_615 = vector.load %arg6[%swap3A_613, %swap3A_614] : memref<1x128xi32, #tpu.memory_space<vmem>>, vector<1x128xi32>
    tpu.vector_store %arg6[%swap3A_613, %swap3A_614], %broadcast_in_dim3A_609 {strides = array<i32>} : memref<1x128xi32, #tpu.memory_space<vmem>>, vector<1x128xi32>,
    return
  }
}

module attributes {stable_mosaic.version = 14 : i64} {
  func.func @_shared_body(%arg0: i32, %arg1: memref<256x1024xf32, #tpu.memory_space<vmem>>, %arg2: memref<512x1024xf32, #tpu.memory_space<vmem>>, %arg3: memref<512x1024xf32, #tpu.memory_space<vmem>>, %arg4: memref<1024x512xf32, #tpu.memory_space<vmem>>, %arg5: memref<256x1024xf32, #tpu.memory_space<vmem>>) attributes {dimension_semantics = [#tpu.dimension_semantics<arbitrary>], iteration_bounds = array<i64: 8>, scalar_prefetch = 0 : i64, scratch_operands = 0 : i64, tpu.core_type = #tpu.core_type<tc>, window_params = [{transform_indices = @transform_0, window_bounds = array<i64: 256, 1024>}, {pipeline_mode = #tpu.pipeline_mode<synchronous>, transform_indices = @transform_1, window_bounds = array<i64: 512, 1024>}, {pipeline_mode = #tpu.pipeline_mode<synchronous>, transform_indices = @transform_2, window_bounds = array<i64: 512, 1024>}, {pipeline_mode = #tpu.pipeline_mode<synchronous>, transform_indices = @transform_3, window_bounds = array<i64: 1024, 512>}, {transform_indices = @transform_4, window_bounds = array<i64: 256, 1024>}]} {
    %get3A = arith.constant 0 : index
    %get3A_0 = arith.constant 0 : index
    %get3A_1 = vector.load %arg1[%get3A, %get3A_0] : memref<256x1024xf32, #tpu.memory_space<vmem>>, vector<256x1024xf32>
    %get3A_2 = arith.constant 0 : index
    %get3A_3 = arith.constant 0 : index
    %get3A_4 = vector.load %arg2[%get3A_2, %get3A_3] : memref<512x1024xf32, #tpu.memory_space<vmem>>, vector<512x1024xf32>
    %dot_general3A = arith.constant dense<0.000000e+00> : vector<256x512xf32>
    %dot_general3A_5 = tpu.matmul %get3A_1, %get3A_4, %dot_general3A {dimension_numbers = #tpu.dot_dimension_numbers<[1], [1], [0], [0], [0, 0, 1, 0], [], []>, transpose_lhs_hint = false} : vector<256x1024xf32>, vector<512x1024xf32>, vector<256x512xf32> -> vector<256x512xf32>
    %get3A_6 = arith.constant 0 : index
    %get3A_7 = arith.constant 0 : index
    %get3A_8 = vector.load %arg3[%get3A_6, %get3A_7] : memref<512x1024xf32, #tpu.memory_space<vmem>>, vector<512x1024xf32>
    %dot_general3A_9 = arith.constant dense<0.000000e+00> : vector<256x512xf32>
    %dot_general3A_10 = tpu.matmul %get3A_1, %get3A_8, %dot_general3A_9 {dimension_numbers = #tpu.dot_dimension_numbers<[1], [1], [0], [0], [0, 0, 1, 0], [], []>, transpose_lhs_hint = false} : vector<256x1024xf32>, vector<512x1024xf32>, vector<256x512xf32> -> vector<256x512xf32>
    %neg3A = arith.constant 0.000000e+00 : f32
    %neg3A_11 = vector.broadcast %neg3A : f32 to vector<256x512xf32>
    %neg3A_12 = arith.subf %neg3A_11, %dot_general3A_5 : vector<256x512xf32>
    %exp3A = math.exp %neg3A_12 : vector<256x512xf32>
    %add3A = arith.constant 1.000000e+00 : f32
    %add3A_13 = vector.broadcast %add3A : f32 to vector<256x512xf32>
    %add3A_14 = arith.addf %add3A_13, %exp3A : vector<256x512xf32>
    %div3A = arith.divf %dot_general3A_5, %add3A_14 : vector<256x512xf32>
    %mul3A = arith.mulf %div3A, %dot_general3A_10 : vector<256x512xf32>
    %get3A_15 = arith.constant 0 : index
    %get3A_16 = arith.constant 0 : index
    %get3A_17 = vector.load %arg4[%get3A_15, %get3A_16] : memref<1024x512xf32, #tpu.memory_space<vmem>>, vector<1024x512xf32>
    %dot_general3A_18 = arith.constant dense<0.000000e+00> : vector<256x1024xf32>
    %dot_general3A_19 = tpu.matmul %mul3A, %get3A_17, %dot_general3A_18 {dimension_numbers = #tpu.dot_dimension_numbers<[1], [1], [0], [0], [0, 0, 1, 0], [], []>, transpose_lhs_hint = false} : vector<256x512xf32>, vector<1024x512xf32>, vector<256x1024xf32> -> vector<256x1024xf32>
    %swap3A = arith.constant 0 : index
    %swap3A_20 = arith.constant 0 : index
    %swap3A_21 = vector.load %arg5[%swap3A, %swap3A_20] : memref<256x1024xf32, #tpu.memory_space<vmem>>, vector<256x1024xf32>
    tpu.vector_store %arg5[%swap3A, %swap3A_20], %dot_general3A_19 {strides = array<i32>} : memref<256x1024xf32, #tpu.memory_space<vmem>>, vector<256x1024xf32>,
    return
  }
  func.func @transform_0(%arg0: i32) -> (i32, i32) {
    %c0_i32 = arith.constant 0 : i32
    %c0_i32_0 = arith.constant 0 : i32
    return %arg0, %c0_i32 : i32, i32
  }
  func.func @transform_1(%arg0: i32) -> (i32, i32) {
    %c0_i32 = arith.constant 0 : i32
    %c0_i32_0 = arith.constant 0 : i32
    %c0_i32_1 = arith.constant 0 : i32
    return %c0_i32, %c0_i32_0 : i32, i32
  }
  func.func @transform_2(%arg0: i32) -> (i32, i32) {
    %c0_i32 = arith.constant 0 : i32
    %c0_i32_0 = arith.constant 0 : i32
    %c0_i32_1 = arith.constant 0 : i32
    return %c0_i32, %c0_i32_0 : i32, i32
  }
  func.func @transform_3(%arg0: i32) -> (i32, i32) {
    %c0_i32 = arith.constant 0 : i32
    %c0_i32_0 = arith.constant 0 : i32
    %c0_i32_1 = arith.constant 0 : i32
    return %c0_i32, %c0_i32_0 : i32, i32
  }
  func.func @transform_4(%arg0: i32) -> (i32, i32) {
    %c0_i32 = arith.constant 0 : i32
    %c0_i32_0 = arith.constant 0 : i32
    return %arg0, %c0_i32 : i32, i32
  }
}

module attributes {stable_mosaic.version = 14 : i64} {
  func.func @_combine_body(%arg0: i32, %arg1: memref<512x1024xf32, #tpu.memory_space<vmem>>, %arg2: memref<4x512x1024xf32, #tpu.memory_space<vmem>>, %arg3: memref<512x16xf32, #tpu.memory_space<vmem>>, %arg4: memref<512x1024xf32, #tpu.memory_space<vmem>>) attributes {dimension_semantics = [#tpu.dimension_semantics<arbitrary>], iteration_bounds = array<i64: 4>, scalar_prefetch = 0 : i64, scratch_operands = 0 : i64, tpu.core_type = #tpu.core_type<tc>, window_params = [{transform_indices = @transform_0, window_bounds = array<i64: 512, 1024>}, {transform_indices = @transform_1, window_bounds = array<i64: 4, 512, 1024>}, {transform_indices = @transform_2, window_bounds = array<i64: 512, 16>}, {transform_indices = @transform_3, window_bounds = array<i64: 512, 1024>}]} {
    %get3A = arith.constant 0 : index
    %get3A_0 = arith.constant 0 : index
    %get3A_1 = vector.load %arg1[%get3A, %get3A_0] : memref<512x1024xf32, #tpu.memory_space<vmem>>, vector<512x1024xf32>
    %get3A_2 = arith.constant 0 : index
    %get3A_3 = arith.constant 0 : index
    %get3A_4 = vector.load %arg3[%get3A_2, %get3A_3] : memref<512x16xf32, #tpu.memory_space<vmem>>, vector<512x1xf32>
    %get3A_5 = arith.constant 0 : index
    %get3A_6 = arith.constant 0 : index
    %get3A_7 = arith.constant 0 : index
    %get3A_8 = vector.load %arg2[%get3A_5, %get3A_6, %get3A_7] : memref<4x512x1024xf32, #tpu.memory_space<vmem>>, vector<1x512x1024xf32>
    %get3A_9 = vector.shape_cast %get3A_8 : vector<1x512x1024xf32> to vector<512x1024xf32>
    %mul3A = vector.broadcast %get3A_4 : vector<512x1xf32> to vector<512x1024xf32>
    %mul3A_10 = arith.mulf %mul3A, %get3A_9 : vector<512x1024xf32>
    %add3A = arith.addf %get3A_1, %mul3A_10 : vector<512x1024xf32>
    %get3A_11 = arith.constant 0 : index
    %get3A_12 = arith.constant 1 : index
    %get3A_13 = vector.load %arg3[%get3A_11, %get3A_12] : memref<512x16xf32, #tpu.memory_space<vmem>>, vector<512x1xf32>
    %get3A_14 = arith.constant 1 : index
    %get3A_15 = arith.constant 0 : index
    %get3A_16 = arith.constant 0 : index
    %get3A_17 = vector.load %arg2[%get3A_14, %get3A_15, %get3A_16] : memref<4x512x1024xf32, #tpu.memory_space<vmem>>, vector<1x512x1024xf32>
    %get3A_18 = vector.shape_cast %get3A_17 : vector<1x512x1024xf32> to vector<512x1024xf32>
    %mul3A_19 = vector.broadcast %get3A_13 : vector<512x1xf32> to vector<512x1024xf32>
    %mul3A_20 = arith.mulf %mul3A_19, %get3A_18 : vector<512x1024xf32>
    %add3A_21 = arith.addf %add3A, %mul3A_20 : vector<512x1024xf32>
    %get3A_22 = arith.constant 0 : index
    %get3A_23 = arith.constant 2 : index
    %get3A_24 = vector.load %arg3[%get3A_22, %get3A_23] : memref<512x16xf32, #tpu.memory_space<vmem>>, vector<512x1xf32>
    %get3A_25 = arith.constant 2 : index
    %get3A_26 = arith.constant 0 : index
    %get3A_27 = arith.constant 0 : index
    %get3A_28 = vector.load %arg2[%get3A_25, %get3A_26, %get3A_27] : memref<4x512x1024xf32, #tpu.memory_space<vmem>>, vector<1x512x1024xf32>
    %get3A_29 = vector.shape_cast %get3A_28 : vector<1x512x1024xf32> to vector<512x1024xf32>
    %mul3A_30 = vector.broadcast %get3A_24 : vector<512x1xf32> to vector<512x1024xf32>
    %mul3A_31 = arith.mulf %mul3A_30, %get3A_29 : vector<512x1024xf32>
    %add3A_32 = arith.addf %add3A_21, %mul3A_31 : vector<512x1024xf32>
    %get3A_33 = arith.constant 0 : index
    %get3A_34 = arith.constant 3 : index
    %get3A_35 = vector.load %arg3[%get3A_33, %get3A_34] : memref<512x16xf32, #tpu.memory_space<vmem>>, vector<512x1xf32>
    %get3A_36 = arith.constant 3 : index
    %get3A_37 = arith.constant 0 : index
    %get3A_38 = arith.constant 0 : index
    %get3A_39 = vector.load %arg2[%get3A_36, %get3A_37, %get3A_38] : memref<4x512x1024xf32, #tpu.memory_space<vmem>>, vector<1x512x1024xf32>
    %get3A_40 = vector.shape_cast %get3A_39 : vector<1x512x1024xf32> to vector<512x1024xf32>
    %mul3A_41 = vector.broadcast %get3A_35 : vector<512x1xf32> to vector<512x1024xf32>
    %mul3A_42 = arith.mulf %mul3A_41, %get3A_40 : vector<512x1024xf32>
    %add3A_43 = arith.addf %add3A_32, %mul3A_42 : vector<512x1024xf32>
    %swap3A = arith.constant 0 : index
    %swap3A_44 = arith.constant 0 : index
    %swap3A_45 = vector.load %arg4[%swap3A, %swap3A_44] : memref<512x1024xf32, #tpu.memory_space<vmem>>, vector<512x1024xf32>
    tpu.vector_store %arg4[%swap3A, %swap3A_44], %add3A_43 {strides = array<i32>} : memref<512x1024xf32, #tpu.memory_space<vmem>>, vector<512x1024xf32>,
    return
  }
  func.func @transform_0(%arg0: i32) -> (i32, i32) {
    %c0_i32 = arith.constant 0 : i32
    %c0_i32_0 = arith.constant 0 : i32
    return %arg0, %c0_i32 : i32, i32
  }
  func.func @transform_1(%arg0: i32) -> (i32, i32, i32) {
    %c0_i32 = arith.constant 0 : i32
    %c0_i32_0 = arith.constant 0 : i32
    %c0_i32_1 = arith.constant 0 : i32
    return %c0_i32, %arg0, %c0_i32_0 : i32, i32, i32
  }
  func.func @transform_2(%arg0: i32) -> (i32, i32) {
    %c0_i32 = arith.constant 0 : i32
    %c0_i32_0 = arith.constant 0 : i32
    return %arg0, %c0_i32 : i32, i32
  }
  func.func @transform_3(%arg0: i32) -> (i32, i32) {
    %c0_i32 = arith.constant 0 : i32
    %c0_i32_0 = arith.constant 0 : i32
    return %arg0, %c0_i32 : i32, i32
  }
}

module attributes {stable_mosaic.version = 14 : i64} {
  func.func @_ffn_body(%arg0: i32, %arg1: memref<128xi32, #tpu.memory_space<smem>>, %arg2: memref<256x1024xf32, #tpu.memory_space<vmem>>, %arg3: memref<1x512x1024xf32, #tpu.memory_space<vmem>>, %arg4: memref<1x512x1024xf32, #tpu.memory_space<vmem>>, %arg5: memref<1x1024x512xf32, #tpu.memory_space<vmem>>, %arg6: memref<256x1024xf32, #tpu.memory_space<vmem>>) attributes {dimension_semantics = [#tpu.dimension_semantics<arbitrary>], iteration_bounds = array<i64: 48>, scalar_prefetch = 1 : i64, scratch_operands = 0 : i64, tpu.core_type = #tpu.core_type<tc>, window_params = [{transform_indices = @transform_0, window_bounds = array<i64: 256, 1024>}, {transform_indices = @transform_1, window_bounds = array<i64: 1, 512, 1024>}, {transform_indices = @transform_2, window_bounds = array<i64: 1, 512, 1024>}, {transform_indices = @transform_3, window_bounds = array<i64: 1, 1024, 512>}, {transform_indices = @transform_4, window_bounds = array<i64: 256, 1024>}]} {
    %add3A = arith.constant 64 : i32
    %add3A_0 = arith.addi %add3A, %arg0 : i32
    %get3A = arith.index_cast %add3A_0 : i32 to index
    %get3A_1 = memref.load %arg1[%get3A] : memref<128xi32, #tpu.memory_space<smem>>
    %gt3A = arith.constant 0 : i32
    %gt3A_2 = arith.cmpi sgt, %get3A_1, %gt3A : i32
    %convert_element_type3A = arith.extui %gt3A_2 : i1 to i32
    %cond3A = arith.constant 0 : i32
    %cond3A_3 = arith.cmpi ne, %convert_element_type3A, %cond3A : i32
    scf.if %cond3A_3 {
      %get3A_4 = arith.constant 0 : index
      %get3A_5 = arith.constant 0 : index
      %get3A_6 = vector.load %arg2[%get3A_4, %get3A_5] : memref<256x1024xf32, #tpu.memory_space<vmem>>, vector<256x1024xf32>
      %get3A_7 = arith.constant 0 : index
      %get3A_8 = arith.constant 0 : index
      %get3A_9 = arith.constant 0 : index
      %get3A_10 = vector.load %arg3[%get3A_7, %get3A_8, %get3A_9] : memref<1x512x1024xf32, #tpu.memory_space<vmem>>, vector<1x512x1024xf32>
      %get3A_11 = vector.shape_cast %get3A_10 : vector<1x512x1024xf32> to vector<512x1024xf32>
      %dot_general3A = arith.constant dense<0.000000e+00> : vector<256x512xf32>
      %dot_general3A_12 = tpu.matmul %get3A_6, %get3A_11, %dot_general3A {dimension_numbers = #tpu.dot_dimension_numbers<[1], [1], [0], [0], [0, 0, 1, 0], [], []>, transpose_lhs_hint = false} : vector<256x1024xf32>, vector<512x1024xf32>, vector<256x512xf32> -> vector<256x512xf32>
      %get3A_13 = arith.constant 0 : index
      %get3A_14 = arith.constant 0 : index
      %get3A_15 = arith.constant 0 : index
      %get3A_16 = vector.load %arg4[%get3A_13, %get3A_14, %get3A_15] : memref<1x512x1024xf32, #tpu.memory_space<vmem>>, vector<1x512x1024xf32>
      %get3A_17 = vector.shape_cast %get3A_16 : vector<1x512x1024xf32> to vector<512x1024xf32>
      %dot_general3A_18 = arith.constant dense<0.000000e+00> : vector<256x512xf32>
      %dot_general3A_19 = tpu.matmul %get3A_6, %get3A_17, %dot_general3A_18 {dimension_numbers = #tpu.dot_dimension_numbers<[1], [1], [0], [0], [0, 0, 1, 0], [], []>, transpose_lhs_hint = false} : vector<256x1024xf32>, vector<512x1024xf32>, vector<256x512xf32> -> vector<256x512xf32>
      %neg3A = arith.constant 0.000000e+00 : f32
      %neg3A_20 = vector.broadcast %neg3A : f32 to vector<256x512xf32>
      %neg3A_21 = arith.subf %neg3A_20, %dot_general3A_12 : vector<256x512xf32>
      %exp3A = math.exp %neg3A_21 : vector<256x512xf32>
      %add3A_22 = arith.constant 1.000000e+00 : f32
      %add3A_23 = vector.broadcast %add3A_22 : f32 to vector<256x512xf32>
      %add3A_24 = arith.addf %add3A_23, %exp3A : vector<256x512xf32>
      %div3A = arith.divf %dot_general3A_12, %add3A_24 : vector<256x512xf32>
      %mul3A = arith.mulf %div3A, %dot_general3A_19 : vector<256x512xf32>
      %get3A_25 = arith.constant 0 : index
      %get3A_26 = arith.constant 0 : index
      %get3A_27 = arith.constant 0 : index
      %get3A_28 = vector.load %arg5[%get3A_25, %get3A_26, %get3A_27] : memref<1x1024x512xf32, #tpu.memory_space<vmem>>, vector<1x1024x512xf32>
      %get3A_29 = vector.shape_cast %get3A_28 : vector<1x1024x512xf32> to vector<1024x512xf32>
      %dot_general3A_30 = arith.constant dense<0.000000e+00> : vector<256x1024xf32>
      %dot_general3A_31 = tpu.matmul %mul3A, %get3A_29, %dot_general3A_30 {dimension_numbers = #tpu.dot_dimension_numbers<[1], [1], [0], [0], [0, 0, 1, 0], [], []>, transpose_lhs_hint = false} : vector<256x512xf32>, vector<1024x512xf32>, vector<256x1024xf32> -> vector<256x1024xf32>
      %swap3A = arith.constant 0 : index
      %swap3A_32 = arith.constant 0 : index
      %swap3A_33 = vector.load %arg6[%swap3A, %swap3A_32] : memref<256x1024xf32, #tpu.memory_space<vmem>>, vector<256x1024xf32>
      tpu.vector_store %arg6[%swap3A, %swap3A_32], %dot_general3A_31 {strides = array<i32>} : memref<256x1024xf32, #tpu.memory_space<vmem>>, vector<256x1024xf32>,
    } else {
    }
    return
  }
  func.func @transform_0(%arg0: i32, %arg1: memref<128xi32, #tpu.memory_space<smem>>) -> (i32, i32) {
    %c0_i32 = arith.constant 0 : i32
    %c0_i32_0 = arith.constant 0 : i32
    return %arg0, %c0_i32 : i32, i32
  }
  func.func @transform_1(%arg0: i32, %arg1: memref<128xi32, #tpu.memory_space<smem>>) -> (i32, i32, i32) {
    %get3A = arith.index_cast %arg0 : i32 to index
    %get3A_0 = memref.load %arg1[%get3A] : memref<128xi32, #tpu.memory_space<smem>>
    %c0_i32 = arith.constant 0 : i32
    %c0_i32_1 = arith.constant 0 : i32
    %c0_i32_2 = arith.constant 0 : i32
    return %get3A_0, %c0_i32, %c0_i32_1 : i32, i32, i32
  }
  func.func @transform_2(%arg0: i32, %arg1: memref<128xi32, #tpu.memory_space<smem>>) -> (i32, i32, i32) {
    %get3A = arith.index_cast %arg0 : i32 to index
    %get3A_0 = memref.load %arg1[%get3A] : memref<128xi32, #tpu.memory_space<smem>>
    %c0_i32 = arith.constant 0 : i32
    %c0_i32_1 = arith.constant 0 : i32
    %c0_i32_2 = arith.constant 0 : i32
    return %get3A_0, %c0_i32, %c0_i32_1 : i32, i32, i32
  }
  func.func @transform_3(%arg0: i32, %arg1: memref<128xi32, #tpu.memory_space<smem>>) -> (i32, i32, i32) {
    %get3A = arith.index_cast %arg0 : i32 to index
    %get3A_0 = memref.load %arg1[%get3A] : memref<128xi32, #tpu.memory_space<smem>>
    %c0_i32 = arith.constant 0 : i32
    %c0_i32_1 = arith.constant 0 : i32
    %c0_i32_2 = arith.constant 0 : i32
    return %get3A_0, %c0_i32, %c0_i32_1 : i32, i32, i32
  }
  func.func @transform_4(%arg0: i32, %arg1: memref<128xi32, #tpu.memory_space<smem>>) -> (i32, i32) {
    %c0_i32 = arith.constant 0 : i32
    %c0_i32_0 = arith.constant 0 : i32
    return %arg0, %c0_i32 : i32, i32
  }
}

</mosaic_0001>

<sc_bundles>
// kernel: kernel.11.cloned.1.call-start
scs
__scs_entry_jumppad:
0x0: {  	(pc) =	sbr.rel $0x88, $3  }
0x1: {  	(tag) =	ssettag $0x0;
	lr =	simm.s32 $0x1  }
0x2: {  	[smem:$0x3F98] =	sst lr;
	_ =	strace $0xD0000000  }
0x3: {  	_ = 	snop  }
0x4: {  	_ = 	snop  }
0x5: {  	_ = 	snop  }
0x6: {  	_ = 	snop  }
0x7: {  	_ = 	snop  }
__scs_overlays_trampoline_lowered:
0x8: {  	[smem:$0x3FA7] =	sst s0  }
0x9: {  	[smem:$0x3FA8] =	sst s1  }
0xa: {  	[smem:$0x3FA9] =	sst s2  }
0xb: {  	[smem:$0x3FAA] =	sst s3  }
0xc: {  	[smem:$0x3FAB] =	sst s4  }
0xd: {  	[smem:$0x3FAC] =	sst s5  }
0xe: {  	[smem:$0x3FAD] =	sst s6  }
0xf: {  	[smem:$0x3FAE] =	sst s7  }
0x10: {  	[smem:$0x3FAF] =	sst s8  }
0x11: {  	[smem:$0x3FB0] =	sst s9;
	s0 =	simm.s32 @!p0 $0x0  }
0x12: {  	s1 =	sld [smem:$0x3F96];
	s0 =	simm.s32 @p0 $0x1  }
0x13: {  	[smem:$0x3FB1] =	sst s0;
	s0 =	simm.s32 @!p1 $0x0  }
0x14: {  	s2 =	sld [smem:$0x3F95];
	s0 =	simm.s32 @p1 $0x1  }
0x15: {  	[smem:$0x3FB2] =	sst s0;
	s0 =	simm.s32 @!p2 $0x0  }
0x16: {  	s3 =	sld [smem:$0x3FDB];
	s0 =	simm.s32 @p2 $0x1  }
0x17: {  	s4 =	simm.s32 $0x1BF5;
	[smem:$0x3FB4] =	sst s0  }
0x18: {  	s0 =	sld [smem:$0x3F97];
	_ =	swait.ge [sflag:s4], $0x0  }
0x19: {  	s7 =	sld [smem:$0x3F98]  }
0x1a: {  	s8 =	sadd.s32 $0xFFFFE003, lr  }
0x1b: {  	s9 =	sadd.s32 $0xFFFFFEF7, lr;
	s5 =	simm.s32 $0xFFFFFFFF;
	p2 =	slt.u32 s8, $0xFFFFF086  }
0x1c: {  	p1 =	slt.u32 s9, $0xF7A;
	s5 =	simm.s32 @!p2 $0x0  }
0x1d: {  	s5 =	simm.s32 @p1 $0x1;
	p0 =	seq.s32 s7, s2  }
0x1e: {  	s7 =	smul.u32 @!p0 $0xF7A, s2;
	p2 =	seq.s32 @!p0 s5, $0x0  }
0x1f: {  	s9 =	smul.u32 $0xF7A, s1;
	s8 =	simm.s32 @!p0 $0x1BF5;
	p2 =	por !p2, p0  }
0x20: {  	[sflag:s8] =	ssyncset.s32 @!p0 $0xFFFFF086;
	s6 =	sadd.s32 @!p0 s3, s7;
	s7 =	simm.s32 @!p0 $0x108  }
0x21: {  	s3 =	sadd.s32 s3, s9;
	s6 =	sadd.s32 @!p0 $0x88, s6;
	s7 =	simm.s32 @p2 $0x1082  }
0x22: {  	[simem:s7], [sflag:s8] =	dma.local @!p0 [hbm:s6], $0xF7A  }
0x23: {  	s9 =	sor.u32 $0xD0000000, s2;
	s6 =	simm.s32 $0x108;
	_ =	swait.ge @!p0 [sflag:s8], $0x0  }
0x24: {  	s3 =	sadd.s32 $0x88, s3;
	s6 =	simm.s32 @!p1 $0x1082;
	[sflag:s4] =	ssyncset.s32 $0xFFFFF086  }
0x25: {  	[simem:s6], [sflag:s4] =	dma.local [hbm:s3], $0xF7A  }
0x26: {  	[smem:$0x3F98] =	sst s1;
	(tag) =	ssettag s2;
	_ =	strace s9  }
0x27: {  	s1 =	sld [smem:$0x3FA8]  }
0x28: {  	s2 =	sld [smem:$0x3FA9]  }
0x29: {  	s4 =	sld [smem:$0x3FAB]  }
0x2a: {  	p0 =	seq.s32 s5, $0x0;
	s5 =	sld [smem:$0x3FAC]  }
0x2b: {  	s6 =	sld [smem:$0x3FAD]  }
0x2c: {  	s7 =	sld [smem:$0x3FAE]  }
0x2d: {  	s3 =	simm.s32 $0x108;
	s8 =	sld [smem:$0x3FAF]  }
0x2e: {  	s3 =	simm.s32 @!p0 $0x1082;
	s9 =	sld [smem:$0x3FB0]  }
0x2f: {  	lr =	sadd.s32 s0, s3;
	s0 =	sld [smem:$0x3FA7]  }
0x30: {  	s3 =	sld [smem:$0x3FAA]  }
0x31: {  	[smem:$0x3FB3] =	sst s10  }
0x32: {  	s10 =	sld [smem:$0x3FB1];
	_ =	sdelay $0x3  }
0x33: {  	p0 =	seq.s32 s10, $0x1;
	s10 =	sld [smem:$0x3FB3];
	_ =	sdelay $0x3  }
0x34: {  	[smem:$0x3FB3] =	sst s10  }
0x35: {  	s10 =	sld [smem:$0x3FB2];
	_ =	sdelay $0x3  }
0x36: {  	p1 =	seq.s32 s10, $0x1;
	s10 =	sld [smem:$0x3FB3];
	_ =	sdelay $0x3  }
0x37: {  	[smem:$0x3FB3] =	sst s10  }
0x38: {  	s10 =	sld [smem:$0x3FB4]  }
0x39: {  	_ = 	snop;
	(pc) =	sbr.ind lr, $3  }
0x3a: {  	_ = 	snop  }
0x3b: {  	_ = 	snop  }
0x3c: {  	p2 =	seq.s32 s10, $0x1;
	s10 =	sld [smem:$0x3FB3]  }
0x3d: {  	_ =	shalt  }
0x3e: {  	_ =	shalt  }
0x3f: {  	_ =	shalt  }
0x40: {  	_ =	shalt  }
0x41: {  	_ =	shalt  }
0x42: {  	_ =	shalt  }
0x43: {  	_ =	shalt  }
0x44: {  	_ =	shalt  }
0x45: {  	_ =	shalt  }
0x46: {  	_ =	shalt  }
0x47: {  	_ =	shalt  }
0x48: {  	_ =	shalt  }
0x49: {  	_ =	shalt  }
0x4a: {  	_ =	shalt  }
0x4b: {  	_ =	shalt  }
0x4c: {  	_ =	shalt  }
0x4d: {  	_ =	shalt  }
0x4e: {  	_ =	shalt  }
0x4f: {  	_ =	shalt  }
0x50: {  	_ =	shalt  }
0x51: {  	_ =	shalt  }
0x52: {  	_ =	shalt  }
0x53: {  	_ =	shalt  }
0x54: {  	_ =	shalt  }
0x55: {  	_ =	shalt  }
0x56: {  	_ =	shalt  }
0x57: {  	_ =	shalt  }
0x58: {  	_ =	shalt  }
0x59: {  	_ =	shalt  }
0x5a: {  	_ =	shalt  }
0x5b: {  	_ =	shalt  }
0x5c: {  	_ =	shalt  }
0x5d: {  	_ =	shalt  }
0x5e: {  	_ =	shalt  }
0x5f: {  	_ =	shalt  }
0x60: {  	_ =	shalt  }
0x61: {  	_ =	shalt  }
0x62: {  	_ =	shalt  }
0x63: {  	_ =	shalt  }
0x64: {  	_ =	shalt  }
0x65: {  	_ =	shalt  }
0x66: {  	_ =	shalt  }
0x67: {  	_ =	shalt  }
0x68: {  	_ =	shalt  }
0x69: {  	_ =	shalt  }
0x6a: {  	_ =	shalt  }
0x6b: {  	_ =	shalt  }
0x6c: {  	_ =	shalt  }
0x6d: {  	_ =	shalt  }
0x6e: {  	_ =	shalt  }
0x6f: {  	_ =	shalt  }
0x70: {  	_ =	shalt  }
0x71: {  	_ =	shalt  }
0x72: {  	_ =	shalt  }
0x73: {  	_ =	shalt  }
0x74: {  	_ =	shalt  }
0x75: {  	_ =	shalt  }
0x76: {  	_ =	shalt  }
0x77: {  	_ =	shalt  }
0x78: {  	_ =	shalt  }
0x79: {  	_ =	shalt  }
0x7a: {  	_ =	shalt  }
0x7b: {  	_ =	shalt  }
0x7c: {  	_ =	shalt  }
0x7d: {  	_ =	shalt  }
0x7e: {  	_ =	shalt  }
0x7f: {  	_ =	shalt  }
0x80: {  	_ =	shalt  }
0x81: {  	_ =	shalt  }
0x82: {  	_ =	shalt  }
0x83: {  	_ =	shalt  }
0x84: {  	_ =	shalt  }
0x85: {  	_ =	shalt  }
0x86: {  	_ =	shalt  }
0x87: {  	_ =	shalt  }
.Lfunc_end0:
.L_simem_size_0:
called_computation.1_lowered:
.L_overlay_start_0:
0x88: {  	s2 =	sld [smem:$0x3FD9]  }
0x89: {  	s3 =	sld [smem:$0x3FFE];
	_ =	sdelay $0x1  }
0x8a: {  	s1 =	srdreg.scid  }
0x8b: {  	s0 =	sand.u32 $0x1, s1  }
0x8c: {  	s16 =	sshll.u32 s0, $0xA;
	s2 =	sadd.s32 s3, s2  }
0x8d: {  	s2 =	sadd.s32 s2, s16  }
0x8e: {  	[smem:$0x3FBF] =	sst s2  }
0x8f: {  	_ = 	snop  }
0x90: {  	(tm) =	ssettm $0x1  }
0x91: {  	s17 =	sld [smem:$0x3FFB];
	_ =	sdelay $0x3  }
0x92: {  	_ =	strace s17  }
0x93: {  	s2 =	sld [smem:$0x3FFC];
	_ =	sdelay $0x3  }
0x94: {  	_ =	strace s2  }
0x95: {  	s2 =	sld [smem:$0x3FFD];
	_ =	sdelay $0x3  }
0x96: {  	_ =	strace s2  }
0x97: {  	_ =	strace $0x8FFFFFFF  }
0x98: {  	s18 =	sld [smem:$0x3FDB];
	_ =	sdelay $0x1  }
0x99: {  	s19 =	simm.s32 $_scs_section_size  }
0x9a: {  	s4 =	simm.s32 $_size__tile_overlayer_lowered;
	s5 =	simm.s32 $_tile_overlayer_lowered  }
0x9b: {  	s22 =	simm.s32 $0x1BFF;
	s21 =	sshll.u32 s5, $0x1;
	s2 =	sadd.s32 s19, s18  }
0x9c: {  	s6 =	simm.s32 $0x0;
	s20 =	sshll.u32 s4, $0x1;
	s4 =	sadd.s32 s21, s2  }
0x9d: {  	[timem:s6], [sflag:s22] =	dma.local [hbm:s4], s20  }
0x9e: {  	_ =	swait.ge [sflag:s22], s20  }
0x9f: {  	s3 =	ssub.s32 $0x0, s20;
	[sflag:s22] =	ssyncset.done $0x0  }
0xa0: {  	[sflag:s22] =	ssyncadd.s32 s3;
	_ =	sdelay $0x1  }
0xa1: {  	s23 =	simm.s32 $0x1B8B  }
0xa2: {  	_ =	swait.ge [sflag:s23], $0x1  }
0xa3: {  	[sflag:s23] =	ssyncset.done $0x0  }
0xa4: {  	s25 =	simm.s32 $0x1B8E;
	s24 =	sld [smem:$0x3FFE];
	[sflag:s23] =	ssyncadd.s32 $0xFFFFFFFF  }
0xa5: {  	s26 =	simm.s32 $execute0_lowered;
	[smem:$0x3FD2] =	sst s25  }
0xa6: {  	s4 =	sshll.u32 s26, $0x1;
	_ =	strace $0x80000049;
	[dreg:$0x1] =	wrdreg $0xFFFFFFFF  }
0xa7: {  	s28 =	simm.s32 $_size_execute0_lowered;
	s2 =	sadd.s32 s2, s4;
	[dreg:$0x0] =	wrdreg $0x0  }
0xa8: {  	s4 =	sshll.u32 s28, $0x1;
	[dreg:$0x2] =	wrdreg s2  }
0xa9: {  	[dreg:$0x3] =	wrdreg s4  }
0xaa: {  	[dreg:$0x4] =	wrdreg $0xC0  }
0xab: {  	_ =	task [dreg:s6], $0x5FFFF  }
0xac: {  	[dreg:$0x1] =	wrdreg $0xFFFFFFFF  }
0xad: {  	[dreg:$0x0] =	wrdreg $0x60  }
0xae: {  	[dreg:$0x2] =	wrdreg s24  }
0xaf: {  	[dreg:$0x3] =	wrdreg $0x9  }
0xb0: {  	_ =	task.clear_ibuf [dreg:s6], $0x4FFFF;
	_ =	strace $0x90000049  }
0xb1: {  	s29 =	simm.s32 $0x9;
	_ =	strace $0x8000004B  }
0xb2: {  	_ =	swait.ge [sflag:s29], $0x1  }
0xb3: {  	[sflag:s29] =	ssyncadd.s32 $0xFFFFFFFF  }
0xb4: {  	_ =	strace $0x9000004B  }
0xb5: {  	_ =	sfence  }
0xb6: {  	s30 =	sld [smem:$0x0];
	_ =	sdelay $0x2  }
0xb7: {  	s31 =	sshll.u32 s1, $0xD;
	s1 =	sshrl.u32 s1, $0x2  }
0xb8: {  	s3 =	sand.u32 $0x4000, s31;
	s1 =	sadd.s32 s1, s30  }
0xb9: {  	s0 =	sor.u32 s3, s0;
	s1 =	sshll.u32 s1, $0x11  }
0xba: {  	s0 =	sor.u32 s1, s0  }
0xbb: {  	s0 =	sadd.s32 $0x8F2B, s0  }
0xbc: {  	[sflag:s0] =	ssyncadd.remote.s32 $0x1  }
0xbd: {  	_ =	sfence.sel $0xFFFF  }
0xbe: {  	[dreg:$0x0] =	wrdreg $0xFFFFFFFF;
	(pc) =	sbr.abs _section_cstart, $3  }
0xbf: {  	[dreg:$0x1] =	wrdreg $0xFFFFFFFF  }
0xc0: {  	_ =	task.clear_ibuf [dreg:s6], $0x2FFFF;
	_ =	strace $0x9FFFFFFF  }
0xc1: {  	(tm) =	ssettm $0x7FFFFFFF  }
tec
execute0_lowered:
.L_overlay_start_1:
0x0: {  	(tag) =	ssettag $0x1  }
0x1: {  	s0 =	srdreg.scid  }
0x2: {  	s5 =	stileid.u32;
	s1 =	rddreg [dreg:$0x0]  }
0x3: {  	s8 =	simm.s32 $0x10000;
	s15 =	simm.s32 $0x1;
	s16 =	simm.s32 $0x3  }
0x4: {  	s17 =	simm.s32 $0x2;
	s18 =	simm.s32 $0x4;
	s28 =	simm.s32 $0x3800  }
0x5: {  	s29 =	simm.s32 $0x4000;
	s30 =	simm.s32 $0x4800;
	s31 =	simm.s32 $0x5000  }
0x6: {  	s13 =	simm.s32 $0x5800;
	s0 =	sand.u32 $0x1, s0;
	s2 =	sshll.u32 s5, $0x1  }
0x7: {  	s12 =	simm.s32 $0x6000;
	s5 =	sshll.u32 s5, $0x10;
	s3 =	sor.u32 s0, s2  }
0x8: {  	s2 =	simm.s32 $0x0;
	s5 =	sand.u32 $0xC0000, s5;
	s4 =	sshll.u32 s3, $0xF  }
0x9: {  	s3 =	sshll.u32 s3, $0x7;
	[smem:$0x7FF] =	sst s2;
	s4 =	sand.u32 $0x38000, s4  }
0xa: {  	s3 =	sadd.s32 s3, s1;
	_ =	strace $0x8000004A;
	s4 =	sor.u32 s5, s4  }
0xb: {  	[dreg:$0xb] =	wrdreg s8;
	s3 =	sadd.s32 $0x1A00, s3;
	s5 =	sadd.s32 s4, s1  }
0xc: {  	s9 =	simm.s32 $0x7000;
	[dreg:$0x2] =	wrdreg s3;
	s20 =	sadd.s32 $0x2A00, s5  }
0xd: {  	s10 =	simm.s32 $0x7800;
	s21 =	sadd.s32 $0x3A00, s5;
	[dreg:$0x3] =	wrdreg s20  }
0xe: {  	s0 =	ssub.s32 $0x2, s0;
	s4 =	sadd.s32 $0x4A00, s5;
	[dreg:$0x4] =	wrdreg s21  }
0xf: {  	s6 =	sshrl.u32 s0, $0x1;
	s22 =	sadd.s32 $0x5A00, s5;
	[dreg:$0x5] =	wrdreg s4  }
0x10: {  	s0 =	ssub.s32 s0, s6;
	s23 =	sadd.s32 $0x6A00, s5;
	[dreg:$0x6] =	wrdreg s22  }
0x11: {  	s6 =	sadd.s32 $0x182D00, s1;
	s24 =	sadd.s32 $0x7A00, s5;
	[dreg:$0x7] =	wrdreg s23  }
0x12: {  	s7 =	smax.u32 s0, $0x1;
	s25 =	sadd.s32 $0x8A00, s5;
	[dreg:$0x8] =	wrdreg s24  }
0x13: {  	s3 =	sadd.s32 $0x182A00, s1;
	s26 =	sadd.s32 $0x9A00, s5;
	[dreg:$0x9] =	wrdreg s25  }
0x14: {  	v2 =	vlaneseq.u32;
	s5 =	sadd.s32 $0x182C00, s1;
	s4 =	sadd.s32 $0x182B00, s1;
	[dreg:$0xa] =	wrdreg s26  }
0x15: {  	vm0 =	vmmov $0xffff;
	v1 =	vshrl.u32 v2, $0x3;
	s24 =	simm.s32 $0x8000;
	s21 =	simm.s32 $0x1000;
	s22 =	simm.s32 $0x1800  }
0x16: {  	v0 =	vand.u32 $0x7, v2;
	v2 =	vor.u32 $0x8, v2;
	v1 =	vmul.u32 $0x8, v1;
	s23 =	simm.s32 $0x2000;
	s25 =	simm.s32 $0x2800;
	s26 =	simm.s32 $0x3000  }
.LBB2_1:
0x17: {  	s19 =	rddreg [dreg:$0x2]  }
0x18: {  	s20 =	rddreg [dreg:$0xb];
	s11 =	simm.s32 $0x5  }
0x19: {  	[tilespmem:s20], [sflag:$0x5] =	stream.linear.gather [hbm4b:s19+s2], $0x400, $0x38;
	[tilespmem:$0x10400] =	vst v63  }
0x1a: {  	_ =	swait.ge [sflag:s11], $0x400  }
0x1b: {  	[sflag:s11] =	ssyncset.done $0x0  }
0x1c: {  	[sflag:s11] =	ssyncadd.s32 $0xFFFFFC00  }
0x1d: {  	v3 =	vld [tilespmem:$0x10000];
	_ =	sdelay $0x4  }
0x1e: {  	v4 =	vshll.u32 v3, $0x3  }
0x1f: {  	v3 =	vand.u32 $0x7, v3;
	v4 =	vand.u32 $0xFFFFFFC0, v4  }
0x20: {  	v3 =	vor.u32 v3, v4  }
0x21: {  	v4 =	vperm.xlane v3, v0;
	_ =	sdelay $0x1  }
0x22: {  	v4 =	vadd.s32 v1, v4;
	_ =	sdelay $0x4  }
0x23: {  	[tilespmem:s2], [sflag:$0x1] =	stream.indirect_vreg.gather [hbm4b:s3+s2], $0x80, v4, vm0, $0xb8;
	[tilespmem:$0x10400] =	vst v63  }
0x24: {  	s20 =	simm.s32 $0x800;
	v3 =	vperm.xlane v3, v2  }
0x25: {  	[tilespmem:s20], [sflag:$0x1] =	stream.indirect_vreg.gather [hbm4b:s4+s2], $0x80, v4, vm0, $0xb8;
	[tilespmem:$0x10400] =	vst v63  }
0x26: {  	v3 =	vadd.s32 v1, v3  }
0x27: {  	[tilespmem:s21], [sflag:$0x1] =	stream.indirect_vreg.gather [hbm4b:s5+s2], $0x80, v4, vm0, $0xb8;
	[tilespmem:$0x10400] =	vst v63  }
0x28: {  	_ = 	snop  }
0x29: {  	[tilespmem:s22], [sflag:$0x1] =	stream.indirect_vreg.gather [hbm4b:s6+s2], $0x80, v4, vm0, $0xb8;
	[tilespmem:$0x10400] =	vst v63  }
0x2a: {  	_ = 	snop  }
0x2b: {  	[tilespmem:s23], [sflag:$0x1] =	stream.indirect_vreg.gather [hbm4b:s3+s2], $0x80, v3, vm0, $0xb8;
	[tilespmem:$0x10400] =	vst v63  }
0x2c: {  	_ = 	snop  }
0x2d: {  	[tilespmem:s25], [sflag:$0x1] =	stream.indirect_vreg.gather [hbm4b:s4+s2], $0x80, v3, vm0, $0xb8;
	[tilespmem:$0x10400] =	vst v63  }
0x2e: {  	_ = 	snop  }
0x2f: {  	[tilespmem:s26], [sflag:$0x1] =	stream.indirect_vreg.gather [hbm4b:s5+s2], $0x80, v3, vm0, $0xb8;
	[tilespmem:$0x10400] =	vst v63  }
0x30: {  	_ = 	snop  }
0x31: {  	[tilespmem:s28], [sflag:$0x1] =	stream.indirect_vreg.gather [hbm4b:s6+s2], $0x80, v3, vm0, $0xb8;
	[tilespmem:$0x10400] =	vst v63  }
0x32: {  	v3 =	vld [tilespmem:$0x10010];
	_ =	sdelay $0x4  }
0x33: {  	v49 =	vshll.u32 v3, $0x3  }
0x34: {  	v3 =	vand.u32 $0x7, v3;
	v4 =	vand.u32 $0xFFFFFFC0, v49  }
0x35: {  	v3 =	vor.u32 v3, v4  }
0x36: {  	v4 =	vperm.xlane v3, v0;
	_ =	sdelay $0x1  }
0x37: {  	v4 =	vadd.s32 v1, v4;
	_ =	sdelay $0x4  }
0x38: {  	[tilespmem:s29], [sflag:$0x1] =	stream.indirect_vreg.gather [hbm4b:s3+s2], $0x80, v4, vm0, $0xb8;
	[tilespmem:$0x10400] =	vst v63  }
0x39: {  	v3 =	vperm.xlane v3, v2  }
0x3a: {  	[tilespmem:s30], [sflag:$0x1] =	stream.indirect_vreg.gather [hbm4b:s4+s2], $0x80, v4, vm0, $0xb8;
	[tilespmem:$0x10400] =	vst v63  }
0x3b: {  	v3 =	vadd.s32 v1, v3  }
0x3c: {  	[tilespmem:s31], [sflag:$0x1] =	stream.indirect_vreg.gather [hbm4b:s5+s2], $0x80, v4, vm0, $0xb8;
	[tilespmem:$0x10400] =	vst v63  }
0x3d: {  	_ = 	snop  }
0x3e: {  	[tilespmem:s13], [sflag:$0x1] =	stream.indirect_vreg.gather [hbm4b:s6+s2], $0x80, v4, vm0, $0xb8;
	[tilespmem:$0x10400] =	vst v63  }
0x3f: {  	_ = 	snop  }
0x40: {  	[tilespmem:s12], [sflag:$0x1] =	stream.indirect_vreg.gather [hbm4b:s3+s2], $0x80, v3, vm0, $0xb8;
	[tilespmem:$0x10400] =	vst v63  }
0x41: {  	s8 =	simm.s32 $0x6800  }
0x42: {  	[tilespmem:s8], [sflag:$0x1] =	stream.indirect_vreg.gather [hbm4b:s4+s2], $0x80, v3, vm0, $0xb8;
	[tilespmem:$0x10400] =	vst v63  }
0x43: {  	_ = 	snop  }
0x44: {  	[tilespmem:s9], [sflag:$0x1] =	stream.indirect_vreg.gather [hbm4b:s5+s2], $0x80, v3, vm0, $0xb8;
	[tilespmem:$0x10400] =	vst v63  }
0x45: {  	_ = 	snop  }
0x46: {  	[tilespmem:s10], [sflag:$0x1] =	stream.indirect_vreg.gather [hbm4b:s6+s2], $0x80, v3, vm0, $0xb8;
	[tilespmem:$0x10400] =	vst v63  }
0x47: {  	v3 =	vld [tilespmem:$0x10080];
	_ =	sdelay $0x4  }
0x48: {  	v50 =	vshll.u32 v3, $0x3  }
0x49: {  	v3 =	vand.u32 $0x7, v3;
	v4 =	vand.u32 $0xFFFFFFC0, v50  }
0x4a: {  	v3 =	vor.u32 v3, v4  }
0x4b: {  	v4 =	vperm.xlane v3, v0;
	_ =	sdelay $0x1  }
0x4c: {  	v4 =	vadd.s32 v1, v4;
	_ =	sdelay $0x4  }
0x4d: {  	[tilespmem:s24], [sflag:$0x2] =	stream.indirect_vreg.gather [hbm4b:s3+s2], $0x80, v4, vm0, $0xb8;
	[tilespmem:$0x10400] =	vst v63  }
0x4e: {  	s11 =	simm.s32 $0x8800;
	v3 =	vperm.xlane v3, v2  }
0x4f: {  	[tilespmem:s11], [sflag:$0x2] =	stream.indirect_vreg.gather [hbm4b:s4+s2], $0x80, v4, vm0, $0xb8;
	[tilespmem:$0x10400] =	vst v63  }
0x50: {  	s14 =	simm.s32 $0x9000;
	v3 =	vadd.s32 v1, v3  }
0x51: {  	[tilespmem:s14], [sflag:$0x2] =	stream.indirect_vreg.gather [hbm4b:s5+s2], $0x80, v4, vm0, $0xb8;
	[tilespmem:$0x10400] =	vst v63  }
0x52: {  	s19 =	simm.s32 $0x9800  }
0x53: {  	[tilespmem:s19], [sflag:$0x2] =	stream.indirect_vreg.gather [hbm4b:s6+s2], $0x80, v4, vm0, $0xb8;
	[tilespmem:$0x10400] =	vst v63  }
0x54: {  	s1 =	simm.s32 $0xA000  }
0x55: {  	[tilespmem:s1], [sflag:$0x2] =	stream.indirect_vreg.gather [hbm4b:s3+s2], $0x80, v3, vm0, $0xb8;
	[tilespmem:$0x10400] =	vst v63  }
0x56: {  	s14 =	simm.s32 $0xA800  }
0x57: {  	[tilespmem:s14], [sflag:$0x2] =	stream.indirect_vreg.gather [hbm4b:s4+s2], $0x80, v3, vm0, $0xb8;
	[tilespmem:$0x10400] =	vst v63  }
0x58: {  	s1 =	simm.s32 $0xB000  }
0x59: {  	[tilespmem:s1], [sflag:$0x2] =	stream.indirect_vreg.gather [hbm4b:s5+s2], $0x80, v3, vm0, $0xb8;
	[tilespmem:$0x10400] =	vst v63  }
0x5a: {  	s11 =	simm.s32 $0xB800  }
0x5b: {  	[tilespmem:s11], [sflag:$0x2] =	stream.indirect_vreg.gather [hbm4b:s6+s2], $0x80, v3, vm0, $0xb8;
	[tilespmem:$0x10400] =	vst v63  }
0x5c: {  	v3 =	vld [tilespmem:$0x10090];
	_ =	sdelay $0x4  }
0x5d: {  	v51 =	vshll.u32 v3, $0x3  }
0x5e: {  	v3 =	vand.u32 $0x7, v3;
	v4 =	vand.u32 $0xFFFFFFC0, v51  }
0x5f: {  	v3 =	vor.u32 v3, v4  }
0x60: {  	v4 =	vperm.xlane v3, v0;
	_ =	sdelay $0x1  }
0x61: {  	v4 =	vadd.s32 v1, v4;
	_ =	sdelay $0x3  }
0x62: {  	s14 =	simm.s32 $0xC000  }
0x63: {  	[tilespmem:s14], [sflag:$0x2] =	stream.indirect_vreg.gather [hbm4b:s3+s2], $0x80, v4, vm0, $0xb8;
	[tilespmem:$0x10400] =	vst v63  }
0x64: {  	s1 =	simm.s32 $0xC800;
	v3 =	vperm.xlane v3, v2  }
0x65: {  	[tilespmem:s1], [sflag:$0x2] =	stream.indirect_vreg.gather [hbm4b:s4+s2], $0x80, v4, vm0, $0xb8;
	[tilespmem:$0x10400] =	vst v63  }
0x66: {  	v3 =	vadd.s32 v1, v3;
	s1 =	simm.s32 $0xD000  }
0x67: {  	[tilespmem:s1], [sflag:$0x2] =	stream.indirect_vreg.gather [hbm4b:s5+s2], $0x80, v4, vm0, $0xb8;
	[tilespmem:$0x10400] =	vst v63  }
0x68: {  	s1 =	simm.s32 $0xD800  }
0x69: {  	[tilespmem:s1], [sflag:$0x2] =	stream.indirect_vreg.gather [hbm4b:s6+s2], $0x80, v4, vm0, $0xb8;
	[tilespmem:$0x10400] =	vst v63  }
0x6a: {  	s1 =	simm.s32 $0xE000  }
0x6b: {  	[tilespmem:s1], [sflag:$0x2] =	stream.indirect_vreg.gather [hbm4b:s3+s2], $0x80, v3, vm0, $0xb8;
	[tilespmem:$0x10400] =	vst v63  }
0x6c: {  	s1 =	simm.s32 $0xE800  }
0x6d: {  	[tilespmem:s1], [sflag:$0x2] =	stream.indirect_vreg.gather [hbm4b:s4+s2], $0x80, v3, vm0, $0xb8;
	[tilespmem:$0x10400] =	vst v63  }
0x6e: {  	s1 =	simm.s32 $0xF000  }
0x6f: {  	[tilespmem:s1], [sflag:$0x2] =	stream.indirect_vreg.gather [hbm4b:s5+s2], $0x80, v3, vm0, $0xb8;
	[tilespmem:$0x10400] =	vst v63  }
0x70: {  	s1 =	simm.s32 $0xF800  }
0x71: {  	[tilespmem:s1], [sflag:$0x2] =	stream.indirect_vreg.gather [hbm4b:s6+s2], $0x80, v3, vm0, $0xb8;
	[tilespmem:$0x10400] =	vst v63  }
0x72: {  	_ =	swait.ge [sflag:s15], $0x8000  }
0x73: {  	[sflag:s15] =	ssyncset.done $0x0  }
0x74: {  	s1 =	rddreg [dreg:$0x3];
	[sflag:s15] =	ssyncadd.s32 $0xFFFF8000  }
0x75: {  	[hbm4b:s1+s2] =	stream.linear.scatter [tilespmem:s2], [sflag:$0x3], $0x8000, $0x38;
	[tilespmem:$0x10400] =	vst v63  }
0x76: {  	_ =	swait.ge [sflag:s16], $0x8000  }
0x77: {  	[sflag:s16] =	ssyncset.done $0x0  }
0x78: {  	[sflag:s16] =	ssyncadd.s32 $0xFFFF8000  }
0x79: {  	v3 =	vld [tilespmem:$0x10100];
	_ =	sdelay $0x4  }
0x7a: {  	v52 =	vshll.u32 v3, $0x3  }
0x7b: {  	v3 =	vand.u32 $0x7, v3;
	v4 =	vand.u32 $0xFFFFFFC0, v52  }
0x7c: {  	v3 =	vor.u32 v3, v4  }
0x7d: {  	v4 =	vperm.xlane v3, v0;
	_ =	sdelay $0x1  }
0x7e: {  	v4 =	vadd.s32 v1, v4;
	_ =	sdelay $0x4  }
0x7f: {  	[tilespmem:s2], [sflag:$0x1] =	stream.indirect_vreg.gather [hbm4b:s3+s2], $0x80, v4, vm0, $0xb8;
	[tilespmem:$0x10400] =	vst v63  }
0x80: {  	v3 =	vperm.xlane v3, v2  }
0x81: {  	[tilespmem:s20], [sflag:$0x1] =	stream.indirect_vreg.gather [hbm4b:s4+s2], $0x80, v4, vm0, $0xb8;
	[tilespmem:$0x10400] =	vst v63  }
0x82: {  	v3 =	vadd.s32 v1, v3  }
0x83: {  	[tilespmem:s21], [sflag:$0x1] =	stream.indirect_vreg.gather [hbm4b:s5+s2], $0x80, v4, vm0, $0xb8;
	[tilespmem:$0x10400] =	vst v63  }
0x84: {  	_ = 	snop  }
0x85: {  	[tilespmem:s22], [sflag:$0x1] =	stream.indirect_vreg.gather [hbm4b:s6+s2], $0x80, v4, vm0, $0xb8;
	[tilespmem:$0x10400] =	vst v63  }
0x86: {  	_ = 	snop  }
0x87: {  	[tilespmem:s23], [sflag:$0x1] =	stream.indirect_vreg.gather [hbm4b:s3+s2], $0x80, v3, vm0, $0xb8;
	[tilespmem:$0x10400] =	vst v63  }
0x88: {  	_ = 	snop  }
0x89: {  	[tilespmem:s25], [sflag:$0x1] =	stream.indirect_vreg.gather [hbm4b:s4+s2], $0x80, v3, vm0, $0xb8;
	[tilespmem:$0x10400] =	vst v63  }
0x8a: {  	_ = 	snop  }
0x8b: {  	[tilespmem:s26], [sflag:$0x1] =	stream.indirect_vreg.gather [hbm4b:s5+s2], $0x80, v3, vm0, $0xb8;
	[tilespmem:$0x10400] =	vst v63  }
0x8c: {  	_ = 	snop  }
0x8d: {  	[tilespmem:s28], [sflag:$0x1] =	stream.indirect_vreg.gather [hbm4b:s6+s2], $0x80, v3, vm0, $0xb8;
	[tilespmem:$0x10400] =	vst v63  }
0x8e: {  	v3 =	vld [tilespmem:$0x10110];
	_ =	sdelay $0x4  }
0x8f: {  	v53 =	vshll.u32 v3, $0x3  }
0x90: {  	v3 =	vand.u32 $0x7, v3;
	v4 =	vand.u32 $0xFFFFFFC0, v53  }
0x91: {  	v3 =	vor.u32 v3, v4  }
0x92: {  	v4 =	vperm.xlane v3, v0;
	_ =	sdelay $0x1  }
0x93: {  	v4 =	vadd.s32 v1, v4;
	_ =	sdelay $0x4  }
0x94: {  	[tilespmem:s29], [sflag:$0x1] =	stream.indirect_vreg.gather [hbm4b:s3+s2], $0x80, v4, vm0, $0xb8;
	[tilespmem:$0x10400] =	vst v63  }
0x95: {  	v3 =	vperm.xlane v3, v2  }
0x96: {  	[tilespmem:s30], [sflag:$0x1] =	stream.indirect_vreg.gather [hbm4b:s4+s2], $0x80, v4, vm0, $0xb8;
	[tilespmem:$0x10400] =	vst v63  }
0x97: {  	v3 =	vadd.s32 v1, v3  }
0x98: {  	[tilespmem:s31], [sflag:$0x1] =	stream.indirect_vreg.gather [hbm4b:s5+s2], $0x80, v4, vm0, $0xb8;
	[tilespmem:$0x10400] =	vst v63  }
0x99: {  	_ = 	snop  }
0x9a: {  	[tilespmem:s13], [sflag:$0x1] =	stream.indirect_vreg.gather [hbm4b:s6+s2], $0x80, v4, vm0, $0xb8;
	[tilespmem:$0x10400] =	vst v63  }
0x9b: {  	_ = 	snop  }
0x9c: {  	[tilespmem:s12], [sflag:$0x1] =	stream.indirect_vreg.gather [hbm4b:s3+s2], $0x80, v3, vm0, $0xb8;
	[tilespmem:$0x10400] =	vst v63  }
0x9d: {  	_ = 	snop  }
0x9e: {  	[tilespmem:s8], [sflag:$0x1] =	stream.indirect_vreg.gather [hbm4b:s4+s2], $0x80, v3, vm0, $0xb8;
	[tilespmem:$0x10400] =	vst v63  }
0x9f: {  	_ = 	snop  }
0xa0: {  	[tilespmem:s9], [sflag:$0x1] =	stream.indirect_vreg.gather [hbm4b:s5+s2], $0x80, v3, vm0, $0xb8;
	[tilespmem:$0x10400] =	vst v63  }
0xa1: {  	_ = 	snop  }
0xa2: {  	[tilespmem:s10], [sflag:$0x1] =	stream.indirect_vreg.gather [hbm4b:s6+s2], $0x80, v3, vm0, $0xb8;
	[tilespmem:$0x10400] =	vst v63  }
0xa3: {  	_ =	swait.ge [sflag:s17], $0x8000  }
0xa4: {  	[sflag:s17] =	ssyncset.done $0x0  }
0xa5: {  	s1 =	rddreg [dreg:$0x4];
	[sflag:s17] =	ssyncadd.s32 $0xFFFF8000  }
0xa6: {  	[hbm4b:s1+s2] =	stream.linear.scatter [tilespmem:s24], [sflag:$0x4], $0x8000, $0x38;
	[tilespmem:$0x10400] =	vst v63  }
0xa7: {  	_ =	swait.ge [sflag:s18], $0x8000  }
0xa8: {  	[sflag:s18] =	ssyncset.done $0x0  }
0xa9: {  	[sflag:s18] =	ssyncadd.s32 $0xFFFF8000  }
0xaa: {  	v3 =	vld [tilespmem:$0x10180];
	_ =	sdelay $0x4  }
0xab: {  	v54 =	vshll.u32 v3, $0x3  }
0xac: {  	v3 =	vand.u32 $0x7, v3;
	v4 =	vand.u32 $0xFFFFFFC0, v54  }
0xad: {  	v3 =	vor.u32 v3, v4  }
0xae: {  	v4 =	vperm.xlane v3, v0;
	_ =	sdelay $0x1  }
0xaf: {  	v4 =	vadd.s32 v1, v4;
	_ =	sdelay $0x4  }
0xb0: {  	[tilespmem:s24], [sflag:$0x2] =	stream.indirect_vreg.gather [hbm4b:s3+s2], $0x80, v4, vm0, $0xb8;
	[tilespmem:$0x10400] =	vst v63  }
0xb1: {  	s0 =	simm.s32 $0x8800;
	v3 =	vperm.xlane v3, v2  }
0xb2: {  	[tilespmem:s0], [sflag:$0x2] =	stream.indirect_vreg.gather [hbm4b:s4+s2], $0x80, v4, vm0, $0xb8;
	[tilespmem:$0x10400] =	vst v63  }
0xb3: {  	v3 =	vadd.s32 v1, v3;
	s0 =	simm.s32 $0x9000  }
0xb4: {  	[tilespmem:s0], [sflag:$0x2] =	stream.indirect_vreg.gather [hbm4b:s5+s2], $0x80, v4, vm0, $0xb8;
	[tilespmem:$0x10400] =	vst v63  }
0xb5: {  	s1 =	simm.s32 $0x9800  }
0xb6: {  	[tilespmem:s1], [sflag:$0x2] =	stream.indirect_vreg.gather [hbm4b:s6+s2], $0x80, v4, vm0, $0xb8;
	[tilespmem:$0x10400] =	vst v63  }
0xb7: {  	s19 =	simm.s32 $0xA000  }
0xb8: {  	[tilespmem:s19], [sflag:$0x2] =	stream.indirect_vreg.gather [hbm4b:s3+s2], $0x80, v3, vm0, $0xb8;
	[tilespmem:$0x10400] =	vst v63  }
0xb9: {  	s19 =	simm.s32 $0xA800  }
0xba: {  	[tilespmem:s19], [sflag:$0x2] =	stream.indirect_vreg.gather [hbm4b:s4+s2], $0x80, v3, vm0, $0xb8;
	[tilespmem:$0x10400] =	vst v63  }
0xbb: {  	s19 =	simm.s32 $0xB000  }
0xbc: {  	[tilespmem:s19], [sflag:$0x2] =	stream.indirect_vreg.gather [hbm4b:s5+s2], $0x80, v3, vm0, $0xb8;
	[tilespmem:$0x10400] =	vst v63  }
0xbd: {  	s11 =	simm.s32 $0xB800  }
0xbe: {  	[tilespmem:s11], [sflag:$0x2] =	stream.indirect_vreg.gather [hbm4b:s6+s2], $0x80, v3, vm0, $0xb8;
	[tilespmem:$0x10400] =	vst v63  }
0xbf: {  	v3 =	vld [tilespmem:$0x10190];
	_ =	sdelay $0x4  }
0xc0: {  	v55 =	vshll.u32 v3, $0x3  }
0xc1: {  	v3 =	vand.u32 $0x7, v3;
	v4 =	vand.u32 $0xFFFFFFC0, v55  }
0xc2: {  	v3 =	vor.u32 v3, v4  }
0xc3: {  	v4 =	vperm.xlane v3, v0;
	_ =	sdelay $0x1  }
0xc4: {  	v4 =	vadd.s32 v1, v4;
	_ =	sdelay $0x3  }
0xc5: {  	s14 =	simm.s32 $0xC000  }
0xc6: {  	[tilespmem:s14], [sflag:$0x2] =	stream.indirect_vreg.gather [hbm4b:s3+s2], $0x80, v4, vm0, $0xb8;
	[tilespmem:$0x10400] =	vst v63  }
0xc7: {  	s19 =	simm.s32 $0xC800;
	v3 =	vperm.xlane v3, v2  }
0xc8: {  	[tilespmem:s19], [sflag:$0x2] =	stream.indirect_vreg.gather [hbm4b:s4+s2], $0x80, v4, vm0, $0xb8;
	[tilespmem:$0x10400] =	vst v63  }
0xc9: {  	v3 =	vadd.s32 v1, v3;
	s14 =	simm.s32 $0xD000  }
0xca: {  	[tilespmem:s14], [sflag:$0x2] =	stream.indirect_vreg.gather [hbm4b:s5+s2], $0x80, v4, vm0, $0xb8;
	[tilespmem:$0x10400] =	vst v63  }
0xcb: {  	s19 =	simm.s32 $0xD800  }
0xcc: {  	[tilespmem:s19], [sflag:$0x2] =	stream.indirect_vreg.gather [hbm4b:s6+s2], $0x80, v4, vm0, $0xb8;
	[tilespmem:$0x10400] =	vst v63  }
0xcd: {  	s14 =	simm.s32 $0xE000  }
0xce: {  	[tilespmem:s14], [sflag:$0x2] =	stream.indirect_vreg.gather [hbm4b:s3+s2], $0x80, v3, vm0, $0xb8;
	[tilespmem:$0x10400] =	vst v63  }
0xcf: {  	s19 =	simm.s32 $0xE800  }
0xd0: {  	[tilespmem:s19], [sflag:$0x2] =	stream.indirect_vreg.gather [hbm4b:s4+s2], $0x80, v3, vm0, $0xb8;
	[tilespmem:$0x10400] =	vst v63  }
0xd1: {  	s14 =	simm.s32 $0xF000  }
0xd2: {  	[tilespmem:s14], [sflag:$0x2] =	stream.indirect_vreg.gather [hbm4b:s5+s2], $0x80, v3, vm0, $0xb8;
	[tilespmem:$0x10400] =	vst v63  }
0xd3: {  	s19 =	simm.s32 $0xF800  }
0xd4: {  	[tilespmem:s19], [sflag:$0x2] =	stream.indirect_vreg.gather [hbm4b:s6+s2], $0x80, v3, vm0, $0xb8;
	[tilespmem:$0x10400] =	vst v63  }
0xd5: {  	_ =	swait.ge [sflag:s15], $0x8000  }
0xd6: {  	[sflag:s15] =	ssyncset.done $0x0  }
0xd7: {  	s14 =	rddreg [dreg:$0x5];
	[sflag:s15] =	ssyncadd.s32 $0xFFFF8000  }
0xd8: {  	[hbm4b:s14+s2] =	stream.linear.scatter [tilespmem:s2], [sflag:$0x3], $0x8000, $0x38;
	[tilespmem:$0x10400] =	vst v63  }
0xd9: {  	_ =	swait.ge [sflag:s16], $0x8000  }
0xda: {  	[sflag:s16] =	ssyncset.done $0x0  }
0xdb: {  	[sflag:s16] =	ssyncadd.s32 $0xFFFF8000  }
0xdc: {  	v3 =	vld [tilespmem:$0x10200];
	_ =	sdelay $0x4  }
0xdd: {  	v56 =	vshll.u32 v3, $0x3  }
0xde: {  	v3 =	vand.u32 $0x7, v3;
	v4 =	vand.u32 $0xFFFFFFC0, v56  }
0xdf: {  	v3 =	vor.u32 v3, v4  }
0xe0: {  	v4 =	vperm.xlane v3, v0;
	_ =	sdelay $0x1  }
0xe1: {  	v4 =	vadd.s32 v1, v4;
	_ =	sdelay $0x4  }
0xe2: {  	[tilespmem:s2], [sflag:$0x1] =	stream.indirect_vreg.gather [hbm4b:s3+s2], $0x80, v4, vm0, $0xb8;
	[tilespmem:$0x10400] =	vst v63  }
0xe3: {  	v3 =	vperm.xlane v3, v2  }
0xe4: {  	[tilespmem:s20], [sflag:$0x1] =	stream.indirect_vreg.gather [hbm4b:s4+s2], $0x80, v4, vm0, $0xb8;
	[tilespmem:$0x10400] =	vst v63  }
0xe5: {  	v3 =	vadd.s32 v1, v3  }
0xe6: {  	[tilespmem:s21], [sflag:$0x1] =	stream.indirect_vreg.gather [hbm4b:s5+s2], $0x80, v4, vm0, $0xb8;
	[tilespmem:$0x10400] =	vst v63  }
0xe7: {  	_ = 	snop  }
0xe8: {  	[tilespmem:s22], [sflag:$0x1] =	stream.indirect_vreg.gather [hbm4b:s6+s2], $0x80, v4, vm0, $0xb8;
	[tilespmem:$0x10400] =	vst v63  }
0xe9: {  	_ = 	snop  }
0xea: {  	[tilespmem:s23], [sflag:$0x1] =	stream.indirect_vreg.gather [hbm4b:s3+s2], $0x80, v3, vm0, $0xb8;
	[tilespmem:$0x10400] =	vst v63  }
0xeb: {  	_ = 	snop  }
0xec: {  	[tilespmem:s25], [sflag:$0x1] =	stream.indirect_vreg.gather [hbm4b:s4+s2], $0x80, v3, vm0, $0xb8;
	[tilespmem:$0x10400] =	vst v63  }
0xed: {  	_ = 	snop  }
0xee: {  	[tilespmem:s26], [sflag:$0x1] =	stream.indirect_vreg.gather [hbm4b:s5+s2], $0x80, v3, vm0, $0xb8;
	[tilespmem:$0x10400] =	vst v63  }
0xef: {  	_ = 	snop  }
0xf0: {  	[tilespmem:s28], [sflag:$0x1] =	stream.indirect_vreg.gather [hbm4b:s6+s2], $0x80, v3, vm0, $0xb8;
	[tilespmem:$0x10400] =	vst v63  }
0xf1: {  	v3 =	vld [tilespmem:$0x10210];
	_ =	sdelay $0x4  }
0xf2: {  	v57 =	vshll.u32 v3, $0x3  }
0xf3: {  	v3 =	vand.u32 $0x7, v3;
	v4 =	vand.u32 $0xFFFFFFC0, v57  }
0xf4: {  	v3 =	vor.u32 v3, v4  }
0xf5: {  	v4 =	vperm.xlane v3, v0;
	_ =	sdelay $0x1  }
0xf6: {  	v4 =	vadd.s32 v1, v4;
	_ =	sdelay $0x4  }
0xf7: {  	[tilespmem:s29], [sflag:$0x1] =	stream.indirect_vreg.gather [hbm4b:s3+s2], $0x80, v4, vm0, $0xb8;
	[tilespmem:$0x10400] =	vst v63  }
0xf8: {  	v3 =	vperm.xlane v3, v2  }
0xf9: {  	[tilespmem:s30], [sflag:$0x1] =	stream.indirect_vreg.gather [hbm4b:s4+s2], $0x80, v4, vm0, $0xb8;
	[tilespmem:$0x10400] =	vst v63  }
0xfa: {  	v3 =	vadd.s32 v1, v3  }
0xfb: {  	[tilespmem:s31], [sflag:$0x1] =	stream.indirect_vreg.gather [hbm4b:s5+s2], $0x80, v4, vm0, $0xb8;
	[tilespmem:$0x10400] =	vst v63  }
0xfc: {  	_ = 	snop  }
0xfd: {  	[tilespmem:s13], [sflag:$0x1] =	stream.indirect_vreg.gather [hbm4b:s6+s2], $0x80, v4, vm0, $0xb8;
	[tilespmem:$0x10400] =	vst v63  }
0xfe: {  	_ = 	snop  }
0xff: {  	[tilespmem:s12], [sflag:$0x1] =	stream.indirect_vreg.gather [hbm4b:s3+s2], $0x80, v3, vm0, $0xb8;
	[tilespmem:$0x10400] =	vst v63  }
0x100: {  	_ = 	snop  }
0x101: {  	[tilespmem:s8], [sflag:$0x1] =	stream.indirect_vreg.gather [hbm4b:s4+s2], $0x80, v3, vm0, $0xb8;
	[tilespmem:$0x10400] =	vst v63  }
0x102: {  	_ = 	snop  }
0x103: {  	[tilespmem:s9], [sflag:$0x1] =	stream.indirect_vreg.gather [hbm4b:s5+s2], $0x80, v3, vm0, $0xb8;
	[tilespmem:$0x10400] =	vst v63  }
0x104: {  	_ = 	snop  }
0x105: {  	[tilespmem:s10], [sflag:$0x1] =	stream.indirect_vreg.gather [hbm4b:s6+s2], $0x80, v3, vm0, $0xb8;
	[tilespmem:$0x10400] =	vst v63  }
0x106: {  	_ =	swait.ge [sflag:s17], $0x8000  }
0x107: {  	[sflag:s17] =	ssyncset.done $0x0  }
0x108: {  	s11 =	rddreg [dreg:$0x6];
	[sflag:s17] =	ssyncadd.s32 $0xFFFF8000  }
0x109: {  	[hbm4b:s11+s2] =	stream.linear.scatter [tilespmem:s24], [sflag:$0x4], $0x8000, $0x38;
	[tilespmem:$0x10400] =	vst v63  }
0x10a: {  	_ =	swait.ge [sflag:s18], $0x8000  }
0x10b: {  	[sflag:s18] =	ssyncset.done $0x0  }
0x10c: {  	[sflag:s18] =	ssyncadd.s32 $0xFFFF8000  }
0x10d: {  	v3 =	vld [tilespmem:$0x10280];
	_ =	sdelay $0x4  }
0x10e: {  	v58 =	vshll.u32 v3, $0x3  }
0x10f: {  	v3 =	vand.u32 $0x7, v3;
	v4 =	vand.u32 $0xFFFFFFC0, v58  }
0x110: {  	v3 =	vor.u32 v3, v4  }
0x111: {  	v4 =	vperm.xlane v3, v0;
	_ =	sdelay $0x1  }
0x112: {  	v4 =	vadd.s32 v1, v4;
	_ =	sdelay $0x4  }
0x113: {  	[tilespmem:s24], [sflag:$0x2] =	stream.indirect_vreg.gather [hbm4b:s3+s2], $0x80, v4, vm0, $0xb8;
	[tilespmem:$0x10400] =	vst v63  }
0x114: {  	s14 =	simm.s32 $0x8800;
	v3 =	vperm.xlane v3, v2  }
0x115: {  	[tilespmem:s14], [sflag:$0x2] =	stream.indirect_vreg.gather [hbm4b:s4+s2], $0x80, v4, vm0, $0xb8;
	[tilespmem:$0x10400] =	vst v63  }
0x116: {  	v3 =	vadd.s32 v1, v3  }
0x117: {  	[tilespmem:s0], [sflag:$0x2] =	stream.indirect_vreg.gather [hbm4b:s5+s2], $0x80, v4, vm0, $0xb8;
	[tilespmem:$0x10400] =	vst v63  }
0x118: {  	_ = 	snop  }
0x119: {  	[tilespmem:s1], [sflag:$0x2] =	stream.indirect_vreg.gather [hbm4b:s6+s2], $0x80, v4, vm0, $0xb8;
	[tilespmem:$0x10400] =	vst v63  }
0x11a: {  	s19 =	simm.s32 $0xA000  }
0x11b: {  	[tilespmem:s19], [sflag:$0x2] =	stream.indirect_vreg.gather [hbm4b:s3+s2], $0x80, v3, vm0, $0xb8;
	[tilespmem:$0x10400] =	vst v63  }
0x11c: {  	s14 =	simm.s32 $0xA800  }
0x11d: {  	[tilespmem:s14], [sflag:$0x2] =	stream.indirect_vreg.gather [hbm4b:s4+s2], $0x80, v3, vm0, $0xb8;
	[tilespmem:$0x10400] =	vst v63  }
0x11e: {  	s19 =	simm.s32 $0xB000  }
0x11f: {  	[tilespmem:s19], [sflag:$0x2] =	stream.indirect_vreg.gather [hbm4b:s5+s2], $0x80, v3, vm0, $0xb8;
	[tilespmem:$0x10400] =	vst v63  }
0x120: {  	s19 =	simm.s32 $0xB800  }
0x121: {  	[tilespmem:s19], [sflag:$0x2] =	stream.indirect_vreg.gather [hbm4b:s6+s2], $0x80, v3, vm0, $0xb8;
	[tilespmem:$0x10400] =	vst v63  }
0x122: {  	v3 =	vld [tilespmem:$0x10290];
	_ =	sdelay $0x4  }
0x123: {  	v59 =	vshll.u32 v3, $0x3  }
0x124: {  	v3 =	vand.u32 $0x7, v3;
	v4 =	vand.u32 $0xFFFFFFC0, v59  }
0x125: {  	v3 =	vor.u32 v3, v4  }
0x126: {  	v4 =	vperm.xlane v3, v0;
	_ =	sdelay $0x1  }
0x127: {  	v4 =	vadd.s32 v1, v4;
	_ =	sdelay $0x3  }
0x128: {  	s19 =	simm.s32 $0xC000  }
0x129: {  	[tilespmem:s19], [sflag:$0x2] =	stream.indirect_vreg.gather [hbm4b:s3+s2], $0x80, v4, vm0, $0xb8;
	[tilespmem:$0x10400] =	vst v63  }
0x12a: {  	v3 =	vperm.xlane v3, v2;
	s19 =	simm.s32 $0xC800  }
0x12b: {  	[tilespmem:s19], [sflag:$0x2] =	stream.indirect_vreg.gather [hbm4b:s4+s2], $0x80, v4, vm0, $0xb8;
	[tilespmem:$0x10400] =	vst v63  }
0x12c: {  	v3 =	vadd.s32 v1, v3;
	s19 =	simm.s32 $0xD000  }
0x12d: {  	[tilespmem:s19], [sflag:$0x2] =	stream.indirect_vreg.gather [hbm4b:s5+s2], $0x80, v4, vm0, $0xb8;
	[tilespmem:$0x10400] =	vst v63  }
0x12e: {  	s19 =	simm.s32 $0xD800  }
0x12f: {  	[tilespmem:s19], [sflag:$0x2] =	stream.indirect_vreg.gather [hbm4b:s6+s2], $0x80, v4, vm0, $0xb8;
	[tilespmem:$0x10400] =	vst v63  }
0x130: {  	s19 =	simm.s32 $0xE000  }
0x131: {  	[tilespmem:s19], [sflag:$0x2] =	stream.indirect_vreg.gather [hbm4b:s3+s2], $0x80, v3, vm0, $0xb8;
	[tilespmem:$0x10400] =	vst v63  }
0x132: {  	s19 =	simm.s32 $0xE800  }
0x133: {  	[tilespmem:s19], [sflag:$0x2] =	stream.indirect_vreg.gather [hbm4b:s4+s2], $0x80, v3, vm0, $0xb8;
	[tilespmem:$0x10400] =	vst v63  }
0x134: {  	s19 =	simm.s32 $0xF000  }
0x135: {  	[tilespmem:s19], [sflag:$0x2] =	stream.indirect_vreg.gather [hbm4b:s5+s2], $0x80, v3, vm0, $0xb8;
	[tilespmem:$0x10400] =	vst v63  }
0x136: {  	s19 =	simm.s32 $0xF800  }
0x137: {  	[tilespmem:s19], [sflag:$0x2] =	stream.indirect_vreg.gather [hbm4b:s6+s2], $0x80, v3, vm0, $0xb8;
	[tilespmem:$0x10400] =	vst v63  }
0x138: {  	_ =	swait.ge [sflag:s15], $0x8000  }
0x139: {  	[sflag:s15] =	ssyncset.done $0x0  }
0x13a: {  	s19 =	rddreg [dreg:$0x7];
	[sflag:s15] =	ssyncadd.s32 $0xFFFF8000  }
0x13b: {  	[hbm4b:s19+s2] =	stream.linear.scatter [tilespmem:s2], [sflag:$0x3], $0x8000, $0x38;
	[tilespmem:$0x10400] =	vst v63  }
0x13c: {  	_ =	swait.ge [sflag:s16], $0x8000  }
0x13d: {  	[sflag:s16] =	ssyncset.done $0x0  }
0x13e: {  	[sflag:s16] =	ssyncadd.s32 $0xFFFF8000  }
0x13f: {  	v3 =	vld [tilespmem:$0x10300];
	_ =	sdelay $0x4  }
0x140: {  	v60 =	vshll.u32 v3, $0x3  }
0x141: {  	v3 =	vand.u32 $0x7, v3;
	v4 =	vand.u32 $0xFFFFFFC0, v60  }
0x142: {  	v3 =	vor.u32 v3, v4  }
0x143: {  	v4 =	vperm.xlane v3, v0;
	_ =	sdelay $0x1  }
0x144: {  	v4 =	vadd.s32 v1, v4;
	_ =	sdelay $0x4  }
0x145: {  	[tilespmem:s2], [sflag:$0x1] =	stream.indirect_vreg.gather [hbm4b:s3+s2], $0x80, v4, vm0, $0xb8;
	[tilespmem:$0x10400] =	vst v63  }
0x146: {  	v3 =	vperm.xlane v3, v2  }
0x147: {  	[tilespmem:s20], [sflag:$0x1] =	stream.indirect_vreg.gather [hbm4b:s4+s2], $0x80, v4, vm0, $0xb8;
	[tilespmem:$0x10400] =	vst v63  }
0x148: {  	v3 =	vadd.s32 v1, v3  }
0x149: {  	[tilespmem:s21], [sflag:$0x1] =	stream.indirect_vreg.gather [hbm4b:s5+s2], $0x80, v4, vm0, $0xb8;
	[tilespmem:$0x10400] =	vst v63  }
0x14a: {  	_ = 	snop  }
0x14b: {  	[tilespmem:s22], [sflag:$0x1] =	stream.indirect_vreg.gather [hbm4b:s6+s2], $0x80, v4, vm0, $0xb8;
	[tilespmem:$0x10400] =	vst v63  }
0x14c: {  	_ = 	snop  }
0x14d: {  	[tilespmem:s23], [sflag:$0x1] =	stream.indirect_vreg.gather [hbm4b:s3+s2], $0x80, v3, vm0, $0xb8;
	[tilespmem:$0x10400] =	vst v63  }
0x14e: {  	_ = 	snop  }
0x14f: {  	[tilespmem:s25], [sflag:$0x1] =	stream.indirect_vreg.gather [hbm4b:s4+s2], $0x80, v3, vm0, $0xb8;
	[tilespmem:$0x10400] =	vst v63  }
0x150: {  	_ = 	snop  }
0x151: {  	[tilespmem:s26], [sflag:$0x1] =	stream.indirect_vreg.gather [hbm4b:s5+s2], $0x80, v3, vm0, $0xb8;
	[tilespmem:$0x10400] =	vst v63  }
0x152: {  	_ = 	snop  }
0x153: {  	[tilespmem:s28], [sflag:$0x1] =	stream.indirect_vreg.gather [hbm4b:s6+s2], $0x80, v3, vm0, $0xb8;
	[tilespmem:$0x10400] =	vst v63  }
0x154: {  	v3 =	vld [tilespmem:$0x10310];
	_ =	sdelay $0x4  }
0x155: {  	v61 =	vshll.u32 v3, $0x3  }
0x156: {  	v3 =	vand.u32 $0x7, v3;
	v4 =	vand.u32 $0xFFFFFFC0, v61  }
0x157: {  	v3 =	vor.u32 v3, v4  }
0x158: {  	v4 =	vperm.xlane v3, v0;
	_ =	sdelay $0x1  }
0x159: {  	v4 =	vadd.s32 v1, v4;
	_ =	sdelay $0x4  }
0x15a: {  	[tilespmem:s29], [sflag:$0x1] =	stream.indirect_vreg.gather [hbm4b:s3+s2], $0x80, v4, vm0, $0xb8;
	[tilespmem:$0x10400] =	vst v63  }
0x15b: {  	v3 =	vperm.xlane v3, v2  }
0x15c: {  	[tilespmem:s30], [sflag:$0x1] =	stream.indirect_vreg.gather [hbm4b:s4+s2], $0x80, v4, vm0, $0xb8;
	[tilespmem:$0x10400] =	vst v63  }
0x15d: {  	v3 =	vadd.s32 v1, v3  }
0x15e: {  	[tilespmem:s31], [sflag:$0x1] =	stream.indirect_vreg.gather [hbm4b:s5+s2], $0x80, v4, vm0, $0xb8;
	[tilespmem:$0x10400] =	vst v63  }
0x15f: {  	_ = 	snop  }
0x160: {  	[tilespmem:s13], [sflag:$0x1] =	stream.indirect_vreg.gather [hbm4b:s6+s2], $0x80, v4, vm0, $0xb8;
	[tilespmem:$0x10400] =	vst v63  }
0x161: {  	_ = 	snop  }
0x162: {  	[tilespmem:s12], [sflag:$0x1] =	stream.indirect_vreg.gather [hbm4b:s3+s2], $0x80, v3, vm0, $0xb8;
	[tilespmem:$0x10400] =	vst v63  }
0x163: {  	_ = 	snop  }
0x164: {  	[tilespmem:s8], [sflag:$0x1] =	stream.indirect_vreg.gather [hbm4b:s4+s2], $0x80, v3, vm0, $0xb8;
	[tilespmem:$0x10400] =	vst v63  }
0x165: {  	_ = 	snop  }
0x166: {  	[tilespmem:s9], [sflag:$0x1] =	stream.indirect_vreg.gather [hbm4b:s5+s2], $0x80, v3, vm0, $0xb8;
	[tilespmem:$0x10400] =	vst v63  }
0x167: {  	_ = 	snop  }
0x168: {  	[tilespmem:s10], [sflag:$0x1] =	stream.indirect_vreg.gather [hbm4b:s6+s2], $0x80, v3, vm0, $0xb8;
	[tilespmem:$0x10400] =	vst v63  }
0x169: {  	_ =	swait.ge [sflag:s17], $0x8000  }
0x16a: {  	[sflag:s17] =	ssyncset.done $0x0  }
0x16b: {  	s8 =	rddreg [dreg:$0x8];
	[sflag:s17] =	ssyncadd.s32 $0xFFFF8000  }
0x16c: {  	[hbm4b:s8+s2] =	stream.linear.scatter [tilespmem:s24], [sflag:$0x4], $0x8000, $0x38;
	[tilespmem:$0x10400] =	vst v63  }
0x16d: {  	_ =	swait.ge [sflag:s18], $0x8000  }
0x16e: {  	[sflag:s18] =	ssyncset.done $0x0  }
0x16f: {  	[sflag:s18] =	ssyncadd.s32 $0xFFFF8000  }
0x170: {  	v3 =	vld [tilespmem:$0x10380];
	_ =	sdelay $0x4  }
0x171: {  	v62 =	vshll.u32 v3, $0x3  }
0x172: {  	v3 =	vand.u32 $0x7, v3;
	v4 =	vand.u32 $0xFFFFFFC0, v62  }
0x173: {  	v3 =	vor.u32 v3, v4  }
0x174: {  	v4 =	vperm.xlane v3, v0;
	_ =	sdelay $0x1  }
0x175: {  	v4 =	vadd.s32 v1, v4;
	_ =	sdelay $0x4  }
0x176: {  	[tilespmem:s24], [sflag:$0x2] =	stream.indirect_vreg.gather [hbm4b:s3+s2], $0x80, v4, vm0, $0xb8;
	[tilespmem:$0x10400] =	vst v63  }
0x177: {  	s19 =	simm.s32 $0x8800;
	v3 =	vperm.xlane v3, v2  }
0x178: {  	[tilespmem:s19], [sflag:$0x2] =	stream.indirect_vreg.gather [hbm4b:s4+s2], $0x80, v4, vm0, $0xb8;
	[tilespmem:$0x10400] =	vst v63  }
0x179: {  	s0 =	simm.s32 $0x9000;
	v3 =	vadd.s32 v1, v3  }
0x17a: {  	[tilespmem:s0], [sflag:$0x2] =	stream.indirect_vreg.gather [hbm4b:s5+s2], $0x80, v4, vm0, $0xb8;
	[tilespmem:$0x10400] =	vst v63  }
0x17b: {  	s1 =	simm.s32 $0x9800  }
0x17c: {  	[tilespmem:s1], [sflag:$0x2] =	stream.indirect_vreg.gather [hbm4b:s6+s2], $0x80, v4, vm0, $0xb8;
	[tilespmem:$0x10400] =	vst v63  }
0x17d: {  	s20 =	simm.s32 $0xA000  }
0x17e: {  	[tilespmem:s20], [sflag:$0x2] =	stream.indirect_vreg.gather [hbm4b:s3+s2], $0x80, v3, vm0, $0xb8;
	[tilespmem:$0x10400] =	vst v63  }
0x17f: {  	s11 =	simm.s32 $0xA800  }
0x180: {  	[tilespmem:s11], [sflag:$0x2] =	stream.indirect_vreg.gather [hbm4b:s4+s2], $0x80, v3, vm0, $0xb8;
	[tilespmem:$0x10400] =	vst v63  }
0x181: {  	s14 =	simm.s32 $0xB000  }
0x182: {  	[tilespmem:s14], [sflag:$0x2] =	stream.indirect_vreg.gather [hbm4b:s5+s2], $0x80, v3, vm0, $0xb8;
	[tilespmem:$0x10400] =	vst v63  }
0x183: {  	s1 =	simm.s32 $0xB800  }
0x184: {  	[tilespmem:s1], [sflag:$0x2] =	stream.indirect_vreg.gather [hbm4b:s6+s2], $0x80, v3, vm0, $0xb8;
	[tilespmem:$0x10400] =	vst v63  }
0x185: {  	v3 =	vld [tilespmem:$0x10390];
	_ =	sdelay $0x4  }
0x186: {  	v63 =	vshll.u32 v3, $0x3  }
0x187: {  	v3 =	vand.u32 $0x7, v3;
	v4 =	vand.u32 $0xFFFFFFC0, v63  }
0x188: {  	v3 =	vor.u32 v3, v4  }
0x189: {  	v4 =	vperm.xlane v3, v0;
	_ =	sdelay $0x1  }
0x18a: {  	v4 =	vadd.s32 v1, v4;
	_ =	sdelay $0x3  }
0x18b: {  	s8 =	simm.s32 $0xC000  }
0x18c: {  	[tilespmem:s8], [sflag:$0x2] =	stream.indirect_vreg.gather [hbm4b:s3+s2], $0x80, v4, vm0, $0xb8;
	[tilespmem:$0x10400] =	vst v63  }
0x18d: {  	s11 =	simm.s32 $0xC800;
	v3 =	vperm.xlane v3, v2  }
0x18e: {  	[tilespmem:s11], [sflag:$0x2] =	stream.indirect_vreg.gather [hbm4b:s4+s2], $0x80, v4, vm0, $0xb8;
	[tilespmem:$0x10400] =	vst v63  }
0x18f: {  	s14 =	simm.s32 $0xD000;
	v3 =	vadd.s32 v1, v3  }
0x190: {  	[tilespmem:s14], [sflag:$0x2] =	stream.indirect_vreg.gather [hbm4b:s5+s2], $0x80, v4, vm0, $0xb8;
	[tilespmem:$0x10400] =	vst v63  }
0x191: {  	s19 =	simm.s32 $0xD800  }
0x192: {  	[tilespmem:s19], [sflag:$0x2] =	stream.indirect_vreg.gather [hbm4b:s6+s2], $0x80, v4, vm0, $0xb8;
	[tilespmem:$0x10400] =	vst v63  }
0x193: {  	s20 =	simm.s32 $0xE000  }
0x194: {  	[tilespmem:s20], [sflag:$0x2] =	stream.indirect_vreg.gather [hbm4b:s3+s2], $0x80, v3, vm0, $0xb8;
	[tilespmem:$0x10400] =	vst v63  }
0x195: {  	s1 =	simm.s32 $0xE800  }
0x196: {  	[tilespmem:s1], [sflag:$0x2] =	stream.indirect_vreg.gather [hbm4b:s4+s2], $0x80, v3, vm0, $0xb8;
	[tilespmem:$0x10400] =	vst v63  }
0x197: {  	s8 =	simm.s32 $0xF000  }
0x198: {  	[tilespmem:s8], [sflag:$0x2] =	stream.indirect_vreg.gather [hbm4b:s5+s2], $0x80, v3, vm0, $0xb8;
	[tilespmem:$0x10400] =	vst v63  }
0x199: {  	s11 =	simm.s32 $0xF800  }
0x19a: {  	[tilespmem:s11], [sflag:$0x2] =	stream.indirect_vreg.gather [hbm4b:s6+s2], $0x80, v3, vm0, $0xb8;
	[tilespmem:$0x10400] =	vst v63  }
0x19b: {  	_ =	swait.ge [sflag:s15], $0x8000  }
0x19c: {  	[sflag:s15] =	ssyncset.done $0x0  }
0x19d: {  	s14 =	rddreg [dreg:$0x9];
	[sflag:s15] =	ssyncadd.s32 $0xFFFF8000  }
0x19e: {  	[hbm4b:s14+s2] =	stream.linear.scatter [tilespmem:s2], [sflag:$0x3], $0x8000, $0x38;
	[tilespmem:$0x10400] =	vst v63  }
0x19f: {  	_ =	swait.ge [sflag:s17], $0x8000  }
0x1a0: {  	[sflag:s17] =	ssyncset.done $0x0  }
0x1a1: {  	s20 =	rddreg [dreg:$0xa];
	[sflag:s17] =	ssyncadd.s32 $0xFFFF8000  }
0x1a2: {  	[hbm4b:s20+s2] =	stream.linear.scatter [tilespmem:s24], [sflag:$0x4], $0x8000, $0x38;
	[tilespmem:$0x10400] =	vst v63  }
0x1a3: {  	p0 =	sne.s32 s7, $0x1;
	_ =	swait.ge [sflag:s16], $0x8000  }
.Ltmp0:
0x1a4: {  	[sflag:s16] =	ssyncset.done $0x0;
	(pc) =	sbr.rel @p0 .LBB2_1-.Ltmp0, $4  }
0x1a5: {  	[sflag:s16] =	ssyncadd.s32 $0xFFFF8000  }
0x1a6: {  	_ =	swait.ge [sflag:s18], $0x8000  }
0x1a7: {  	[sflag:s18] =	ssyncset.done $0x0  }
0x1a8: {  	s7 =	sadd.s32 $0xFFFFFFFF, s7;
	[sflag:s18] =	ssyncadd.s32 $0xFFFF8000  }
0x1a9: {  	_ =	sfence.sel $0x180000  }
0x1aa: {  	[bflag:$0x0] =	sbarrier.arrive $0xFFFF  }
0x1ab: {  	_ =	strace $0x9000004A  }
0x1ac: {  	s0 =	stileid.u32;
	[bflag:$0x2] =	sbarrier.arrive $0xFFFF  }
0x1ad: {  	p0 =	sne.s32 s0, $0x0;
	s0 =	rddreg [dreg:$0x1]  }
0x1ae: {  	s0 =	sadd.s32 @!p0 $0x100000, s0  }
0x1af: {  	[sflag:s0] =	ssyncadd.tile.s32 @!p0 $0x1;
	_ =	shalt  }
.Lfunc_end2:
_tile_overlayer_lowered:
.L_overlay_start_2:
0x1b0: {  	(tag) =	ssettag $0x2  }
0x1b1: {  	s0 =	rddreg [dreg:$0x0];
	s2 =	stileid.u32  }
0x1b2: {  	s1 =	rddreg [dreg:$0x1];
	p0 =	sne.s32 s2, $0x0  }
0x1b3: {  	s3 =	rddreg [dreg:$0x2];
	[bflag:$0x3] =	sbarrier.arrive $0xFFFF;
	s2 =	simm.s32 @!p0 $0x1C05  }
0x1b4: {  	[timem:s3], [sflag:s2] =	dma.local @!p0 [hbm:s0], s1  }
0x1b5: {  	s0 =	simm.s32 @!p0 $0x5  }
0x1b6: {  	_ =	swait.ge @!p0 [sflag:s0], s1  }
0x1b7: {  	s1 =	ssub.s32 @!p0 $0x0, s1;
	[sflag:s0] =	ssyncset.done @!p0 $0x0  }
0x1b8: {  	[sflag:s0] =	ssyncadd.s32 @!p0 s1  }
0x1b9: {  	[bflag:$0x3] =	sbarrier.arrive $0xFFFF  }
0x1ba: {  	_ =	shalt  }

// kernel: kernel.8.cloned.1.call-start
scs
__scs_entry_jumppad:
0x0: {  	(pc) =	sbr.rel $0x88, $3  }
0x1: {  	(tag) =	ssettag $0x0;
	lr =	simm.s32 $0x1  }
0x2: {  	[smem:$0x3F98] =	sst lr;
	_ =	strace $0xD0000000  }
0x3: {  	_ = 	snop  }
0x4: {  	_ = 	snop  }
0x5: {  	_ = 	snop  }
0x6: {  	_ = 	snop  }
0x7: {  	_ = 	snop  }
__scs_overlays_trampoline_lowered:
0x8: {  	[smem:$0x3FA7] =	sst s0  }
0x9: {  	[smem:$0x3FA8] =	sst s1  }
0xa: {  	[smem:$0x3FA9] =	sst s2  }
0xb: {  	[smem:$0x3FAA] =	sst s3  }
0xc: {  	[smem:$0x3FAB] =	sst s4  }
0xd: {  	[smem:$0x3FAC] =	sst s5  }
0xe: {  	[smem:$0x3FAD] =	sst s6  }
0xf: {  	[smem:$0x3FAE] =	sst s7  }
0x10: {  	[smem:$0x3FAF] =	sst s8  }
0x11: {  	[smem:$0x3FB0] =	sst s9;
	s0 =	simm.s32 @!p0 $0x0  }
0x12: {  	s1 =	sld [smem:$0x3F96];
	s0 =	simm.s32 @p0 $0x1  }
0x13: {  	[smem:$0x3FB1] =	sst s0;
	s0 =	simm.s32 @!p1 $0x0  }
0x14: {  	s2 =	sld [smem:$0x3F95];
	s0 =	simm.s32 @p1 $0x1  }
0x15: {  	[smem:$0x3FB2] =	sst s0;
	s0 =	simm.s32 @!p2 $0x0  }
0x16: {  	s3 =	sld [smem:$0x3FDB];
	s0 =	simm.s32 @p2 $0x1  }
0x17: {  	s4 =	simm.s32 $0x1BF5;
	[smem:$0x3FB4] =	sst s0  }
0x18: {  	s0 =	sld [smem:$0x3F97];
	_ =	swait.ge [sflag:s4], $0x0  }
0x19: {  	s7 =	sld [smem:$0x3F98]  }
0x1a: {  	s8 =	sadd.s32 $0xFFFFE003, lr  }
0x1b: {  	s9 =	sadd.s32 $0xFFFFFEF7, lr;
	s5 =	simm.s32 $0xFFFFFFFF;
	p2 =	slt.u32 s8, $0xFFFFF086  }
0x1c: {  	p1 =	slt.u32 s9, $0xF7A;
	s5 =	simm.s32 @!p2 $0x0  }
0x1d: {  	s5 =	simm.s32 @p1 $0x1;
	p0 =	seq.s32 s7, s2  }
0x1e: {  	s7 =	smul.u32 @!p0 $0xF7A, s2;
	p2 =	seq.s32 @!p0 s5, $0x0  }
0x1f: {  	s9 =	smul.u32 $0xF7A, s1;
	s8 =	simm.s32 @!p0 $0x1BF5;
	p2 =	por !p2, p0  }
0x20: {  	[sflag:s8] =	ssyncset.s32 @!p0 $0xFFFFF086;
	s6 =	sadd.s32 @!p0 s3, s7;
	s7 =	simm.s32 @!p0 $0x108  }
0x21: {  	s3 =	sadd.s32 s3, s9;
	s6 =	sadd.s32 @!p0 $0x88, s6;
	s7 =	simm.s32 @p2 $0x1082  }
0x22: {  	[simem:s7], [sflag:s8] =	dma.local @!p0 [hbm:s6], $0xF7A  }
0x23: {  	s9 =	sor.u32 $0xD0000000, s2;
	s6 =	simm.s32 $0x108;
	_ =	swait.ge @!p0 [sflag:s8], $0x0  }
0x24: {  	s3 =	sadd.s32 $0x88, s3;
	s6 =	simm.s32 @!p1 $0x1082;
	[sflag:s4] =	ssyncset.s32 $0xFFFFF086  }
0x25: {  	[simem:s6], [sflag:s4] =	dma.local [hbm:s3], $0xF7A  }
0x26: {  	[smem:$0x3F98] =	sst s1;
	(tag) =	ssettag s2;
	_ =	strace s9  }
0x27: {  	s1 =	sld [smem:$0x3FA8]  }
0x28: {  	s2 =	sld [smem:$0x3FA9]  }
0x29: {  	s4 =	sld [smem:$0x3FAB]  }
0x2a: {  	p0 =	seq.s32 s5, $0x0;
	s5 =	sld [smem:$0x3FAC]  }
0x2b: {  	s6 =	sld [smem:$0x3FAD]  }
0x2c: {  	s7 =	sld [smem:$0x3FAE]  }
0x2d: {  	s3 =	simm.s32 $0x108;
	s8 =	sld [smem:$0x3FAF]  }
0x2e: {  	s3 =	simm.s32 @!p0 $0x1082;
	s9 =	sld [smem:$0x3FB0]  }
0x2f: {  	lr =	sadd.s32 s0, s3;
	s0 =	sld [smem:$0x3FA7]  }
0x30: {  	s3 =	sld [smem:$0x3FAA]  }
0x31: {  	[smem:$0x3FB3] =	sst s10  }
0x32: {  	s10 =	sld [smem:$0x3FB1];
	_ =	sdelay $0x3  }
0x33: {  	p0 =	seq.s32 s10, $0x1;
	s10 =	sld [smem:$0x3FB3];
	_ =	sdelay $0x3  }
0x34: {  	[smem:$0x3FB3] =	sst s10  }
0x35: {  	s10 =	sld [smem:$0x3FB2];
	_ =	sdelay $0x3  }
0x36: {  	p1 =	seq.s32 s10, $0x1;
	s10 =	sld [smem:$0x3FB3];
	_ =	sdelay $0x3  }
0x37: {  	[smem:$0x3FB3] =	sst s10  }
0x38: {  	s10 =	sld [smem:$0x3FB4]  }
0x39: {  	_ = 	snop;
	(pc) =	sbr.ind lr, $3  }
0x3a: {  	_ = 	snop  }
0x3b: {  	_ = 	snop  }
0x3c: {  	p2 =	seq.s32 s10, $0x1;
	s10 =	sld [smem:$0x3FB3]  }
0x3d: {  	_ =	shalt  }
0x3e: {  	_ =	shalt  }
0x3f: {  	_ =	shalt  }
0x40: {  	_ =	shalt  }
0x41: {  	_ =	shalt  }
0x42: {  	_ =	shalt  }
0x43: {  	_ =	shalt  }
0x44: {  	_ =	shalt  }
0x45: {  	_ =	shalt  }
0x46: {  	_ =	shalt  }
0x47: {  	_ =	shalt  }
0x48: {  	_ =	shalt  }
0x49: {  	_ =	shalt  }
0x4a: {  	_ =	shalt  }
0x4b: {  	_ =	shalt  }
0x4c: {  	_ =	shalt  }
0x4d: {  	_ =	shalt  }
0x4e: {  	_ =	shalt  }
0x4f: {  	_ =	shalt  }
0x50: {  	_ =	shalt  }
0x51: {  	_ =	shalt  }
0x52: {  	_ =	shalt  }
0x53: {  	_ =	shalt  }
0x54: {  	_ =	shalt  }
0x55: {  	_ =	shalt  }
0x56: {  	_ =	shalt  }
0x57: {  	_ =	shalt  }
0x58: {  	_ =	shalt  }
0x59: {  	_ =	shalt  }
0x5a: {  	_ =	shalt  }
0x5b: {  	_ =	shalt  }
0x5c: {  	_ =	shalt  }
0x5d: {  	_ =	shalt  }
0x5e: {  	_ =	shalt  }
0x5f: {  	_ =	shalt  }
0x60: {  	_ =	shalt  }
0x61: {  	_ =	shalt  }
0x62: {  	_ =	shalt  }
0x63: {  	_ =	shalt  }
0x64: {  	_ =	shalt  }
0x65: {  	_ =	shalt  }
0x66: {  	_ =	shalt  }
0x67: {  	_ =	shalt  }
0x68: {  	_ =	shalt  }
0x69: {  	_ =	shalt  }
0x6a: {  	_ =	shalt  }
0x6b: {  	_ =	shalt  }
0x6c: {  	_ =	shalt  }
0x6d: {  	_ =	shalt  }
0x6e: {  	_ =	shalt  }
0x6f: {  	_ =	shalt  }
0x70: {  	_ =	shalt  }
0x71: {  	_ =	shalt  }
0x72: {  	_ =	shalt  }
0x73: {  	_ =	shalt  }
0x74: {  	_ =	shalt  }
0x75: {  	_ =	shalt  }
0x76: {  	_ =	shalt  }
0x77: {  	_ =	shalt  }
0x78: {  	_ =	shalt  }
0x79: {  	_ =	shalt  }
0x7a: {  	_ =	shalt  }
0x7b: {  	_ =	shalt  }
0x7c: {  	_ =	shalt  }
0x7d: {  	_ =	shalt  }
0x7e: {  	_ =	shalt  }
0x7f: {  	_ =	shalt  }
0x80: {  	_ =	shalt  }
0x81: {  	_ =	shalt  }
0x82: {  	_ =	shalt  }
0x83: {  	_ =	shalt  }
0x84: {  	_ =	shalt  }
0x85: {  	_ =	shalt  }
0x86: {  	_ =	shalt  }
0x87: {  	_ =	shalt  }
.Lfunc_end0:
.L_simem_size_0:
called_computation_lowered:
.L_overlay_start_0:
0x88: {  	s2 =	sld [smem:$0x3FD9]  }
0x89: {  	s3 =	sld [smem:$0x3FFE];
	_ =	sdelay $0x1  }
0x8a: {  	s1 =	srdreg.scid  }
0x8b: {  	s0 =	sand.u32 $0x1, s1  }
0x8c: {  	s17 =	sshll.u32 s0, $0xA;
	s2 =	sadd.s32 s3, s2  }
0x8d: {  	s2 =	sadd.s32 s2, s17  }
0x8e: {  	[smem:$0x3FBF] =	sst s2  }
0x8f: {  	_ = 	snop  }
0x90: {  	s2 =	sld [smem:$0x3FC9];
	(tm) =	ssettm $0x1  }
0x91: {  	s18 =	sld [smem:$0x3FFB];
	_ =	sdelay $0x3  }
0x92: {  	_ =	strace s18  }
0x93: {  	s3 =	sld [smem:$0x3FFC];
	_ =	sdelay $0x3  }
0x94: {  	_ =	strace s3  }
0x95: {  	s3 =	sld [smem:$0x3FFD];
	_ =	sdelay $0x3  }
0x96: {  	_ =	strace s3  }
0x97: {  	_ =	strace $0x8FFFFFFF  }
0x98: {  	s19 =	sld [smem:$0x3FDB];
	_ =	sdelay $0x1  }
0x99: {  	s4 =	simm.s32 $_scs_section_size  }
0x9a: {  	s5 =	simm.s32 $_size__tile_overlayer_lowered;
	s6 =	simm.s32 $_tile_overlayer_lowered  }
0x9b: {  	s22 =	simm.s32 $0x1BFF;
	s21 =	sshll.u32 s6, $0x1;
	s3 =	sadd.s32 s4, s19  }
0x9c: {  	s7 =	simm.s32 $0x0;
	s20 =	sshll.u32 s5, $0x1;
	s5 =	sadd.s32 s21, s3  }
0x9d: {  	[timem:s7], [sflag:s22] =	dma.local [hbm:s5], s20  }
0x9e: {  	_ =	swait.ge [sflag:s22], s20  }
0x9f: {  	s4 =	ssub.s32 $0x0, s20;
	[sflag:s22] =	ssyncset.done $0x0  }
0xa0: {  	[sflag:s22] =	ssyncadd.s32 s4;
	_ =	sdelay $0x1  }
0xa1: {  	s23 =	simm.s32 $0x1B8B  }
0xa2: {  	_ =	swait.ge [sflag:s23], $0x1  }
0xa3: {  	[sflag:s23] =	ssyncset.done $0x0  }
0xa4: {  	s25 =	simm.s32 $0x1B8E;
	s24 =	sld [smem:$0x3FFE];
	[sflag:s23] =	ssyncadd.s32 $0xFFFFFFFF  }
0xa5: {  	s26 =	simm.s32 $execute0_lowered;
	[smem:$0x3FD2] =	sst s25  }
0xa6: {  	s5 =	sshll.u32 s26, $0x1;
	_ =	strace $0x80000046;
	[dreg:$0x1] =	wrdreg $0xFFFFFFFF  }
0xa7: {  	s28 =	simm.s32 $_size_execute0_lowered;
	s3 =	sadd.s32 s3, s5;
	[dreg:$0x0] =	wrdreg $0x0  }
0xa8: {  	s5 =	sshll.u32 s28, $0x1;
	[dreg:$0x2] =	wrdreg s3  }
0xa9: {  	[dreg:$0x3] =	wrdreg s5  }
0xaa: {  	[dreg:$0x4] =	wrdreg $0xC0  }
0xab: {  	_ =	task [dreg:s7], $0x5FFFF  }
0xac: {  	[dreg:$0x1] =	wrdreg $0xFFFFFFFF  }
0xad: {  	[dreg:$0x0] =	wrdreg $0x60  }
0xae: {  	[dreg:$0x2] =	wrdreg s2  }
0xaf: {  	[dreg:$0x3] =	wrdreg s24  }
0xb0: {  	[dreg:$0x4] =	wrdreg $0x9  }
0xb1: {  	_ =	task.clear_ibuf [dreg:s7], $0x5FFFF;
	_ =	strace $0x90000046  }
0xb2: {  	s29 =	simm.s32 $0x9;
	_ =	strace $0x80000048  }
0xb3: {  	_ =	swait.ge [sflag:s29], $0x1  }
0xb4: {  	[sflag:s29] =	ssyncadd.s32 $0xFFFFFFFF  }
0xb5: {  	_ =	strace $0x90000048  }
0xb6: {  	_ =	sfence  }
0xb7: {  	s30 =	sld [smem:$0x0];
	_ =	sdelay $0x2  }
0xb8: {  	s31 =	sshll.u32 s1, $0xD;
	s1 =	sshrl.u32 s1, $0x2  }
0xb9: {  	s3 =	sand.u32 $0x4000, s31;
	s1 =	sadd.s32 s1, s30  }
0xba: {  	s0 =	sor.u32 s3, s0;
	s1 =	sshll.u32 s1, $0x11  }
0xbb: {  	s0 =	sor.u32 s1, s0  }
0xbc: {  	s0 =	sadd.s32 $0x8F2B, s0  }
0xbd: {  	[sflag:s0] =	ssyncadd.remote.s32 $0x1  }
0xbe: {  	_ =	sfence.sel $0xFFFF  }
0xbf: {  	[dreg:$0x0] =	wrdreg $0xFFFFFFFF;
	(pc) =	sbr.abs _section_cstart, $3  }
0xc0: {  	[dreg:$0x1] =	wrdreg $0xFFFFFFFF  }
0xc1: {  	_ =	task.clear_ibuf [dreg:s7], $0x2FFFF;
	_ =	strace $0x9FFFFFFF  }
0xc2: {  	(tm) =	ssettm $0x7FFFFFFF  }
0xc3: {  	_ =	shalt  }
tec
execute0_lowered:
.L_overlay_start_1:
0x0: {  	(tag) =	ssettag $0x1  }
0x1: {  	s0 =	rddreg [dreg:$0x0];
	s1 =	srdreg.scid  }
0x2: {  	s2 =	stileid.u32;
	s3 =	rddreg [dreg:$0x1]  }
0x3: {  	s31 =	simm.s32 $0x10000;
	s1 =	sand.u32 $0x1, s1;
	s2 =	sshll.u32 s2, $0x1  }
0x4: {  	s9 =	simm.s32 $0x3;
	s17 =	simm.s32 $0x1;
	s4 =	sor.u32 s1, s2  }
0x5: {  	s2 =	simm.s32 $0x0;
	s5 =	sshll.u32 s4, $0x7;
	s4 =	sshll.u32 s4, $0xF  }
0x6: {  	[smem:$0x7FF] =	sst s2;
	s5 =	sadd.s32 s5, s3;
	s4 =	sand.u32 $0x38000, s4  }
0x7: {  	_ =	strace $0x80000047;
	[dreg:$0xb] =	wrdreg s31;
	s5 =	sadd.s32 $0x1A00, s5  }
0x8: {  	s18 =	simm.s32 $0x2;
	s7 =	sadd.s32 s0, s4;
	[dreg:$0x3] =	wrdreg s5  }
0x9: {  	s6 =	sadd.s32 $0x2C00, s3;
	s0 =	sadd.s32 $0x1000, s7;
	[dreg:$0xc] =	wrdreg s7  }
0xa: {  	s1 =	ssub.s32 $0x2, s1;
	s23 =	sadd.s32 $0x2000, s7;
	[dreg:$0x4] =	wrdreg s0  }
0xb: {  	s25 =	sshrl.u32 s1, $0x1;
	s24 =	sadd.s32 $0x3000, s7;
	[dreg:$0x5] =	wrdreg s23  }
0xc: {  	s1 =	ssub.s32 s1, s25;
	s26 =	sadd.s32 $0x4000, s7;
	[dreg:$0x6] =	wrdreg s24  }
0xd: {  	s4 =	sadd.s32 $0x2A00, s3;
	s28 =	sadd.s32 $0x5000, s7;
	[dreg:$0x7] =	wrdreg s26  }
0xe: {  	v2 =	vlaneseq.u32;
	s8 =	smax.u32 s1, $0x1;
	s29 =	sadd.s32 $0x6000, s7;
	[dreg:$0x8] =	wrdreg s28  }
0xf: {  	vm0 =	vmmov $0xffff;
	v1 =	vshrl.u32 v2, $0x3;
	s5 =	sadd.s32 $0x2B00, s3;
	s30 =	sadd.s32 $0x7000, s7;
	[dreg:$0x9] =	wrdreg s29  }
0x10: {  	v0 =	vand.u32 $0x7, v2;
	v2 =	vor.u32 $0x8, v2;
	v1 =	vmul.u32 $0x8, v1;
	s7 =	sadd.s32 $0x2D00, s3;
	[dreg:$0xa] =	wrdreg s30;
	s26 =	simm.s32 $0x8000  }
.LBB2_1:
0x11: {  	s19 =	rddreg [dreg:$0x3]  }
0x12: {  	s20 =	rddreg [dreg:$0xb]  }
0x13: {  	[tilespmem:s20], [sflag:$0x3] =	stream.linear.gather [hbm4b:s19+s2], $0x400, $0x38;
	[tilespmem:$0x10400] =	vst v63  }
0x14: {  	_ =	swait.ge [sflag:s9], $0x400  }
0x15: {  	[sflag:s9] =	ssyncset.done $0x0  }
0x16: {  	s16 =	rddreg [dreg:$0xc];
	[sflag:s9] =	ssyncadd.s32 $0xFFFFFC00  }
0x17: {  	[tilespmem:s2], [sflag:$0x3] =	stream.linear.gather [hbm4b:s16+s2], $0x8000, $0x38;
	[tilespmem:$0x10400] =	vst v63  }
0x18: {  	_ =	swait.ge [sflag:s9], $0x8000  }
0x19: {  	[sflag:s9] =	ssyncset.done $0x0  }
0x1a: {  	[sflag:s9] =	ssyncadd.s32 $0xFFFF8000  }
0x1b: {  	v3 =	vld [tilespmem:$0x10000];
	_ =	sdelay $0x4  }
0x1c: {  	v4 =	vshll.u32 v3, $0x3  }
0x1d: {  	v3 =	vand.u32 $0x7, v3;
	v4 =	vand.u32 $0xFFFFFFC0, v4  }
0x1e: {  	v3 =	vor.u32 v3, v4  }
0x1f: {  	v4 =	vperm.xlane v3, v0;
	_ =	sdelay $0x1  }
0x20: {  	v4 =	vadd.s32 v1, v4;
	_ =	sdelay $0x4  }
0x21: {  	[hbm4b:s4+s2] =	stream.indirect_vreg.scatter [tilespmem:s2], [sflag:$0x1], $0x80, v4, vm0, $0xb8;
	[tilespmem:$0x10400] =	vst v63  }
0x22: {  	s0 =	simm.s32 $0x800;
	v3 =	vperm.xlane v3, v2  }
0x23: {  	[hbm4b:s5+s2] =	stream.indirect_vreg.scatter [tilespmem:s0], [sflag:$0x1], $0x80, v4, vm0, $0xb8;
	[tilespmem:$0x10400] =	vst v63  }
0x24: {  	s19 =	simm.s32 $0x1000;
	v3 =	vadd.s32 v1, v3  }
0x25: {  	[hbm4b:s6+s2] =	stream.indirect_vreg.scatter [tilespmem:s19], [sflag:$0x1], $0x80, v4, vm0, $0xb8;
	[tilespmem:$0x10400] =	vst v63  }
0x26: {  	s20 =	simm.s32 $0x1800  }
0x27: {  	[hbm4b:s7+s2] =	stream.indirect_vreg.scatter [tilespmem:s20], [sflag:$0x1], $0x80, v4, vm0, $0xb8;
	[tilespmem:$0x10400] =	vst v63  }
0x28: {  	s21 =	simm.s32 $0x2000  }
0x29: {  	[hbm4b:s4+s2] =	stream.indirect_vreg.scatter [tilespmem:s21], [sflag:$0x1], $0x80, v3, vm0, $0xb8;
	[tilespmem:$0x10400] =	vst v63  }
0x2a: {  	s22 =	simm.s32 $0x2800  }
0x2b: {  	[hbm4b:s5+s2] =	stream.indirect_vreg.scatter [tilespmem:s22], [sflag:$0x1], $0x80, v3, vm0, $0xb8;
	[tilespmem:$0x10400] =	vst v63  }
0x2c: {  	s23 =	simm.s32 $0x3000  }
0x2d: {  	[hbm4b:s6+s2] =	stream.indirect_vreg.scatter [tilespmem:s23], [sflag:$0x1], $0x80, v3, vm0, $0xb8;
	[tilespmem:$0x10400] =	vst v63  }
0x2e: {  	s24 =	simm.s32 $0x3800  }
0x2f: {  	[hbm4b:s7+s2] =	stream.indirect_vreg.scatter [tilespmem:s24], [sflag:$0x1], $0x80, v3, vm0, $0xb8;
	[tilespmem:$0x10400] =	vst v63  }
0x30: {  	v3 =	vld [tilespmem:$0x10010];
	_ =	sdelay $0x4  }
0x31: {  	v49 =	vshll.u32 v3, $0x3  }
0x32: {  	v3 =	vand.u32 $0x7, v3;
	v4 =	vand.u32 $0xFFFFFFC0, v49  }
0x33: {  	v3 =	vor.u32 v3, v4  }
0x34: {  	v4 =	vperm.xlane v3, v0;
	_ =	sdelay $0x1  }
0x35: {  	v4 =	vadd.s32 v1, v4;
	_ =	sdelay $0x3  }
0x36: {  	s25 =	simm.s32 $0x4000  }
0x37: {  	[hbm4b:s4+s2] =	stream.indirect_vreg.scatter [tilespmem:s25], [sflag:$0x1], $0x80, v4, vm0, $0xb8;
	[tilespmem:$0x10400] =	vst v63  }
0x38: {  	s28 =	simm.s32 $0x4800;
	v3 =	vperm.xlane v3, v2  }
0x39: {  	[hbm4b:s5+s2] =	stream.indirect_vreg.scatter [tilespmem:s28], [sflag:$0x1], $0x80, v4, vm0, $0xb8;
	[tilespmem:$0x10400] =	vst v63  }
0x3a: {  	s29 =	simm.s32 $0x5000;
	v3 =	vadd.s32 v1, v3  }
0x3b: {  	[hbm4b:s6+s2] =	stream.indirect_vreg.scatter [tilespmem:s29], [sflag:$0x1], $0x80, v4, vm0, $0xb8;
	[tilespmem:$0x10400] =	vst v63  }
0x3c: {  	s30 =	simm.s32 $0x5800  }
0x3d: {  	[hbm4b:s7+s2] =	stream.indirect_vreg.scatter [tilespmem:s30], [sflag:$0x1], $0x80, v4, vm0, $0xb8;
	[tilespmem:$0x10400] =	vst v63  }
0x3e: {  	s31 =	simm.s32 $0x6000  }
0x3f: {  	[hbm4b:s4+s2] =	stream.indirect_vreg.scatter [tilespmem:s31], [sflag:$0x1], $0x80, v3, vm0, $0xb8;
	[tilespmem:$0x10400] =	vst v63  }
0x40: {  	s1 =	simm.s32 $0x6800  }
0x41: {  	[hbm4b:s5+s2] =	stream.indirect_vreg.scatter [tilespmem:s1], [sflag:$0x1], $0x80, v3, vm0, $0xb8;
	[tilespmem:$0x10400] =	vst v63  }
0x42: {  	s11 =	simm.s32 $0x7000  }
0x43: {  	[hbm4b:s6+s2] =	stream.indirect_vreg.scatter [tilespmem:s11], [sflag:$0x1], $0x80, v3, vm0, $0xb8;
	[tilespmem:$0x10400] =	vst v63  }
0x44: {  	s20 =	simm.s32 $0x7800  }
0x45: {  	[hbm4b:s7+s2] =	stream.indirect_vreg.scatter [tilespmem:s20], [sflag:$0x1], $0x80, v3, vm0, $0xb8;
	[tilespmem:$0x10400] =	vst v63  }
0x46: {  	s16 =	rddreg [dreg:$0x4]  }
0x47: {  	[tilespmem:s26], [sflag:$0x3] =	stream.linear.gather [hbm4b:s16+s2], $0x8000, $0x38;
	[tilespmem:$0x10400] =	vst v63  }
0x48: {  	_ =	swait.ge [sflag:s9], $0x8000  }
0x49: {  	[sflag:s9] =	ssyncset.done $0x0  }
0x4a: {  	[sflag:s9] =	ssyncadd.s32 $0xFFFF8000  }
0x4b: {  	v3 =	vld [tilespmem:$0x10080];
	_ =	sdelay $0x4  }
0x4c: {  	v50 =	vshll.u32 v3, $0x3  }
0x4d: {  	v3 =	vand.u32 $0x7, v3;
	v4 =	vand.u32 $0xFFFFFFC0, v50  }
0x4e: {  	v3 =	vor.u32 v3, v4  }
0x4f: {  	v4 =	vperm.xlane v3, v0;
	_ =	sdelay $0x1  }
0x50: {  	v4 =	vadd.s32 v1, v4;
	_ =	sdelay $0x4  }
0x51: {  	[hbm4b:s4+s2] =	stream.indirect_vreg.scatter [tilespmem:s26], [sflag:$0x2], $0x80, v4, vm0, $0xb8;
	[tilespmem:$0x10400] =	vst v63  }
0x52: {  	s21 =	simm.s32 $0x8800;
	v3 =	vperm.xlane v3, v2  }
0x53: {  	[hbm4b:s5+s2] =	stream.indirect_vreg.scatter [tilespmem:s21], [sflag:$0x2], $0x80, v4, vm0, $0xb8;
	[tilespmem:$0x10400] =	vst v63  }
0x54: {  	s22 =	simm.s32 $0x9000;
	v3 =	vadd.s32 v1, v3  }
0x55: {  	[hbm4b:s6+s2] =	stream.indirect_vreg.scatter [tilespmem:s22], [sflag:$0x2], $0x80, v4, vm0, $0xb8;
	[tilespmem:$0x10400] =	vst v63  }
0x56: {  	s23 =	simm.s32 $0x9800  }
0x57: {  	[hbm4b:s7+s2] =	stream.indirect_vreg.scatter [tilespmem:s23], [sflag:$0x2], $0x80, v4, vm0, $0xb8;
	[tilespmem:$0x10400] =	vst v63  }
0x58: {  	s24 =	simm.s32 $0xA000  }
0x59: {  	[hbm4b:s4+s2] =	stream.indirect_vreg.scatter [tilespmem:s24], [sflag:$0x2], $0x80, v3, vm0, $0xb8;
	[tilespmem:$0x10400] =	vst v63  }
0x5a: {  	s25 =	simm.s32 $0xA800  }
0x5b: {  	[hbm4b:s5+s2] =	stream.indirect_vreg.scatter [tilespmem:s25], [sflag:$0x2], $0x80, v3, vm0, $0xb8;
	[tilespmem:$0x10400] =	vst v63  }
0x5c: {  	s28 =	simm.s32 $0xB000  }
0x5d: {  	[hbm4b:s6+s2] =	stream.indirect_vreg.scatter [tilespmem:s28], [sflag:$0x2], $0x80, v3, vm0, $0xb8;
	[tilespmem:$0x10400] =	vst v63  }
0x5e: {  	s30 =	simm.s32 $0xB800  }
0x5f: {  	[hbm4b:s7+s2] =	stream.indirect_vreg.scatter [tilespmem:s30], [sflag:$0x2], $0x80, v3, vm0, $0xb8;
	[tilespmem:$0x10400] =	vst v63  }
0x60: {  	v3 =	vld [tilespmem:$0x10090];
	_ =	sdelay $0x4  }
0x61: {  	v51 =	vshll.u32 v3, $0x3  }
0x62: {  	v3 =	vand.u32 $0x7, v3;
	v4 =	vand.u32 $0xFFFFFFC0, v51  }
0x63: {  	v3 =	vor.u32 v3, v4  }
0x64: {  	v4 =	vperm.xlane v3, v0;
	_ =	sdelay $0x1  }
0x65: {  	v4 =	vadd.s32 v1, v4;
	_ =	sdelay $0x3  }
0x66: {  	s0 =	simm.s32 $0xC000  }
0x67: {  	[hbm4b:s4+s2] =	stream.indirect_vreg.scatter [tilespmem:s0], [sflag:$0x2], $0x80, v4, vm0, $0xb8;
	[tilespmem:$0x10400] =	vst v63  }
0x68: {  	s11 =	simm.s32 $0xC800;
	v3 =	vperm.xlane v3, v2  }
0x69: {  	[hbm4b:s5+s2] =	stream.indirect_vreg.scatter [tilespmem:s11], [sflag:$0x2], $0x80, v4, vm0, $0xb8;
	[tilespmem:$0x10400] =	vst v63  }
0x6a: {  	s16 =	simm.s32 $0xD000;
	v3 =	vadd.s32 v1, v3  }
0x6b: {  	[hbm4b:s6+s2] =	stream.indirect_vreg.scatter [tilespmem:s16], [sflag:$0x2], $0x80, v4, vm0, $0xb8;
	[tilespmem:$0x10400] =	vst v63  }
0x6c: {  	s20 =	simm.s32 $0xD800  }
0x6d: {  	[hbm4b:s7+s2] =	stream.indirect_vreg.scatter [tilespmem:s20], [sflag:$0x2], $0x80, v4, vm0, $0xb8;
	[tilespmem:$0x10400] =	vst v63  }
0x6e: {  	s24 =	simm.s32 $0xE000  }
0x6f: {  	[hbm4b:s4+s2] =	stream.indirect_vreg.scatter [tilespmem:s24], [sflag:$0x2], $0x80, v3, vm0, $0xb8;
	[tilespmem:$0x10400] =	vst v63  }
0x70: {  	s25 =	simm.s32 $0xE800  }
0x71: {  	[hbm4b:s5+s2] =	stream.indirect_vreg.scatter [tilespmem:s25], [sflag:$0x2], $0x80, v3, vm0, $0xb8;
	[tilespmem:$0x10400] =	vst v63  }
0x72: {  	s28 =	simm.s32 $0xF000  }
0x73: {  	[hbm4b:s6+s2] =	stream.indirect_vreg.scatter [tilespmem:s28], [sflag:$0x2], $0x80, v3, vm0, $0xb8;
	[tilespmem:$0x10400] =	vst v63  }
0x74: {  	s30 =	simm.s32 $0xF800  }
0x75: {  	[hbm4b:s7+s2] =	stream.indirect_vreg.scatter [tilespmem:s30], [sflag:$0x2], $0x80, v3, vm0, $0xb8;
	[tilespmem:$0x10400] =	vst v63  }
0x76: {  	_ =	swait.ge [sflag:s17], $0x8000  }
0x77: {  	[sflag:s17] =	ssyncset.done $0x0  }
0x78: {  	s0 =	rddreg [dreg:$0x5];
	[sflag:s17] =	ssyncadd.s32 $0xFFFF8000  }
0x79: {  	[tilespmem:s2], [sflag:$0x3] =	stream.linear.gather [hbm4b:s0+s2], $0x8000, $0x38;
	[tilespmem:$0x10400] =	vst v63  }
0x7a: {  	_ =	swait.ge [sflag:s9], $0x8000  }
0x7b: {  	[sflag:s9] =	ssyncset.done $0x0  }
0x7c: {  	[sflag:s9] =	ssyncadd.s32 $0xFFFF8000  }
0x7d: {  	v3 =	vld [tilespmem:$0x10100];
	_ =	sdelay $0x4  }
0x7e: {  	v52 =	vshll.u32 v3, $0x3  }
0x7f: {  	v3 =	vand.u32 $0x7, v3;
	v4 =	vand.u32 $0xFFFFFFC0, v52  }
0x80: {  	v3 =	vor.u32 v3, v4  }
0x81: {  	v4 =	vperm.xlane v3, v0;
	_ =	sdelay $0x1  }
0x82: {  	v4 =	vadd.s32 v1, v4;
	_ =	sdelay $0x4  }
0x83: {  	[hbm4b:s4+s2] =	stream.indirect_vreg.scatter [tilespmem:s2], [sflag:$0x1], $0x80, v4, vm0, $0xb8;
	[tilespmem:$0x10400] =	vst v63  }
0x84: {  	s10 =	simm.s32 $0x800;
	v3 =	vperm.xlane v3, v2  }
0x85: {  	[hbm4b:s5+s2] =	stream.indirect_vreg.scatter [tilespmem:s10], [sflag:$0x1], $0x80, v4, vm0, $0xb8;
	[tilespmem:$0x10400] =	vst v63  }
0x86: {  	s3 =	simm.s32 $0x1000;
	v3 =	vadd.s32 v1, v3  }
0x87: {  	[hbm4b:s6+s2] =	stream.indirect_vreg.scatter [tilespmem:s3], [sflag:$0x1], $0x80, v4, vm0, $0xb8;
	[tilespmem:$0x10400] =	vst v63  }
0x88: {  	s25 =	simm.s32 $0x1800  }
0x89: {  	[hbm4b:s7+s2] =	stream.indirect_vreg.scatter [tilespmem:s25], [sflag:$0x1], $0x80, v4, vm0, $0xb8;
	[tilespmem:$0x10400] =	vst v63  }
0x8a: {  	s10 =	simm.s32 $0x2000  }
0x8b: {  	[hbm4b:s4+s2] =	stream.indirect_vreg.scatter [tilespmem:s10], [sflag:$0x1], $0x80, v3, vm0, $0xb8;
	[tilespmem:$0x10400] =	vst v63  }
0x8c: {  	s11 =	simm.s32 $0x2800  }
0x8d: {  	[hbm4b:s5+s2] =	stream.indirect_vreg.scatter [tilespmem:s11], [sflag:$0x1], $0x80, v3, vm0, $0xb8;
	[tilespmem:$0x10400] =	vst v63  }
0x8e: {  	s12 =	simm.s32 $0x3000  }
0x8f: {  	[hbm4b:s6+s2] =	stream.indirect_vreg.scatter [tilespmem:s12], [sflag:$0x1], $0x80, v3, vm0, $0xb8;
	[tilespmem:$0x10400] =	vst v63  }
0x90: {  	s14 =	simm.s32 $0x3800  }
0x91: {  	[hbm4b:s7+s2] =	stream.indirect_vreg.scatter [tilespmem:s14], [sflag:$0x1], $0x80, v3, vm0, $0xb8;
	[tilespmem:$0x10400] =	vst v63  }
0x92: {  	v3 =	vld [tilespmem:$0x10110];
	_ =	sdelay $0x4  }
0x93: {  	v53 =	vshll.u32 v3, $0x3  }
0x94: {  	v3 =	vand.u32 $0x7, v3;
	v4 =	vand.u32 $0xFFFFFFC0, v53  }
0x95: {  	v3 =	vor.u32 v3, v4  }
0x96: {  	v4 =	vperm.xlane v3, v0;
	_ =	sdelay $0x1  }
0x97: {  	v4 =	vadd.s32 v1, v4;
	_ =	sdelay $0x3  }
0x98: {  	s15 =	simm.s32 $0x4000  }
0x99: {  	[hbm4b:s4+s2] =	stream.indirect_vreg.scatter [tilespmem:s15], [sflag:$0x1], $0x80, v4, vm0, $0xb8;
	[tilespmem:$0x10400] =	vst v63  }
0x9a: {  	s16 =	simm.s32 $0x4800;
	v3 =	vperm.xlane v3, v2  }
0x9b: {  	[hbm4b:s5+s2] =	stream.indirect_vreg.scatter [tilespmem:s16], [sflag:$0x1], $0x80, v4, vm0, $0xb8;
	[tilespmem:$0x10400] =	vst v63  }
0x9c: {  	s13 =	simm.s32 $0x5000;
	v3 =	vadd.s32 v1, v3  }
0x9d: {  	[hbm4b:s6+s2] =	stream.indirect_vreg.scatter [tilespmem:s13], [sflag:$0x1], $0x80, v4, vm0, $0xb8;
	[tilespmem:$0x10400] =	vst v63  }
0x9e: {  	s12 =	simm.s32 $0x5800  }
0x9f: {  	[hbm4b:s7+s2] =	stream.indirect_vreg.scatter [tilespmem:s12], [sflag:$0x1], $0x80, v4, vm0, $0xb8;
	[tilespmem:$0x10400] =	vst v63  }
0xa0: {  	s13 =	simm.s32 $0x6000  }
0xa1: {  	[hbm4b:s4+s2] =	stream.indirect_vreg.scatter [tilespmem:s13], [sflag:$0x1], $0x80, v3, vm0, $0xb8;
	[tilespmem:$0x10400] =	vst v63  }
0xa2: {  	s14 =	simm.s32 $0x6800  }
0xa3: {  	[hbm4b:s5+s2] =	stream.indirect_vreg.scatter [tilespmem:s14], [sflag:$0x1], $0x80, v3, vm0, $0xb8;
	[tilespmem:$0x10400] =	vst v63  }
0xa4: {  	s15 =	simm.s32 $0x7000  }
0xa5: {  	[hbm4b:s6+s2] =	stream.indirect_vreg.scatter [tilespmem:s15], [sflag:$0x1], $0x80, v3, vm0, $0xb8;
	[tilespmem:$0x10400] =	vst v63  }
0xa6: {  	s20 =	simm.s32 $0x7800  }
0xa7: {  	[hbm4b:s7+s2] =	stream.indirect_vreg.scatter [tilespmem:s20], [sflag:$0x1], $0x80, v3, vm0, $0xb8;
	[tilespmem:$0x10400] =	vst v63  }
0xa8: {  	_ =	swait.ge [sflag:s18], $0x8000  }
0xa9: {  	[sflag:s18] =	ssyncset.done $0x0  }
0xaa: {  	s3 =	rddreg [dreg:$0x6];
	[sflag:s18] =	ssyncadd.s32 $0xFFFF8000  }
0xab: {  	[tilespmem:s26], [sflag:$0x3] =	stream.linear.gather [hbm4b:s3+s2], $0x8000, $0x38;
	[tilespmem:$0x10400] =	vst v63  }
0xac: {  	_ =	swait.ge [sflag:s9], $0x8000  }
0xad: {  	[sflag:s9] =	ssyncset.done $0x0  }
0xae: {  	[sflag:s9] =	ssyncadd.s32 $0xFFFF8000  }
0xaf: {  	v3 =	vld [tilespmem:$0x10180];
	_ =	sdelay $0x4  }
0xb0: {  	v54 =	vshll.u32 v3, $0x3  }
0xb1: {  	v3 =	vand.u32 $0x7, v3;
	v4 =	vand.u32 $0xFFFFFFC0, v54  }
0xb2: {  	v3 =	vor.u32 v3, v4  }
0xb3: {  	v4 =	vperm.xlane v3, v0;
	_ =	sdelay $0x1  }
0xb4: {  	v4 =	vadd.s32 v1, v4;
	_ =	sdelay $0x4  }
0xb5: {  	[hbm4b:s4+s2] =	stream.indirect_vreg.scatter [tilespmem:s26], [sflag:$0x2], $0x80, v4, vm0, $0xb8;
	[tilespmem:$0x10400] =	vst v63  }
0xb6: {  	s1 =	simm.s32 $0x8800;
	v3 =	vperm.xlane v3, v2  }
0xb7: {  	[hbm4b:s5+s2] =	stream.indirect_vreg.scatter [tilespmem:s1], [sflag:$0x2], $0x80, v4, vm0, $0xb8;
	[tilespmem:$0x10400] =	vst v63  }
0xb8: {  	s0 =	simm.s32 $0x9000;
	v3 =	vadd.s32 v1, v3  }
0xb9: {  	[hbm4b:s6+s2] =	stream.indirect_vreg.scatter [tilespmem:s0], [sflag:$0x2], $0x80, v4, vm0, $0xb8;
	[tilespmem:$0x10400] =	vst v63  }
0xba: {  	s1 =	simm.s32 $0x9800  }
0xbb: {  	[hbm4b:s7+s2] =	stream.indirect_vreg.scatter [tilespmem:s1], [sflag:$0x2], $0x80, v4, vm0, $0xb8;
	[tilespmem:$0x10400] =	vst v63  }
0xbc: {  	s3 =	simm.s32 $0xA000  }
0xbd: {  	[hbm4b:s4+s2] =	stream.indirect_vreg.scatter [tilespmem:s3], [sflag:$0x2], $0x80, v3, vm0, $0xb8;
	[tilespmem:$0x10400] =	vst v63  }
0xbe: {  	s29 =	simm.s32 $0xA800  }
0xbf: {  	[hbm4b:s5+s2] =	stream.indirect_vreg.scatter [tilespmem:s29], [sflag:$0x2], $0x80, v3, vm0, $0xb8;
	[tilespmem:$0x10400] =	vst v63  }
0xc0: {  	s31 =	simm.s32 $0xB000  }
0xc1: {  	[hbm4b:s6+s2] =	stream.indirect_vreg.scatter [tilespmem:s31], [sflag:$0x2], $0x80, v3, vm0, $0xb8;
	[tilespmem:$0x10400] =	vst v63  }
0xc2: {  	s21 =	simm.s32 $0xB800  }
0xc3: {  	[hbm4b:s7+s2] =	stream.indirect_vreg.scatter [tilespmem:s21], [sflag:$0x2], $0x80, v3, vm0, $0xb8;
	[tilespmem:$0x10400] =	vst v63  }
0xc4: {  	v3 =	vld [tilespmem:$0x10190];
	_ =	sdelay $0x4  }
0xc5: {  	v55 =	vshll.u32 v3, $0x3  }
0xc6: {  	v3 =	vand.u32 $0x7, v3;
	v4 =	vand.u32 $0xFFFFFFC0, v55  }
0xc7: {  	v3 =	vor.u32 v3, v4  }
0xc8: {  	v4 =	vperm.xlane v3, v0;
	_ =	sdelay $0x1  }
0xc9: {  	v4 =	vadd.s32 v1, v4;
	_ =	sdelay $0x3  }
0xca: {  	s22 =	simm.s32 $0xC000  }
0xcb: {  	[hbm4b:s4+s2] =	stream.indirect_vreg.scatter [tilespmem:s22], [sflag:$0x2], $0x80, v4, vm0, $0xb8;
	[tilespmem:$0x10400] =	vst v63  }
0xcc: {  	s23 =	simm.s32 $0xC800;
	v3 =	vperm.xlane v3, v2  }
0xcd: {  	[hbm4b:s5+s2] =	stream.indirect_vreg.scatter [tilespmem:s23], [sflag:$0x2], $0x80, v4, vm0, $0xb8;
	[tilespmem:$0x10400] =	vst v63  }
0xce: {  	s21 =	simm.s32 $0xD000;
	v3 =	vadd.s32 v1, v3  }
0xcf: {  	[hbm4b:s6+s2] =	stream.indirect_vreg.scatter [tilespmem:s21], [sflag:$0x2], $0x80, v4, vm0, $0xb8;
	[tilespmem:$0x10400] =	vst v63  }
0xd0: {  	s22 =	simm.s32 $0xD800  }
0xd1: {  	[hbm4b:s7+s2] =	stream.indirect_vreg.scatter [tilespmem:s22], [sflag:$0x2], $0x80, v4, vm0, $0xb8;
	[tilespmem:$0x10400] =	vst v63  }
0xd2: {  	s23 =	simm.s32 $0xE000  }
0xd3: {  	[hbm4b:s4+s2] =	stream.indirect_vreg.scatter [tilespmem:s23], [sflag:$0x2], $0x80, v3, vm0, $0xb8;
	[tilespmem:$0x10400] =	vst v63  }
0xd4: {  	s22 =	simm.s32 $0xE800  }
0xd5: {  	[hbm4b:s5+s2] =	stream.indirect_vreg.scatter [tilespmem:s22], [sflag:$0x2], $0x80, v3, vm0, $0xb8;
	[tilespmem:$0x10400] =	vst v63  }
0xd6: {  	s23 =	simm.s32 $0xF000  }
0xd7: {  	[hbm4b:s6+s2] =	stream.indirect_vreg.scatter [tilespmem:s23], [sflag:$0x2], $0x80, v3, vm0, $0xb8;
	[tilespmem:$0x10400] =	vst v63  }
0xd8: {  	s24 =	simm.s32 $0xF800  }
0xd9: {  	[hbm4b:s7+s2] =	stream.indirect_vreg.scatter [tilespmem:s24], [sflag:$0x2], $0x80, v3, vm0, $0xb8;
	[tilespmem:$0x10400] =	vst v63  }
0xda: {  	_ =	swait.ge [sflag:s17], $0x8000  }
0xdb: {  	[sflag:s17] =	ssyncset.done $0x0  }
0xdc: {  	s24 =	rddreg [dreg:$0x7];
	[sflag:s17] =	ssyncadd.s32 $0xFFFF8000  }
0xdd: {  	[tilespmem:s2], [sflag:$0x3] =	stream.linear.gather [hbm4b:s24+s2], $0x8000, $0x38;
	[tilespmem:$0x10400] =	vst v63  }
0xde: {  	_ =	swait.ge [sflag:s9], $0x8000  }
0xdf: {  	[sflag:s9] =	ssyncset.done $0x0  }
0xe0: {  	[sflag:s9] =	ssyncadd.s32 $0xFFFF8000  }
0xe1: {  	v3 =	vld [tilespmem:$0x10200];
	_ =	sdelay $0x4  }
0xe2: {  	v56 =	vshll.u32 v3, $0x3  }
0xe3: {  	v3 =	vand.u32 $0x7, v3;
	v4 =	vand.u32 $0xFFFFFFC0, v56  }
0xe4: {  	v3 =	vor.u32 v3, v4  }
0xe5: {  	v4 =	vperm.xlane v3, v0;
	_ =	sdelay $0x1  }
0xe6: {  	v4 =	vadd.s32 v1, v4;
	_ =	sdelay $0x4  }
0xe7: {  	[hbm4b:s4+s2] =	stream.indirect_vreg.scatter [tilespmem:s2], [sflag:$0x1], $0x80, v4, vm0, $0xb8;
	[tilespmem:$0x10400] =	vst v63  }
0xe8: {  	s23 =	simm.s32 $0x800;
	v3 =	vperm.xlane v3, v2  }
0xe9: {  	[hbm4b:s5+s2] =	stream.indirect_vreg.scatter [tilespmem:s23], [sflag:$0x1], $0x80, v4, vm0, $0xb8;
	[tilespmem:$0x10400] =	vst v63  }
0xea: {  	s24 =	simm.s32 $0x1000;
	v3 =	vadd.s32 v1, v3  }
0xeb: {  	[hbm4b:s6+s2] =	stream.indirect_vreg.scatter [tilespmem:s24], [sflag:$0x1], $0x80, v4, vm0, $0xb8;
	[tilespmem:$0x10400] =	vst v63  }
0xec: {  	_ = 	snop  }
0xed: {  	[hbm4b:s7+s2] =	stream.indirect_vreg.scatter [tilespmem:s25], [sflag:$0x1], $0x80, v4, vm0, $0xb8;
	[tilespmem:$0x10400] =	vst v63  }
0xee: {  	_ = 	snop  }
0xef: {  	[hbm4b:s4+s2] =	stream.indirect_vreg.scatter [tilespmem:s10], [sflag:$0x1], $0x80, v3, vm0, $0xb8;
	[tilespmem:$0x10400] =	vst v63  }
0xf0: {  	_ = 	snop  }
0xf1: {  	[hbm4b:s5+s2] =	stream.indirect_vreg.scatter [tilespmem:s11], [sflag:$0x1], $0x80, v3, vm0, $0xb8;
	[tilespmem:$0x10400] =	vst v63  }
0xf2: {  	s23 =	simm.s32 $0x3000  }
0xf3: {  	[hbm4b:s6+s2] =	stream.indirect_vreg.scatter [tilespmem:s23], [sflag:$0x1], $0x80, v3, vm0, $0xb8;
	[tilespmem:$0x10400] =	vst v63  }
0xf4: {  	s25 =	simm.s32 $0x3800  }
0xf5: {  	[hbm4b:s7+s2] =	stream.indirect_vreg.scatter [tilespmem:s25], [sflag:$0x1], $0x80, v3, vm0, $0xb8;
	[tilespmem:$0x10400] =	vst v63  }
0xf6: {  	v3 =	vld [tilespmem:$0x10210];
	_ =	sdelay $0x4  }
0xf7: {  	v57 =	vshll.u32 v3, $0x3  }
0xf8: {  	v3 =	vand.u32 $0x7, v3;
	v4 =	vand.u32 $0xFFFFFFC0, v57  }
0xf9: {  	v3 =	vor.u32 v3, v4  }
0xfa: {  	v4 =	vperm.xlane v3, v0;
	_ =	sdelay $0x1  }
0xfb: {  	v4 =	vadd.s32 v1, v4;
	_ =	sdelay $0x3  }
0xfc: {  	s23 =	simm.s32 $0x4000  }
0xfd: {  	[hbm4b:s4+s2] =	stream.indirect_vreg.scatter [tilespmem:s23], [sflag:$0x1], $0x80, v4, vm0, $0xb8;
	[tilespmem:$0x10400] =	vst v63  }
0xfe: {  	v3 =	vperm.xlane v3, v2  }
0xff: {  	[hbm4b:s5+s2] =	stream.indirect_vreg.scatter [tilespmem:s16], [sflag:$0x1], $0x80, v4, vm0, $0xb8;
	[tilespmem:$0x10400] =	vst v63  }
0x100: {  	s25 =	simm.s32 $0x5000;
	v3 =	vadd.s32 v1, v3  }
0x101: {  	[hbm4b:s6+s2] =	stream.indirect_vreg.scatter [tilespmem:s25], [sflag:$0x1], $0x80, v4, vm0, $0xb8;
	[tilespmem:$0x10400] =	vst v63  }
0x102: {  	_ = 	snop  }
0x103: {  	[hbm4b:s7+s2] =	stream.indirect_vreg.scatter [tilespmem:s12], [sflag:$0x1], $0x80, v4, vm0, $0xb8;
	[tilespmem:$0x10400] =	vst v63  }
0x104: {  	_ = 	snop  }
0x105: {  	[hbm4b:s4+s2] =	stream.indirect_vreg.scatter [tilespmem:s13], [sflag:$0x1], $0x80, v3, vm0, $0xb8;
	[tilespmem:$0x10400] =	vst v63  }
0x106: {  	_ = 	snop  }
0x107: {  	[hbm4b:s5+s2] =	stream.indirect_vreg.scatter [tilespmem:s14], [sflag:$0x1], $0x80, v3, vm0, $0xb8;
	[tilespmem:$0x10400] =	vst v63  }
0x108: {  	_ = 	snop  }
0x109: {  	[hbm4b:s6+s2] =	stream.indirect_vreg.scatter [tilespmem:s15], [sflag:$0x1], $0x80, v3, vm0, $0xb8;
	[tilespmem:$0x10400] =	vst v63  }
0x10a: {  	_ = 	snop  }
0x10b: {  	[hbm4b:s7+s2] =	stream.indirect_vreg.scatter [tilespmem:s20], [sflag:$0x1], $0x80, v3, vm0, $0xb8;
	[tilespmem:$0x10400] =	vst v63  }
0x10c: {  	_ =	swait.ge [sflag:s18], $0x8000  }
0x10d: {  	[sflag:s18] =	ssyncset.done $0x0  }
0x10e: {  	s23 =	rddreg [dreg:$0x8];
	[sflag:s18] =	ssyncadd.s32 $0xFFFF8000  }
0x10f: {  	[tilespmem:s26], [sflag:$0x3] =	stream.linear.gather [hbm4b:s23+s2], $0x8000, $0x38;
	[tilespmem:$0x10400] =	vst v63  }
0x110: {  	_ =	swait.ge [sflag:s9], $0x8000  }
0x111: {  	[sflag:s9] =	ssyncset.done $0x0  }
0x112: {  	[sflag:s9] =	ssyncadd.s32 $0xFFFF8000  }
0x113: {  	v3 =	vld [tilespmem:$0x10280];
	_ =	sdelay $0x4  }
0x114: {  	v58 =	vshll.u32 v3, $0x3  }
0x115: {  	v3 =	vand.u32 $0x7, v3;
	v4 =	vand.u32 $0xFFFFFFC0, v58  }
0x116: {  	v3 =	vor.u32 v3, v4  }
0x117: {  	v4 =	vperm.xlane v3, v0;
	_ =	sdelay $0x1  }
0x118: {  	v4 =	vadd.s32 v1, v4;
	_ =	sdelay $0x4  }
0x119: {  	[hbm4b:s4+s2] =	stream.indirect_vreg.scatter [tilespmem:s26], [sflag:$0x2], $0x80, v4, vm0, $0xb8;
	[tilespmem:$0x10400] =	vst v63  }
0x11a: {  	s30 =	simm.s32 $0x8800;
	v3 =	vperm.xlane v3, v2  }
0x11b: {  	[hbm4b:s5+s2] =	stream.indirect_vreg.scatter [tilespmem:s30], [sflag:$0x2], $0x80, v4, vm0, $0xb8;
	[tilespmem:$0x10400] =	vst v63  }
0x11c: {  	v3 =	vadd.s32 v1, v3  }
0x11d: {  	[hbm4b:s6+s2] =	stream.indirect_vreg.scatter [tilespmem:s0], [sflag:$0x2], $0x80, v4, vm0, $0xb8;
	[tilespmem:$0x10400] =	vst v63  }
0x11e: {  	_ = 	snop  }
0x11f: {  	[hbm4b:s7+s2] =	stream.indirect_vreg.scatter [tilespmem:s1], [sflag:$0x2], $0x80, v4, vm0, $0xb8;
	[tilespmem:$0x10400] =	vst v63  }
0x120: {  	_ = 	snop  }
0x121: {  	[hbm4b:s4+s2] =	stream.indirect_vreg.scatter [tilespmem:s3], [sflag:$0x2], $0x80, v3, vm0, $0xb8;
	[tilespmem:$0x10400] =	vst v63  }
0x122: {  	s28 =	simm.s32 $0xA800  }
0x123: {  	[hbm4b:s5+s2] =	stream.indirect_vreg.scatter [tilespmem:s28], [sflag:$0x2], $0x80, v3, vm0, $0xb8;
	[tilespmem:$0x10400] =	vst v63  }
0x124: {  	s29 =	simm.s32 $0xB000  }
0x125: {  	[hbm4b:s6+s2] =	stream.indirect_vreg.scatter [tilespmem:s29], [sflag:$0x2], $0x80, v3, vm0, $0xb8;
	[tilespmem:$0x10400] =	vst v63  }
0x126: {  	s29 =	simm.s32 $0xB800  }
0x127: {  	[hbm4b:s7+s2] =	stream.indirect_vreg.scatter [tilespmem:s29], [sflag:$0x2], $0x80, v3, vm0, $0xb8;
	[tilespmem:$0x10400] =	vst v63  }
0x128: {  	v3 =	vld [tilespmem:$0x10290];
	_ =	sdelay $0x4  }
0x129: {  	v59 =	vshll.u32 v3, $0x3  }
0x12a: {  	v3 =	vand.u32 $0x7, v3;
	v4 =	vand.u32 $0xFFFFFFC0, v59  }
0x12b: {  	v3 =	vor.u32 v3, v4  }
0x12c: {  	v4 =	vperm.xlane v3, v0;
	_ =	sdelay $0x1  }
0x12d: {  	v4 =	vadd.s32 v1, v4;
	_ =	sdelay $0x3  }
0x12e: {  	s28 =	simm.s32 $0xC000  }
0x12f: {  	[hbm4b:s4+s2] =	stream.indirect_vreg.scatter [tilespmem:s28], [sflag:$0x2], $0x80, v4, vm0, $0xb8;
	[tilespmem:$0x10400] =	vst v63  }
0x130: {  	s29 =	simm.s32 $0xC800;
	v3 =	vperm.xlane v3, v2  }
0x131: {  	[hbm4b:s5+s2] =	stream.indirect_vreg.scatter [tilespmem:s29], [sflag:$0x2], $0x80, v4, vm0, $0xb8;
	[tilespmem:$0x10400] =	vst v63  }
0x132: {  	s21 =	simm.s32 $0xD000;
	v3 =	vadd.s32 v1, v3  }
0x133: {  	[hbm4b:s6+s2] =	stream.indirect_vreg.scatter [tilespmem:s21], [sflag:$0x2], $0x80, v4, vm0, $0xb8;
	[tilespmem:$0x10400] =	vst v63  }
0x134: {  	s31 =	simm.s32 $0xD800  }
0x135: {  	[hbm4b:s7+s2] =	stream.indirect_vreg.scatter [tilespmem:s31], [sflag:$0x2], $0x80, v4, vm0, $0xb8;
	[tilespmem:$0x10400] =	vst v63  }
0x136: {  	s31 =	simm.s32 $0xE000  }
0x137: {  	[hbm4b:s4+s2] =	stream.indirect_vreg.scatter [tilespmem:s31], [sflag:$0x2], $0x80, v3, vm0, $0xb8;
	[tilespmem:$0x10400] =	vst v63  }
0x138: {  	s21 =	simm.s32 $0xE800  }
0x139: {  	[hbm4b:s5+s2] =	stream.indirect_vreg.scatter [tilespmem:s21], [sflag:$0x2], $0x80, v3, vm0, $0xb8;
	[tilespmem:$0x10400] =	vst v63  }
0x13a: {  	s22 =	simm.s32 $0xF000  }
0x13b: {  	[hbm4b:s6+s2] =	stream.indirect_vreg.scatter [tilespmem:s22], [sflag:$0x2], $0x80, v3, vm0, $0xb8;
	[tilespmem:$0x10400] =	vst v63  }
0x13c: {  	s22 =	simm.s32 $0xF800  }
0x13d: {  	[hbm4b:s7+s2] =	stream.indirect_vreg.scatter [tilespmem:s22], [sflag:$0x2], $0x80, v3, vm0, $0xb8;
	[tilespmem:$0x10400] =	vst v63  }
0x13e: {  	_ =	swait.ge [sflag:s17], $0x8000  }
0x13f: {  	[sflag:s17] =	ssyncset.done $0x0  }
0x140: {  	s19 =	rddreg [dreg:$0x9];
	[sflag:s17] =	ssyncadd.s32 $0xFFFF8000  }
0x141: {  	[tilespmem:s2], [sflag:$0x3] =	stream.linear.gather [hbm4b:s19+s2], $0x8000, $0x38;
	[tilespmem:$0x10400] =	vst v63  }
0x142: {  	_ =	swait.ge [sflag:s9], $0x8000  }
0x143: {  	[sflag:s9] =	ssyncset.done $0x0  }
0x144: {  	[sflag:s9] =	ssyncadd.s32 $0xFFFF8000  }
0x145: {  	v3 =	vld [tilespmem:$0x10300];
	_ =	sdelay $0x4  }
0x146: {  	v60 =	vshll.u32 v3, $0x3  }
0x147: {  	v3 =	vand.u32 $0x7, v3;
	v4 =	vand.u32 $0xFFFFFFC0, v60  }
0x148: {  	v3 =	vor.u32 v3, v4  }
0x149: {  	v4 =	vperm.xlane v3, v0;
	_ =	sdelay $0x1  }
0x14a: {  	v4 =	vadd.s32 v1, v4;
	_ =	sdelay $0x4  }
0x14b: {  	[hbm4b:s4+s2] =	stream.indirect_vreg.scatter [tilespmem:s2], [sflag:$0x1], $0x80, v4, vm0, $0xb8;
	[tilespmem:$0x10400] =	vst v63  }
0x14c: {  	s19 =	simm.s32 $0x800;
	v3 =	vperm.xlane v3, v2  }
0x14d: {  	[hbm4b:s5+s2] =	stream.indirect_vreg.scatter [tilespmem:s19], [sflag:$0x1], $0x80, v4, vm0, $0xb8;
	[tilespmem:$0x10400] =	vst v63  }
0x14e: {  	v3 =	vadd.s32 v1, v3;
	s19 =	simm.s32 $0x1000  }
0x14f: {  	[hbm4b:s6+s2] =	stream.indirect_vreg.scatter [tilespmem:s19], [sflag:$0x1], $0x80, v4, vm0, $0xb8;
	[tilespmem:$0x10400] =	vst v63  }
0x150: {  	s24 =	simm.s32 $0x1800  }
0x151: {  	[hbm4b:s7+s2] =	stream.indirect_vreg.scatter [tilespmem:s24], [sflag:$0x1], $0x80, v4, vm0, $0xb8;
	[tilespmem:$0x10400] =	vst v63  }
0x152: {  	s10 =	simm.s32 $0x2000  }
0x153: {  	[hbm4b:s4+s2] =	stream.indirect_vreg.scatter [tilespmem:s10], [sflag:$0x1], $0x80, v3, vm0, $0xb8;
	[tilespmem:$0x10400] =	vst v63  }
0x154: {  	s11 =	simm.s32 $0x2800  }
0x155: {  	[hbm4b:s5+s2] =	stream.indirect_vreg.scatter [tilespmem:s11], [sflag:$0x1], $0x80, v3, vm0, $0xb8;
	[tilespmem:$0x10400] =	vst v63  }
0x156: {  	s19 =	simm.s32 $0x3000  }
0x157: {  	[hbm4b:s6+s2] =	stream.indirect_vreg.scatter [tilespmem:s19], [sflag:$0x1], $0x80, v3, vm0, $0xb8;
	[tilespmem:$0x10400] =	vst v63  }
0x158: {  	s24 =	simm.s32 $0x3800  }
0x159: {  	[hbm4b:s7+s2] =	stream.indirect_vreg.scatter [tilespmem:s24], [sflag:$0x1], $0x80, v3, vm0, $0xb8;
	[tilespmem:$0x10400] =	vst v63  }
0x15a: {  	v3 =	vld [tilespmem:$0x10310];
	_ =	sdelay $0x4  }
0x15b: {  	v61 =	vshll.u32 v3, $0x3  }
0x15c: {  	v3 =	vand.u32 $0x7, v3;
	v4 =	vand.u32 $0xFFFFFFC0, v61  }
0x15d: {  	v3 =	vor.u32 v3, v4  }
0x15e: {  	v4 =	vperm.xlane v3, v0;
	_ =	sdelay $0x1  }
0x15f: {  	v4 =	vadd.s32 v1, v4;
	_ =	sdelay $0x3  }
0x160: {  	s11 =	simm.s32 $0x4000  }
0x161: {  	[hbm4b:s4+s2] =	stream.indirect_vreg.scatter [tilespmem:s11], [sflag:$0x1], $0x80, v4, vm0, $0xb8;
	[tilespmem:$0x10400] =	vst v63  }
0x162: {  	s16 =	simm.s32 $0x4800;
	v3 =	vperm.xlane v3, v2  }
0x163: {  	[hbm4b:s5+s2] =	stream.indirect_vreg.scatter [tilespmem:s16], [sflag:$0x1], $0x80, v4, vm0, $0xb8;
	[tilespmem:$0x10400] =	vst v63  }
0x164: {  	s25 =	simm.s32 $0x5000;
	v3 =	vadd.s32 v1, v3  }
0x165: {  	[hbm4b:s6+s2] =	stream.indirect_vreg.scatter [tilespmem:s25], [sflag:$0x1], $0x80, v4, vm0, $0xb8;
	[tilespmem:$0x10400] =	vst v63  }
0x166: {  	s12 =	simm.s32 $0x5800  }
0x167: {  	[hbm4b:s7+s2] =	stream.indirect_vreg.scatter [tilespmem:s12], [sflag:$0x1], $0x80, v4, vm0, $0xb8;
	[tilespmem:$0x10400] =	vst v63  }
0x168: {  	s13 =	simm.s32 $0x6000  }
0x169: {  	[hbm4b:s4+s2] =	stream.indirect_vreg.scatter [tilespmem:s13], [sflag:$0x1], $0x80, v3, vm0, $0xb8;
	[tilespmem:$0x10400] =	vst v63  }
0x16a: {  	s14 =	simm.s32 $0x6800  }
0x16b: {  	[hbm4b:s5+s2] =	stream.indirect_vreg.scatter [tilespmem:s14], [sflag:$0x1], $0x80, v3, vm0, $0xb8;
	[tilespmem:$0x10400] =	vst v63  }
0x16c: {  	s15 =	simm.s32 $0x7000  }
0x16d: {  	[hbm4b:s6+s2] =	stream.indirect_vreg.scatter [tilespmem:s15], [sflag:$0x1], $0x80, v3, vm0, $0xb8;
	[tilespmem:$0x10400] =	vst v63  }
0x16e: {  	s20 =	simm.s32 $0x7800  }
0x16f: {  	[hbm4b:s7+s2] =	stream.indirect_vreg.scatter [tilespmem:s20], [sflag:$0x1], $0x80, v3, vm0, $0xb8;
	[tilespmem:$0x10400] =	vst v63  }
0x170: {  	_ =	swait.ge [sflag:s18], $0x8000  }
0x171: {  	[sflag:s18] =	ssyncset.done $0x0  }
0x172: {  	s16 =	rddreg [dreg:$0xa];
	[sflag:s18] =	ssyncadd.s32 $0xFFFF8000  }
0x173: {  	[tilespmem:s26], [sflag:$0x3] =	stream.linear.gather [hbm4b:s16+s2], $0x8000, $0x38;
	[tilespmem:$0x10400] =	vst v63  }
0x174: {  	_ =	swait.ge [sflag:s9], $0x8000  }
0x175: {  	[sflag:s9] =	ssyncset.done $0x0  }
0x176: {  	[sflag:s9] =	ssyncadd.s32 $0xFFFF8000  }
0x177: {  	v3 =	vld [tilespmem:$0x10380];
	_ =	sdelay $0x4  }
0x178: {  	v62 =	vshll.u32 v3, $0x3  }
0x179: {  	v3 =	vand.u32 $0x7, v3;
	v4 =	vand.u32 $0xFFFFFFC0, v62  }
0x17a: {  	v3 =	vor.u32 v3, v4  }
0x17b: {  	v4 =	vperm.xlane v3, v0;
	_ =	sdelay $0x1  }
0x17c: {  	v4 =	vadd.s32 v1, v4;
	_ =	sdelay $0x4  }
0x17d: {  	[hbm4b:s4+s2] =	stream.indirect_vreg.scatter [tilespmem:s26], [sflag:$0x2], $0x80, v4, vm0, $0xb8;
	[tilespmem:$0x10400] =	vst v63  }
0x17e: {  	s20 =	simm.s32 $0x8800;
	v3 =	vperm.xlane v3, v2  }
0x17f: {  	[hbm4b:s5+s2] =	stream.indirect_vreg.scatter [tilespmem:s20], [sflag:$0x2], $0x80, v4, vm0, $0xb8;
	[tilespmem:$0x10400] =	vst v63  }
0x180: {  	s0 =	simm.s32 $0x9000;
	v3 =	vadd.s32 v1, v3  }
0x181: {  	[hbm4b:s6+s2] =	stream.indirect_vreg.scatter [tilespmem:s0], [sflag:$0x2], $0x80, v4, vm0, $0xb8;
	[tilespmem:$0x10400] =	vst v63  }
0x182: {  	s1 =	simm.s32 $0x9800  }
0x183: {  	[hbm4b:s7+s2] =	stream.indirect_vreg.scatter [tilespmem:s1], [sflag:$0x2], $0x80, v4, vm0, $0xb8;
	[tilespmem:$0x10400] =	vst v63  }
0x184: {  	s3 =	simm.s32 $0xA000  }
0x185: {  	[hbm4b:s4+s2] =	stream.indirect_vreg.scatter [tilespmem:s3], [sflag:$0x2], $0x80, v3, vm0, $0xb8;
	[tilespmem:$0x10400] =	vst v63  }
0x186: {  	s23 =	simm.s32 $0xA800  }
0x187: {  	[hbm4b:s5+s2] =	stream.indirect_vreg.scatter [tilespmem:s23], [sflag:$0x2], $0x80, v3, vm0, $0xb8;
	[tilespmem:$0x10400] =	vst v63  }
0x188: {  	s30 =	simm.s32 $0xB000  }
0x189: {  	[hbm4b:s6+s2] =	stream.indirect_vreg.scatter [tilespmem:s30], [sflag:$0x2], $0x80, v3, vm0, $0xb8;
	[tilespmem:$0x10400] =	vst v63  }
0x18a: {  	s24 =	simm.s32 $0xB800  }
0x18b: {  	[hbm4b:s7+s2] =	stream.indirect_vreg.scatter [tilespmem:s24], [sflag:$0x2], $0x80, v3, vm0, $0xb8;
	[tilespmem:$0x10400] =	vst v63  }
0x18c: {  	v3 =	vld [tilespmem:$0x10390];
	_ =	sdelay $0x4  }
0x18d: {  	v63 =	vshll.u32 v3, $0x3  }
0x18e: {  	v3 =	vand.u32 $0x7, v3;
	v4 =	vand.u32 $0xFFFFFFC0, v63  }
0x18f: {  	v3 =	vor.u32 v3, v4  }
0x190: {  	v4 =	vperm.xlane v3, v0;
	_ =	sdelay $0x1  }
0x191: {  	v4 =	vadd.s32 v1, v4;
	_ =	sdelay $0x3  }
0x192: {  	s25 =	simm.s32 $0xC000  }
0x193: {  	[hbm4b:s4+s2] =	stream.indirect_vreg.scatter [tilespmem:s25], [sflag:$0x2], $0x80, v4, vm0, $0xb8;
	[tilespmem:$0x10400] =	vst v63  }
0x194: {  	s30 =	simm.s32 $0xC800;
	v3 =	vperm.xlane v3, v2  }
0x195: {  	[hbm4b:s5+s2] =	stream.indirect_vreg.scatter [tilespmem:s30], [sflag:$0x2], $0x80, v4, vm0, $0xb8;
	[tilespmem:$0x10400] =	vst v63  }
0x196: {  	s29 =	simm.s32 $0xD000;
	v3 =	vadd.s32 v1, v3  }
0x197: {  	[hbm4b:s6+s2] =	stream.indirect_vreg.scatter [tilespmem:s29], [sflag:$0x2], $0x80, v4, vm0, $0xb8;
	[tilespmem:$0x10400] =	vst v63  }
0x198: {  	s28 =	simm.s32 $0xD800  }
0x199: {  	[hbm4b:s7+s2] =	stream.indirect_vreg.scatter [tilespmem:s28], [sflag:$0x2], $0x80, v4, vm0, $0xb8;
	[tilespmem:$0x10400] =	vst v63  }
0x19a: {  	s31 =	simm.s32 $0xE000  }
0x19b: {  	[hbm4b:s4+s2] =	stream.indirect_vreg.scatter [tilespmem:s31], [sflag:$0x2], $0x80, v3, vm0, $0xb8;
	[tilespmem:$0x10400] =	vst v63  }
0x19c: {  	s31 =	simm.s32 $0xE800  }
0x19d: {  	[hbm4b:s5+s2] =	stream.indirect_vreg.scatter [tilespmem:s31], [sflag:$0x2], $0x80, v3, vm0, $0xb8;
	[tilespmem:$0x10400] =	vst v63  }
0x19e: {  	s21 =	simm.s32 $0xF000  }
0x19f: {  	[hbm4b:s6+s2] =	stream.indirect_vreg.scatter [tilespmem:s21], [sflag:$0x2], $0x80, v3, vm0, $0xb8;
	[tilespmem:$0x10400] =	vst v63  }
0x1a0: {  	s22 =	simm.s32 $0xF800  }
0x1a1: {  	[hbm4b:s7+s2] =	stream.indirect_vreg.scatter [tilespmem:s22], [sflag:$0x2], $0x80, v3, vm0, $0xb8;
	[tilespmem:$0x10400] =	vst v63  }
0x1a2: {  	p0 =	sne.s32 s8, $0x1;
	_ =	swait.ge [sflag:s17], $0x8000  }
.Ltmp0:
0x1a3: {  	[sflag:s17] =	ssyncset.done $0x0;
	(pc) =	sbr.rel @p0 .LBB2_1-.Ltmp0, $4  }
0x1a4: {  	[sflag:s17] =	ssyncadd.s32 $0xFFFF8000  }
0x1a5: {  	_ =	swait.ge [sflag:s18], $0x8000  }
0x1a6: {  	[sflag:s18] =	ssyncset.done $0x0  }
0x1a7: {  	s8 =	sadd.s32 $0xFFFFFFFF, s8;
	[sflag:s18] =	ssyncadd.s32 $0xFFFF8000  }
0x1a8: {  	_ =	sfence.sel $0x180000  }
0x1a9: {  	[bflag:$0x0] =	sbarrier.arrive $0xFFFF  }
0x1aa: {  	_ =	strace $0x90000047  }
0x1ab: {  	s0 =	stileid.u32;
	[bflag:$0x2] =	sbarrier.arrive $0xFFFF  }
0x1ac: {  	p0 =	sne.s32 s0, $0x0;
	s0 =	rddreg [dreg:$0x2]  }
0x1ad: {  	s0 =	sadd.s32 @!p0 $0x100000, s0  }
0x1ae: {  	[sflag:s0] =	ssyncadd.tile.s32 @!p0 $0x1;
	_ =	shalt  }
.Lfunc_end2:
_tile_overlayer_lowered:
.L_overlay_start_2:
0x1af: {  	(tag) =	ssettag $0x2  }
0x1b0: {  	s0 =	rddreg [dreg:$0x0];
	s2 =	stileid.u32  }
0x1b1: {  	s1 =	rddreg [dreg:$0x1];
	p0 =	sne.s32 s2, $0x0  }
0x1b2: {  	s3 =	rddreg [dreg:$0x2];
	[bflag:$0x3] =	sbarrier.arrive $0xFFFF;
	s2 =	simm.s32 @!p0 $0x1C03  }
0x1b3: {  	[timem:s3], [sflag:s2] =	dma.local @!p0 [hbm:s0], s1  }
0x1b4: {  	s0 =	simm.s32 @!p0 $0x3  }
0x1b5: {  	_ =	swait.ge @!p0 [sflag:s0], s1  }
0x1b6: {  	s1 =	ssub.s32 @!p0 $0x0, s1;
	[sflag:s0] =	ssyncset.done @!p0 $0x0  }
0x1b7: {  	[sflag:s0] =	ssyncadd.s32 @!p0 s1  }
0x1b8: {  	[bflag:$0x3] =	sbarrier.arrive $0xFFFF  }
0x1b9: {  	_ =	shalt  }

</sc_bundles>
